<compile_context>
chip_gen: v7x
topology: tpu7x:2x2x1
jax: 0.10.2.dev20260603
libtpu: 0.0.44.dev20260713+nightly
codegen_flags: <defaults>
</compile_context>

<pallas_src>
import functools

import jax
import jax.numpy as jnp
from jax import lax
from jax.experimental import pallas as pl
from jax.experimental.pallas import tpu as pltpu
from jax.experimental.pallas import tpu_sc as plsc

N = 10000
E = 320000
D = 128

NP = 10240
TRASH = N
L = 128
CH_AGG = 80
CH_HIST = 160
EPAD = 32 * CH_AGG * L
ROWS_PER_TILE = NP // 16


def _mesh():
    return plsc.VectorSubcoreMesh(core_axis_name="c", subcore_axis_name="s")


def _sc_hist_body(srcdst, zeros1, ones1, out, idx_v, zb, ones_v, acc, sem):
    c = lax.axis_index("c")
    s = lax.axis_index("s")
    base = s * ROWS_PER_TILE

    pltpu.sync_copy(zeros1, zb)
    pltpu.sync_copy(zb, acc.at[pl.ds(base, ROWS_PER_TILE)])
    pltpu.sync_copy(ones1.at[pl.ds(0, L)], ones_v)
    pltpu.sync_copy(srcdst.at[c, pl.ds(s * CH_HIST, CH_HIST)], idx_v)
    plsc.subcore_barrier()

    K = 8

    def body(g, _):
        for k in range(K):
            pltpu.make_async_copy(
                ones_v, acc.at[idx_v.at[g * K + k]], sem).start(add=True)
        for k in range(K):
            pltpu.make_async_copy(ones_v, acc.at[idx_v.at[0]], sem).wait()
        return ()

    lax.fori_loop(0, CH_HIST // K, body, ())
    plsc.subcore_barrier()

    pltpu.sync_copy(acc.at[pl.ds(base, ROWS_PER_TILE)], zb)
    pltpu.sync_copy(zb, out.at[c, pl.ds(base, ROWS_PER_TILE)])


def _sc_hist(srcdst, zeros1, ones1):
    return pl.kernel(
        _sc_hist_body,
        out_type=jax.ShapeDtypeStruct((2, NP), jnp.float32),
        mesh=_mesh(),
        scratch_types=[
            pltpu.VMEM((CH_HIST, L), jnp.int32),
            pltpu.VMEM((ROWS_PER_TILE,), jnp.float32),
            pltpu.VMEM((L,), jnp.float32),
            pltpu.VMEM_SHARED((NP,), jnp.float32),
            pltpu.SemaphoreType.DMA,
        ],
    )(srcdst, zeros1, ones1)


HALF = CH_AGG // 2


def _sc_agg_body(table, e3d, zeros128, out, ibuf, rowsA, rowsB, acc,
                 semA, semB):
    c = lax.axis_index("c")
    s = lax.axis_index("s")
    b = (c * 16 + s) * CH_AGG
    base = s * ROWS_PER_TILE

    pltpu.sync_copy(zeros128, rowsA)
    for j in range(ROWS_PER_TILE // L):
        pltpu.make_async_copy(
            rowsA, acc.at[pl.ds(base + j * L, L)], semA).start()
    for j in range(ROWS_PER_TILE // L):
        pltpu.make_async_copy(
            rowsA, acc.at[pl.ds(base + j * L, L)], semA).wait()
    plsc.subcore_barrier()

    def run_half(h):
        pltpu.sync_copy(e3d.at[pl.ds(b + h * HALF, HALF)], ibuf)
        pltpu.async_copy(table.at[ibuf.at[0, 0]], rowsA, semA)
        pltpu.async_copy(table.at[ibuf.at[1, 0]], rowsB, semB)

        def phase(j, rows, sem):
            pltpu.make_async_copy(table.at[ibuf.at[0, 0]], rows, sem).wait()
            pltpu.sync_copy(rows, acc.at[ibuf.at[j, 1]], add=True)
            pltpu.async_copy(table.at[ibuf.at[j + 2, 0]], rows, sem)

        def body(p, _):
            phase(2 * p, rowsA, semA)
            phase(2 * p + 1, rowsB, semB)
            return ()

        lax.fori_loop(0, HALF // 2 - 1, body, ())
        pltpu.make_async_copy(table.at[ibuf.at[0, 0]], rowsA, semA).wait()
        pltpu.sync_copy(rowsA, acc.at[ibuf.at[HALF - 2, 1]], add=True)
        pltpu.make_async_copy(table.at[ibuf.at[0, 0]], rowsB, semB).wait()
        pltpu.sync_copy(rowsB, acc.at[ibuf.at[HALF - 1, 1]], add=True)

    run_half(0)
    run_half(1)
    plsc.subcore_barrier()

    def oslice(j):
        return out.at[c, pl.ds(base + j * L, L)]

    for j in range(ROWS_PER_TILE // L):
        buf, sem = (rowsA, semA) if j % 2 == 0 else (rowsB, semB)
        if j >= 2:
            pltpu.make_async_copy(buf, oslice(j - 2), sem).wait()
        pltpu.sync_copy(acc.at[pl.ds(base + j * L, L)], buf)
        pltpu.make_async_copy(buf, oslice(j), sem).start()
    pltpu.make_async_copy(rowsB, oslice(3), semB).wait()
    pltpu.make_async_copy(rowsA, oslice(4), semA).wait()


def _sc_agg(table, e3d, zeros128):
    return pl.kernel(
        _sc_agg_body,
        out_type=jax.ShapeDtypeStruct((2, NP, D), jnp.float32),
        mesh=_mesh(),
        scratch_types=[
            pltpu.VMEM((HALF, 2, L), jnp.int32),
            pltpu.VMEM((L, D), jnp.float32),
            pltpu.VMEM((L, D), jnp.float32),
            pltpu.VMEM_SHARED((NP, D), jnp.float32),
            pltpu.SemaphoreType.DMA,
            pltpu.SemaphoreType.DMA,
        ],
    )(table, e3d, zeros128)


def _norm(deg_col):
    return lax.rsqrt(jnp.where(deg_col > 0.0, deg_col, 1.0))


def _tc_scale_body(x_ref, deg_ref, o_ref):
    o_ref[...] = x_ref[...] * _norm(deg_ref[...])


def _tc_scale(x_pad, deg_out_col):
    blk = 2048
    return pl.pallas_call(
        _tc_scale_body,
        out_shape=jax.ShapeDtypeStruct((NP, D), jnp.float32),
        grid=(NP // blk,),
        in_specs=[
            pl.BlockSpec((blk, D), lambda i: (i, 0)),
            pl.BlockSpec((blk, 1), lambda i: (i, 0)),
        ],
        out_specs=pl.BlockSpec((blk, D), lambda i: (i, 0)),
    )(x_pad, deg_out_col)


def _tc_stage_body(relu_scale, p_ref, din_ref, dout_ref, w_ref, b_ref, o_ref):
    m = (p_ref[0] + p_ref[1]) * _norm(din_ref[...])
    h = jnp.dot(m, w_ref[...], preferred_element_type=jnp.float32)
    h = h + b_ref[...]
    if relu_scale:
        h = jnp.maximum(h, 0.0) * _norm(dout_ref[...])
    o_ref[...] = h


def _tc_stage(p, deg_in_col, deg_out_col, w, b, relu_scale):
    blk = 2048
    return pl.pallas_call(
        functools.partial(_tc_stage_body, relu_scale),
        out_shape=jax.ShapeDtypeStruct((NP, D), jnp.float32),
        grid=(NP // blk,),
        in_specs=[
            pl.BlockSpec((2, blk, D), lambda i: (0, i, 0)),
            pl.BlockSpec((blk, 1), lambda i: (i, 0)),
            pl.BlockSpec((blk, 1), lambda i: (i, 0)),
            pl.BlockSpec((D, D), lambda i: (0, 0)),
            pl.BlockSpec((1, D), lambda i: (0, 0)),
        ],
        out_specs=pl.BlockSpec((blk, D), lambda i: (i, 0)),
    )(p, deg_in_col, deg_out_col, w, b)


def kernel(x, edge_index, W1, b1, W2, b2):
    pad = jnp.arange(EPAD - E, dtype=jnp.int32) % (NP - N) + TRASH
    src2d = jnp.concatenate([edge_index[0], pad]).reshape(EPAD // L, L)
    dst2d = jnp.concatenate([edge_index[1], pad]).reshape(EPAD // L, L)
    srcdst = jnp.stack([src2d, dst2d])
    e3d = jnp.stack([src2d, dst2d], axis=1)

    zeros128 = jnp.zeros((L, D), jnp.float32)
    zeros1 = jnp.zeros((ROWS_PER_TILE,), jnp.float32)
    ones1 = jnp.ones((ROWS_PER_TILE,), jnp.float32)
    x_pad = jnp.pad(x, ((0, NP - N), (0, 0)))

    hist = _sc_hist(srcdst, zeros1, ones1)
    deg_out_col = hist[0, :, None]
    deg_in_col = hist[1, :, None]

    t1 = _tc_scale(x_pad, deg_out_col)
    p1 = _sc_agg(t1, e3d, zeros128)
    t2 = _tc_stage(p1, deg_in_col, deg_out_col, W1, b1.reshape(1, D),
                   relu_scale=True)
    p2 = _sc_agg(t2, e3d, zeros128)
    out = _tc_stage(p2, deg_in_col, deg_out_col, W2, b2.reshape(1, D),
                    relu_scale=False)
    return out[:N]

# --- scband reference (transcript-rebuilt; emitter-appended) ---
"""Pipeline reference for scband-simple-gnn-54090818126571 (READ-ONLY COPY).

The authoritative reference and input builder live on the scoring server;
editing this copy changes nothing except your own understanding.
"""

import jax, jax.numpy as jnp
import numpy as np

N = 10000
E = 320000
D_IN = 128
D_H = 128
D_OUT = 128


def setup_inputs(seed: int = 0) -> dict:
    key = jax.random.key(seed)
    ks = jax.random.split(key, 7)
    x = jax.random.normal(ks[0], (N, D_IN), dtype=jnp.float32)
    # graph connectivity (int32 is sufficient for N=10000; spec dtype int64 maps to int32 without x64)
    edge_index = jax.random.randint(ks[1], (2, E), 0, N, dtype=jnp.int32)
    # GraphConv layer 1 params (Glorot-style scale)
    W1 = jax.random.normal(ks[2], (D_IN, D_H), dtype=jnp.float32) * (1.0 / np.sqrt(D_IN))
    b1 = jnp.zeros((D_H,), dtype=jnp.float32)
    # GraphConv layer 2 params
    W2 = jax.random.normal(ks[3], (D_H, D_OUT), dtype=jnp.float32) * (1.0 / np.sqrt(D_H))
    b2 = jnp.zeros((D_OUT,), dtype=jnp.float32)
    return {"x": x, "edge_index": edge_index, "W1": W1, "b1": b1, "W2": W2, "b2": b2}


def _graph_conv(x, W, b, src, dst, norm_src, norm_dst):
    # DGL GraphConv with norm='both':
    # h_i = b + sum_{(j->i) in E} (d_out(j))^{-1/2} (d_in(i))^{-1/2} x_j W
    h = x * norm_src[:, None]
    m = jax.ops.segment_sum(h[src], dst, num_segments=N)
    m = m * norm_dst[:, None]
    return m @ W + b


def reference(x, edge_index, W1, b1, W2, b2):
    src = edge_index[0]
    dst = edge_index[1]
    ones = jnp.ones((E,), dtype=x.dtype)
    deg_out = jax.ops.segment_sum(ones, src, num_segments=N)
    deg_in = jax.ops.segment_sum(ones, dst, num_segments=N)
    norm_src = jnp.where(deg_out > 0, deg_out, 1.0) ** -0.5
    norm_dst = jnp.where(deg_in > 0, deg_in, 1.0) ** -0.5
    h = jax.nn.relu(_graph_conv(x, W1, b1, src, dst, norm_src, norm_dst))
    out = _graph_conv(h, W2, b2, src, dst, norm_src, norm_dst)
    return out

if __name__ == "__main__":
    import jax
    _d = setup_inputs()
    print(jax.jit(kernel)(*tuple(_d.values())))

</pallas_src>

<mosaic_0001>
#map = affine_map<(d0, d1) -> (0, 0, 0)>
#map1 = affine_map<(d0, d1) -> (0)>
#map2 = affine_map<(d0, d1) -> (0, 0)>
module attributes {stable_mosaic.version = 14 : i64} {
  func.func @_sc_hist_body(%arg0: i32, %arg1: i32, %arg2: memref<2x2560x128xi32, #tpu.memory_space<hbm>>, %arg3: memref<640xf32, #tpu.memory_space<hbm>>, %arg4: memref<640xf32, #tpu.memory_space<hbm>>, %arg5: memref<2x10240xf32, #tpu.memory_space<hbm>>, %arg6: memref<160x128xi32, #tpu.memory_space<vmem>>, %arg7: memref<640xf32, #tpu.memory_space<vmem>>, %arg8: memref<128xf32, #tpu.memory_space<vmem>>, %arg9: memref<10240xf32, #tpu.memory_space<vmem_shared>>, %arg10: memref<!tpu.dma_semaphore, #tpu.memory_space<semaphore_mem>>) attributes {dimension_semantics = [#tpu.dimension_semantics<core_parallel>, #tpu.dimension_semantics<subcore_parallel>], iteration_bounds = array<i64: 2, 16>, scalar_prefetch = 0 : i64, scratch_operands = 5 : i64, tpu.core_type = #tpu.core_type<sc_vector_subcore>, window_params = [{transform_indices = #map}, {transform_indices = #map1}, {transform_indices = #map1}, {transform_indices = #map2}]} {
    %mul3A = arith.constant 640 : i32
    %mul3A_0 = arith.muli %arg1, %mul3A : i32
    "tpu.region"() ({
      %run_scoped3A = tpu.sem_alloc : memref<!tpu.dma_semaphore, #tpu.memory_space<semaphore_mem>>
      tpu.enqueue_dma source(%arg3 : memref<640xf32, #tpu.memory_space<hbm>>) target(%arg7 : memref<640xf32, #tpu.memory_space<vmem>>) target_semaphore(%run_scoped3A : memref<!tpu.dma_semaphore, #tpu.memory_space<semaphore_mem>>)
      tpu.wait_dma2 semaphore(%run_scoped3A : memref<!tpu.dma_semaphore, #tpu.memory_space<semaphore_mem>>) src(%arg3 : memref<640xf32, #tpu.memory_space<hbm>>) dst(%arg7 : memref<640xf32, #tpu.memory_space<vmem>>)
      tpu.yield
    }) : () -> ()
    "tpu.region"() ({
      %run_scoped3A = tpu.sem_alloc : memref<!tpu.dma_semaphore, #tpu.memory_space<semaphore_mem>>
      %dma_start3A = tpu.memref_slice %arg9[%mul3A_0] : memref<10240xf32, #tpu.memory_space<vmem_shared>> -> memref<640xf32, #tpu.memory_space<vmem_shared>>
      %dma_start3A_8 = tpu.memref_slice %arg9[%mul3A_0] : memref<10240xf32, #tpu.memory_space<vmem_shared>> -> memref<640xf32, #tpu.memory_space<vmem_shared>>
      tpu.enqueue_dma source(%arg7 : memref<640xf32, #tpu.memory_space<vmem>>) target(%dma_start3A_8 : memref<640xf32, #tpu.memory_space<vmem_shared>>) target_semaphore(%run_scoped3A : memref<!tpu.dma_semaphore, #tpu.memory_space<semaphore_mem>>)
      %dma_wait3A = tpu.memref_slice %arg9[%mul3A_0] : memref<10240xf32, #tpu.memory_space<vmem_shared>> -> memref<640xf32, #tpu.memory_space<vmem_shared>>
      %dma_wait3A_9 = tpu.memref_slice %arg9[%mul3A_0] : memref<10240xf32, #tpu.memory_space<vmem_shared>> -> memref<640xf32, #tpu.memory_space<vmem_shared>>
      tpu.wait_dma2 semaphore(%run_scoped3A : memref<!tpu.dma_semaphore, #tpu.memory_space<semaphore_mem>>) src(%arg7 : memref<640xf32, #tpu.memory_space<vmem>>) dst(%dma_wait3A_9 : memref<640xf32, #tpu.memory_space<vmem_shared>>)
      tpu.yield
    }) : () -> ()
    "tpu.region"() ({
      %run_scoped3A = tpu.sem_alloc : memref<!tpu.dma_semaphore, #tpu.memory_space<semaphore_mem>>
      %dma_start3A = arith.constant 0 : i32
      %dma_start3A_8 = tpu.memref_slice %arg4[%dma_start3A] : memref<640xf32, #tpu.memory_space<hbm>> -> memref<128xf32, #tpu.memory_space<hbm>>
      %dma_start3A_9 = arith.constant 0 : i32
      %dma_start3A_10 = tpu.memref_slice %arg4[%dma_start3A_9] : memref<640xf32, #tpu.memory_space<hbm>> -> memref<128xf32, #tpu.memory_space<hbm>>
      tpu.enqueue_dma source(%dma_start3A_10 : memref<128xf32, #tpu.memory_space<hbm>>) target(%arg8 : memref<128xf32, #tpu.memory_space<vmem>>) target_semaphore(%run_scoped3A : memref<!tpu.dma_semaphore, #tpu.memory_space<semaphore_mem>>)
      %dma_wait3A = arith.constant 0 : i32
      %dma_wait3A_11 = tpu.memref_slice %arg4[%dma_wait3A] : memref<640xf32, #tpu.memory_space<hbm>> -> memref<128xf32, #tpu.memory_space<hbm>>
      %dma_wait3A_12 = arith.constant 0 : i32
      %dma_wait3A_13 = tpu.memref_slice %arg4[%dma_wait3A_12] : memref<640xf32, #tpu.memory_space<hbm>> -> memref<128xf32, #tpu.memory_space<hbm>>
      tpu.wait_dma2 semaphore(%run_scoped3A : memref<!tpu.dma_semaphore, #tpu.memory_space<semaphore_mem>>) src(%dma_wait3A_13 : memref<128xf32, #tpu.memory_space<hbm>>) dst(%arg8 : memref<128xf32, #tpu.memory_space<vmem>>)
      tpu.yield
    }) : () -> ()
    %mul3A_1 = arith.constant 160 : i32
    %mul3A_2 = arith.muli %arg1, %mul3A_1 : i32
    "tpu.region"() ({
      %run_scoped3A = tpu.sem_alloc : memref<!tpu.dma_semaphore, #tpu.memory_space<semaphore_mem>>
      %dma_start3A = arith.constant 0 : i32
      %dma_start3A_8 = tpu.memref_slice %arg2[%arg0, %mul3A_2, %dma_start3A] : memref<2x2560x128xi32, #tpu.memory_space<hbm>> -> memref<1x160x128xi32, #tpu.memory_space<hbm>>
      %dma_start3A_9 = tpu.memref_squeeze %dma_start3A_8 : memref<1x160x128xi32, #tpu.memory_space<hbm>> -> memref<160x128xi32, #tpu.memory_space<hbm>>
      %dma_start3A_10 = arith.constant 0 : i32
      %dma_start3A_11 = tpu.memref_slice %arg2[%arg0, %mul3A_2, %dma_start3A_10] : memref<2x2560x128xi32, #tpu.memory_space<hbm>> -> memref<1x160x128xi32, #tpu.memory_space<hbm>>
      %dma_start3A_12 = tpu.memref_squeeze %dma_start3A_11 : memref<1x160x128xi32, #tpu.memory_space<hbm>> -> memref<160x128xi32, #tpu.memory_space<hbm>>
      tpu.enqueue_dma source(%dma_start3A_12 : memref<160x128xi32, #tpu.memory_space<hbm>>) target(%arg6 : memref<160x128xi32, #tpu.memory_space<vmem>>) target_semaphore(%run_scoped3A : memref<!tpu.dma_semaphore, #tpu.memory_space<semaphore_mem>>)
      %dma_wait3A = arith.constant 0 : i32
      %dma_wait3A_13 = tpu.memref_slice %arg2[%arg0, %mul3A_2, %dma_wait3A] : memref<2x2560x128xi32, #tpu.memory_space<hbm>> -> memref<1x160x128xi32, #tpu.memory_space<hbm>>
      %dma_wait3A_14 = tpu.memref_squeeze %dma_wait3A_13 : memref<1x160x128xi32, #tpu.memory_space<hbm>> -> memref<160x128xi32, #tpu.memory_space<hbm>>
      %dma_wait3A_15 = arith.constant 0 : i32
      %dma_wait3A_16 = tpu.memref_slice %arg2[%arg0, %mul3A_2, %dma_wait3A_15] : memref<2x2560x128xi32, #tpu.memory_space<hbm>> -> memref<1x160x128xi32, #tpu.memory_space<hbm>>
      %dma_wait3A_17 = tpu.memref_squeeze %dma_wait3A_16 : memref<1x160x128xi32, #tpu.memory_space<hbm>> -> memref<160x128xi32, #tpu.memory_space<hbm>>
      tpu.wait_dma2 semaphore(%run_scoped3A : memref<!tpu.dma_semaphore, #tpu.memory_space<semaphore_mem>>) src(%dma_wait3A_17 : memref<160x128xi32, #tpu.memory_space<hbm>>) dst(%arg6 : memref<160x128xi32, #tpu.memory_space<vmem>>)
      tpu.yield
    }) : () -> ()
    %barrier3A = arith.constant 0 : index
    tpu.barrier barrier_id(%barrier3A)
    %scan3A = arith.constant 0 : i32
    %scan3A_3 = arith.constant 20 : i32
    %scan3A_4 = arith.addi %scan3A, %scan3A_3 : i32
    %scan3A_5 = arith.constant 1 : i32
    scf.for %scan3A_8 = %scan3A to %scan3A_4 step %scan3A_5  : i32 {
      %mul3A_9 = arith.constant 8 : i32
      %mul3A_10 = arith.muli %scan3A_8, %mul3A_9 : i32
      %add3A = arith.constant 0 : i32
      %add3A_11 = arith.addi %mul3A_10, %add3A : i32
      %dma_start3A = arith.constant 0 : i32
      %dma_start3A_12 = tpu.memref_slice %arg6[%add3A_11, %dma_start3A] : memref<160x128xi32, #tpu.memory_space<vmem>> -> memref<1x128xi32, #tpu.memory_space<vmem>>
      %dma_start3A_13 = tpu.memref_squeeze %dma_start3A_12 : memref<1x128xi32, #tpu.memory_space<vmem>> -> memref<128xi32, #tpu.memory_space<vmem>>
      %dma_start3A_14 = arith.constant 0 : i32
      %dma_start3A_15 = tpu.memref_slice %arg9[%dma_start3A_14] : memref<10240xf32, #tpu.memory_space<vmem_shared>> -> memref<10240xf32, #tpu.memory_space<vmem_shared>>
      tpu.enqueue_indirect_dma source(%arg8 : memref<128xf32, #tpu.memory_space<vmem>>) target(%dma_start3A_15 : memref<10240xf32, #tpu.memory_space<vmem_shared>>) offsets(%dma_start3A_13 : memref<128xi32, #tpu.memory_space<vmem>>) semaphore(%arg10 : memref<!tpu.dma_semaphore, #tpu.memory_space<semaphore_mem>>) {add = true}
      %mul3A_16 = arith.constant 8 : i32
      %mul3A_17 = arith.muli %scan3A_8, %mul3A_16 : i32
      %add3A_18 = arith.constant 1 : i32
      %add3A_19 = arith.addi %mul3A_17, %add3A_18 : i32
      %dma_start3A_20 = arith.constant 0 : i32
      %dma_start3A_21 = tpu.memref_slice %arg6[%add3A_19, %dma_start3A_20] : memref<160x128xi32, #tpu.memory_space<vmem>> -> memref<1x128xi32, #tpu.memory_space<vmem>>
      %dma_start3A_22 = tpu.memref_squeeze %dma_start3A_21 : memref<1x128xi32, #tpu.memory_space<vmem>> -> memref<128xi32, #tpu.memory_space<vmem>>
      %dma_start3A_23 = arith.constant 0 : i32
      %dma_start3A_24 = tpu.memref_slice %arg9[%dma_start3A_23] : memref<10240xf32, #tpu.memory_space<vmem_shared>> -> memref<10240xf32, #tpu.memory_space<vmem_shared>>
      tpu.enqueue_indirect_dma source(%arg8 : memref<128xf32, #tpu.memory_space<vmem>>) target(%dma_start3A_24 : memref<10240xf32, #tpu.memory_space<vmem_shared>>) offsets(%dma_start3A_22 : memref<128xi32, #tpu.memory_space<vmem>>) semaphore(%arg10 : memref<!tpu.dma_semaphore, #tpu.memory_space<semaphore_mem>>) {add = true}
      %mul3A_25 = arith.constant 8 : i32
      %mul3A_26 = arith.muli %scan3A_8, %mul3A_25 : i32
      %add3A_27 = arith.constant 2 : i32
      %add3A_28 = arith.addi %mul3A_26, %add3A_27 : i32
      %dma_start3A_29 = arith.constant 0 : i32
      %dma_start3A_30 = tpu.memref_slice %arg6[%add3A_28, %dma_start3A_29] : memref<160x128xi32, #tpu.memory_space<vmem>> -> memref<1x128xi32, #tpu.memory_space<vmem>>
      %dma_start3A_31 = tpu.memref_squeeze %dma_start3A_30 : memref<1x128xi32, #tpu.memory_space<vmem>> -> memref<128xi32, #tpu.memory_space<vmem>>
      %dma_start3A_32 = arith.constant 0 : i32
      %dma_start3A_33 = tpu.memref_slice %arg9[%dma_start3A_32] : memref<10240xf32, #tpu.memory_space<vmem_shared>> -> memref<10240xf32, #tpu.memory_space<vmem_shared>>
      tpu.enqueue_indirect_dma source(%arg8 : memref<128xf32, #tpu.memory_space<vmem>>) target(%dma_start3A_33 : memref<10240xf32, #tpu.memory_space<vmem_shared>>) offsets(%dma_start3A_31 : memref<128xi32, #tpu.memory_space<vmem>>) semaphore(%arg10 : memref<!tpu.dma_semaphore, #tpu.memory_space<semaphore_mem>>) {add = true}
      %mul3A_34 = arith.constant 8 : i32
      %mul3A_35 = arith.muli %scan3A_8, %mul3A_34 : i32
      %add3A_36 = arith.constant 3 : i32
      %add3A_37 = arith.addi %mul3A_35, %add3A_36 : i32
      %dma_start3A_38 = arith.constant 0 : i32
      %dma_start3A_39 = tpu.memref_slice %arg6[%add3A_37, %dma_start3A_38] : memref<160x128xi32, #tpu.memory_space<vmem>> -> memref<1x128xi32, #tpu.memory_space<vmem>>
      %dma_start3A_40 = tpu.memref_squeeze %dma_start3A_39 : memref<1x128xi32, #tpu.memory_space<vmem>> -> memref<128xi32, #tpu.memory_space<vmem>>
      %dma_start3A_41 = arith.constant 0 : i32
      %dma_start3A_42 = tpu.memref_slice %arg9[%dma_start3A_41] : memref<10240xf32, #tpu.memory_space<vmem_shared>> -> memref<10240xf32, #tpu.memory_space<vmem_shared>>
      tpu.enqueue_indirect_dma source(%arg8 : memref<128xf32, #tpu.memory_space<vmem>>) target(%dma_start3A_42 : memref<10240xf32, #tpu.memory_space<vmem_shared>>) offsets(%dma_start3A_40 : memref<128xi32, #tpu.memory_space<vmem>>) semaphore(%arg10 : memref<!tpu.dma_semaphore, #tpu.memory_space<semaphore_mem>>) {add = true}
      %mul3A_43 = arith.constant 8 : i32
      %mul3A_44 = arith.muli %scan3A_8, %mul3A_43 : i32
      %add3A_45 = arith.constant 4 : i32
      %add3A_46 = arith.addi %mul3A_44, %add3A_45 : i32
      %dma_start3A_47 = arith.constant 0 : i32
      %dma_start3A_48 = tpu.memref_slice %arg6[%add3A_46, %dma_start3A_47] : memref<160x128xi32, #tpu.memory_space<vmem>> -> memref<1x128xi32, #tpu.memory_space<vmem>>
      %dma_start3A_49 = tpu.memref_squeeze %dma_start3A_48 : memref<1x128xi32, #tpu.memory_space<vmem>> -> memref<128xi32, #tpu.memory_space<vmem>>
      %dma_start3A_50 = arith.constant 0 : i32
      %dma_start3A_51 = tpu.memref_slice %arg9[%dma_start3A_50] : memref<10240xf32, #tpu.memory_space<vmem_shared>> -> memref<10240xf32, #tpu.memory_space<vmem_shared>>
      tpu.enqueue_indirect_dma source(%arg8 : memref<128xf32, #tpu.memory_space<vmem>>) target(%dma_start3A_51 : memref<10240xf32, #tpu.memory_space<vmem_shared>>) offsets(%dma_start3A_49 : memref<128xi32, #tpu.memory_space<vmem>>) semaphore(%arg10 : memref<!tpu.dma_semaphore, #tpu.memory_space<semaphore_mem>>) {add = true}
      %mul3A_52 = arith.constant 8 : i32
      %mul3A_53 = arith.muli %scan3A_8, %mul3A_52 : i32
      %add3A_54 = arith.constant 5 : i32
      %add3A_55 = arith.addi %mul3A_53, %add3A_54 : i32
      %dma_start3A_56 = arith.constant 0 : i32
      %dma_start3A_57 = tpu.memref_slice %arg6[%add3A_55, %dma_start3A_56] : memref<160x128xi32, #tpu.memory_space<vmem>> -> memref<1x128xi32, #tpu.memory_space<vmem>>
      %dma_start3A_58 = tpu.memref_squeeze %dma_start3A_57 : memref<1x128xi32, #tpu.memory_space<vmem>> -> memref<128xi32, #tpu.memory_space<vmem>>
      %dma_start3A_59 = arith.constant 0 : i32
      %dma_start3A_60 = tpu.memref_slice %arg9[%dma_start3A_59] : memref<10240xf32, #tpu.memory_space<vmem_shared>> -> memref<10240xf32, #tpu.memory_space<vmem_shared>>
      tpu.enqueue_indirect_dma source(%arg8 : memref<128xf32, #tpu.memory_space<vmem>>) target(%dma_start3A_60 : memref<10240xf32, #tpu.memory_space<vmem_shared>>) offsets(%dma_start3A_58 : memref<128xi32, #tpu.memory_space<vmem>>) semaphore(%arg10 : memref<!tpu.dma_semaphore, #tpu.memory_space<semaphore_mem>>) {add = true}
      %mul3A_61 = arith.constant 8 : i32
      %mul3A_62 = arith.muli %scan3A_8, %mul3A_61 : i32
      %add3A_63 = arith.constant 6 : i32
      %add3A_64 = arith.addi %mul3A_62, %add3A_63 : i32
      %dma_start3A_65 = arith.constant 0 : i32
      %dma_start3A_66 = tpu.memref_slice %arg6[%add3A_64, %dma_start3A_65] : memref<160x128xi32, #tpu.memory_space<vmem>> -> memref<1x128xi32, #tpu.memory_space<vmem>>
      %dma_start3A_67 = tpu.memref_squeeze %dma_start3A_66 : memref<1x128xi32, #tpu.memory_space<vmem>> -> memref<128xi32, #tpu.memory_space<vmem>>
      %dma_start3A_68 = arith.constant 0 : i32
      %dma_start3A_69 = tpu.memref_slice %arg9[%dma_start3A_68] : memref<10240xf32, #tpu.memory_space<vmem_shared>> -> memref<10240xf32, #tpu.memory_space<vmem_shared>>
      tpu.enqueue_indirect_dma source(%arg8 : memref<128xf32, #tpu.memory_space<vmem>>) target(%dma_start3A_69 : memref<10240xf32, #tpu.memory_space<vmem_shared>>) offsets(%dma_start3A_67 : memref<128xi32, #tpu.memory_space<vmem>>) semaphore(%arg10 : memref<!tpu.dma_semaphore, #tpu.memory_space<semaphore_mem>>) {add = true}
      %mul3A_70 = arith.constant 8 : i32
      %mul3A_71 = arith.muli %scan3A_8, %mul3A_70 : i32
      %add3A_72 = arith.constant 7 : i32
      %add3A_73 = arith.addi %mul3A_71, %add3A_72 : i32
      %dma_start3A_74 = arith.constant 0 : i32
      %dma_start3A_75 = tpu.memref_slice %arg6[%add3A_73, %dma_start3A_74] : memref<160x128xi32, #tpu.memory_space<vmem>> -> memref<1x128xi32, #tpu.memory_space<vmem>>
      %dma_start3A_76 = tpu.memref_squeeze %dma_start3A_75 : memref<1x128xi32, #tpu.memory_space<vmem>> -> memref<128xi32, #tpu.memory_space<vmem>>
      %dma_start3A_77 = arith.constant 0 : i32
      %dma_start3A_78 = tpu.memref_slice %arg9[%dma_start3A_77] : memref<10240xf32, #tpu.memory_space<vmem_shared>> -> memref<10240xf32, #tpu.memory_space<vmem_shared>>
      tpu.enqueue_indirect_dma source(%arg8 : memref<128xf32, #tpu.memory_space<vmem>>) target(%dma_start3A_78 : memref<10240xf32, #tpu.memory_space<vmem_shared>>) offsets(%dma_start3A_76 : memref<128xi32, #tpu.memory_space<vmem>>) semaphore(%arg10 : memref<!tpu.dma_semaphore, #tpu.memory_space<semaphore_mem>>) {add = true}
      %dma_wait3A = arith.constant 0 : i32
      %dma_wait3A_79 = arith.constant 0 : i32
      %dma_wait3A_80 = tpu.memref_slice %arg6[%dma_wait3A, %dma_wait3A_79] : memref<160x128xi32, #tpu.memory_space<vmem>> -> memref<1x128xi32, #tpu.memory_space<vmem>>
      %dma_wait3A_81 = tpu.memref_squeeze %dma_wait3A_80 : memref<1x128xi32, #tpu.memory_space<vmem>> -> memref<128xi32, #tpu.memory_space<vmem>>
      %dma_wait3A_82 = arith.constant 0 : i32
      %dma_wait3A_83 = tpu.memref_slice %arg9[%dma_wait3A_82] : memref<10240xf32, #tpu.memory_space<vmem_shared>> -> memref<10240xf32, #tpu.memory_space<vmem_shared>>
      tpu.wait_indirect_dma semaphore(%arg10 : memref<!tpu.dma_semaphore, #tpu.memory_space<semaphore_mem>>) src(%arg8 : memref<128xf32, #tpu.memory_space<vmem>>) dst(%dma_wait3A_83 : memref<10240xf32, #tpu.memory_space<vmem_shared>>)
      %dma_wait3A_84 = arith.constant 0 : i32
      %dma_wait3A_85 = arith.constant 0 : i32
      %dma_wait3A_86 = tpu.memref_slice %arg6[%dma_wait3A_84, %dma_wait3A_85] : memref<160x128xi32, #tpu.memory_space<vmem>> -> memref<1x128xi32, #tpu.memory_space<vmem>>
      %dma_wait3A_87 = tpu.memref_squeeze %dma_wait3A_86 : memref<1x128xi32, #tpu.memory_space<vmem>> -> memref<128xi32, #tpu.memory_space<vmem>>
      %dma_wait3A_88 = arith.constant 0 : i32
      %dma_wait3A_89 = tpu.memref_slice %arg9[%dma_wait3A_88] : memref<10240xf32, #tpu.memory_space<vmem_shared>> -> memref<10240xf32, #tpu.memory_space<vmem_shared>>
      tpu.wait_indirect_dma semaphore(%arg10 : memref<!tpu.dma_semaphore, #tpu.memory_space<semaphore_mem>>) src(%arg8 : memref<128xf32, #tpu.memory_space<vmem>>) dst(%dma_wait3A_89 : memref<10240xf32, #tpu.memory_space<vmem_shared>>)
      %dma_wait3A_90 = arith.constant 0 : i32
      %dma_wait3A_91 = arith.constant 0 : i32
      %dma_wait3A_92 = tpu.memref_slice %arg6[%dma_wait3A_90, %dma_wait3A_91] : memref<160x128xi32, #tpu.memory_space<vmem>> -> memref<1x128xi32, #tpu.memory_space<vmem>>
      %dma_wait3A_93 = tpu.memref_squeeze %dma_wait3A_92 : memref<1x128xi32, #tpu.memory_space<vmem>> -> memref<128xi32, #tpu.memory_space<vmem>>
      %dma_wait3A_94 = arith.constant 0 : i32
      %dma_wait3A_95 = tpu.memref_slice %arg9[%dma_wait3A_94] : memref<10240xf32, #tpu.memory_space<vmem_shared>> -> memref<10240xf32, #tpu.memory_space<vmem_shared>>
      tpu.wait_indirect_dma semaphore(%arg10 : memref<!tpu.dma_semaphore, #tpu.memory_space<semaphore_mem>>) src(%arg8 : memref<128xf32, #tpu.memory_space<vmem>>) dst(%dma_wait3A_95 : memref<10240xf32, #tpu.memory_space<vmem_shared>>)
      %dma_wait3A_96 = arith.constant 0 : i32
      %dma_wait3A_97 = arith.constant 0 : i32
      %dma_wait3A_98 = tpu.memref_slice %arg6[%dma_wait3A_96, %dma_wait3A_97] : memref<160x128xi32, #tpu.memory_space<vmem>> -> memref<1x128xi32, #tpu.memory_space<vmem>>
      %dma_wait3A_99 = tpu.memref_squeeze %dma_wait3A_98 : memref<1x128xi32, #tpu.memory_space<vmem>> -> memref<128xi32, #tpu.memory_space<vmem>>
      %dma_wait3A_100 = arith.constant 0 : i32
      %dma_wait3A_101 = tpu.memref_slice %arg9[%dma_wait3A_100] : memref<10240xf32, #tpu.memory_space<vmem_shared>> -> memref<10240xf32, #tpu.memory_space<vmem_shared>>
      tpu.wait_indirect_dma semaphore(%arg10 : memref<!tpu.dma_semaphore, #tpu.memory_space<semaphore_mem>>) src(%arg8 : memref<128xf32, #tpu.memory_space<vmem>>) dst(%dma_wait3A_101 : memref<10240xf32, #tpu.memory_space<vmem_shared>>)
      %dma_wait3A_102 = arith.constant 0 : i32
      %dma_wait3A_103 = arith.constant 0 : i32
      %dma_wait3A_104 = tpu.memref_slice %arg6[%dma_wait3A_102, %dma_wait3A_103] : memref<160x128xi32, #tpu.memory_space<vmem>> -> memref<1x128xi32, #tpu.memory_space<vmem>>
      %dma_wait3A_105 = tpu.memref_squeeze %dma_wait3A_104 : memref<1x128xi32, #tpu.memory_space<vmem>> -> memref<128xi32, #tpu.memory_space<vmem>>
      %dma_wait3A_106 = arith.constant 0 : i32
      %dma_wait3A_107 = tpu.memref_slice %arg9[%dma_wait3A_106] : memref<10240xf32, #tpu.memory_space<vmem_shared>> -> memref<10240xf32, #tpu.memory_space<vmem_shared>>
      tpu.wait_indirect_dma semaphore(%arg10 : memref<!tpu.dma_semaphore, #tpu.memory_space<semaphore_mem>>) src(%arg8 : memref<128xf32, #tpu.memory_space<vmem>>) dst(%dma_wait3A_107 : memref<10240xf32, #tpu.memory_space<vmem_shared>>)
      %dma_wait3A_108 = arith.constant 0 : i32
      %dma_wait3A_109 = arith.constant 0 : i32
      %dma_wait3A_110 = tpu.memref_slice %arg6[%dma_wait3A_108, %dma_wait3A_109] : memref<160x128xi32, #tpu.memory_space<vmem>> -> memref<1x128xi32, #tpu.memory_space<vmem>>
      %dma_wait3A_111 = tpu.memref_squeeze %dma_wait3A_110 : memref<1x128xi32, #tpu.memory_space<vmem>> -> memref<128xi32, #tpu.memory_space<vmem>>
      %dma_wait3A_112 = arith.constant 0 : i32
      %dma_wait3A_113 = tpu.memref_slice %arg9[%dma_wait3A_112] : memref<10240xf32, #tpu.memory_space<vmem_shared>> -> memref<10240xf32, #tpu.memory_space<vmem_shared>>
      tpu.wait_indirect_dma semaphore(%arg10 : memref<!tpu.dma_semaphore, #tpu.memory_space<semaphore_mem>>) src(%arg8 : memref<128xf32, #tpu.memory_space<vmem>>) dst(%dma_wait3A_113 : memref<10240xf32, #tpu.memory_space<vmem_shared>>)
      %dma_wait3A_114 = arith.constant 0 : i32
      %dma_wait3A_115 = arith.constant 0 : i32
      %dma_wait3A_116 = tpu.memref_slice %arg6[%dma_wait3A_114, %dma_wait3A_115] : memref<160x128xi32, #tpu.memory_space<vmem>> -> memref<1x128xi32, #tpu.memory_space<vmem>>
      %dma_wait3A_117 = tpu.memref_squeeze %dma_wait3A_116 : memref<1x128xi32, #tpu.memory_space<vmem>> -> memref<128xi32, #tpu.memory_space<vmem>>
      %dma_wait3A_118 = arith.constant 0 : i32
      %dma_wait3A_119 = tpu.memref_slice %arg9[%dma_wait3A_118] : memref<10240xf32, #tpu.memory_space<vmem_shared>> -> memref<10240xf32, #tpu.memory_space<vmem_shared>>
      tpu.wait_indirect_dma semaphore(%arg10 : memref<!tpu.dma_semaphore, #tpu.memory_space<semaphore_mem>>) src(%arg8 : memref<128xf32, #tpu.memory_space<vmem>>) dst(%dma_wait3A_119 : memref<10240xf32, #tpu.memory_space<vmem_shared>>)
      %dma_wait3A_120 = arith.constant 0 : i32
      %dma_wait3A_121 = arith.constant 0 : i32
      %dma_wait3A_122 = tpu.memref_slice %arg6[%dma_wait3A_120, %dma_wait3A_121] : memref<160x128xi32, #tpu.memory_space<vmem>> -> memref<1x128xi32, #tpu.memory_space<vmem>>
      %dma_wait3A_123 = tpu.memref_squeeze %dma_wait3A_122 : memref<1x128xi32, #tpu.memory_space<vmem>> -> memref<128xi32, #tpu.memory_space<vmem>>
      %dma_wait3A_124 = arith.constant 0 : i32
      %dma_wait3A_125 = tpu.memref_slice %arg9[%dma_wait3A_124] : memref<10240xf32, #tpu.memory_space<vmem_shared>> -> memref<10240xf32, #tpu.memory_space<vmem_shared>>
      tpu.wait_indirect_dma semaphore(%arg10 : memref<!tpu.dma_semaphore, #tpu.memory_space<semaphore_mem>>) src(%arg8 : memref<128xf32, #tpu.memory_space<vmem>>) dst(%dma_wait3A_125 : memref<10240xf32, #tpu.memory_space<vmem_shared>>)
    }
    %scan3A_6 = arith.constant 20 : i32
    %barrier3A_7 = arith.constant 0 : index
    tpu.barrier barrier_id(%barrier3A_7)
    "tpu.region"() ({
      %run_scoped3A = tpu.sem_alloc : memref<!tpu.dma_semaphore, #tpu.memory_space<semaphore_mem>>
      %dma_start3A = tpu.memref_slice %arg9[%mul3A_0] : memref<10240xf32, #tpu.memory_space<vmem_shared>> -> memref<640xf32, #tpu.memory_space<vmem_shared>>
      %dma_start3A_8 = tpu.memref_slice %arg9[%mul3A_0] : memref<10240xf32, #tpu.memory_space<vmem_shared>> -> memref<640xf32, #tpu.memory_space<vmem_shared>>
      tpu.enqueue_dma source(%dma_start3A_8 : memref<640xf32, #tpu.memory_space<vmem_shared>>) target(%arg7 : memref<640xf32, #tpu.memory_space<vmem>>) target_semaphore(%run_scoped3A : memref<!tpu.dma_semaphore, #tpu.memory_space<semaphore_mem>>)
      %dma_wait3A = tpu.memref_slice %arg9[%mul3A_0] : memref<10240xf32, #tpu.memory_space<vmem_shared>> -> memref<640xf32, #tpu.memory_space<vmem_shared>>
      %dma_wait3A_9 = tpu.memref_slice %arg9[%mul3A_0] : memref<10240xf32, #tpu.memory_space<vmem_shared>> -> memref<640xf32, #tpu.memory_space<vmem_shared>>
      tpu.wait_dma2 semaphore(%run_scoped3A : memref<!tpu.dma_semaphore, #tpu.memory_space<semaphore_mem>>) src(%dma_wait3A_9 : memref<640xf32, #tpu.memory_space<vmem_shared>>) dst(%arg7 : memref<640xf32, #tpu.memory_space<vmem>>)
      tpu.yield
    }) : () -> ()
    "tpu.region"() ({
      %run_scoped3A = tpu.sem_alloc : memref<!tpu.dma_semaphore, #tpu.memory_space<semaphore_mem>>
      %dma_start3A = tpu.memref_slice %arg5[%arg0, %mul3A_0] : memref<2x10240xf32, #tpu.memory_space<hbm>> -> memref<1x640xf32, #tpu.memory_space<hbm>>
      %dma_start3A_8 = tpu.memref_squeeze %dma_start3A : memref<1x640xf32, #tpu.memory_space<hbm>> -> memref<640xf32, #tpu.memory_space<hbm>>
      %dma_start3A_9 = tpu.memref_slice %arg5[%arg0, %mul3A_0] : memref<2x10240xf32, #tpu.memory_space<hbm>> -> memref<1x640xf32, #tpu.memory_space<hbm>>
      %dma_start3A_10 = tpu.memref_squeeze %dma_start3A_9 : memref<1x640xf32, #tpu.memory_space<hbm>> -> memref<640xf32, #tpu.memory_space<hbm>>
      tpu.enqueue_dma source(%arg7 : memref<640xf32, #tpu.memory_space<vmem>>) target(%dma_start3A_10 : memref<640xf32, #tpu.memory_space<hbm>>) target_semaphore(%run_scoped3A : memref<!tpu.dma_semaphore, #tpu.memory_space<semaphore_mem>>)
      %dma_wait3A = tpu.memref_slice %arg5[%arg0, %mul3A_0] : memref<2x10240xf32, #tpu.memory_space<hbm>> -> memref<1x640xf32, #tpu.memory_space<hbm>>
      %dma_wait3A_11 = tpu.memref_squeeze %dma_wait3A : memref<1x640xf32, #tpu.memory_space<hbm>> -> memref<640xf32, #tpu.memory_space<hbm>>
      %dma_wait3A_12 = tpu.memref_slice %arg5[%arg0, %mul3A_0] : memref<2x10240xf32, #tpu.memory_space<hbm>> -> memref<1x640xf32, #tpu.memory_space<hbm>>
      %dma_wait3A_13 = tpu.memref_squeeze %dma_wait3A_12 : memref<1x640xf32, #tpu.memory_space<hbm>> -> memref<640xf32, #tpu.memory_space<hbm>>
      tpu.wait_dma2 semaphore(%run_scoped3A : memref<!tpu.dma_semaphore, #tpu.memory_space<semaphore_mem>>) src(%arg7 : memref<640xf32, #tpu.memory_space<vmem>>) dst(%dma_wait3A_13 : memref<640xf32, #tpu.memory_space<hbm>>)
      tpu.yield
    }) : () -> ()
    return
  }
}

#map = affine_map<(d0, d1) -> (0, 0)>
#map1 = affine_map<(d0, d1) -> (0, 0, 0)>
module attributes {stable_mosaic.version = 14 : i64} {
  func.func @_sc_agg_body(%arg0: i32, %arg1: i32, %arg2: memref<10240x128xf32, #tpu.memory_space<hbm>>, %arg3: memref<2560x2x128xi32, #tpu.memory_space<hbm>>, %arg4: memref<128x128xf32, #tpu.memory_space<hbm>>, %arg5: memref<2x10240x128xf32, #tpu.memory_space<hbm>>, %arg6: memref<40x2x128xi32, #tpu.memory_space<vmem>>, %arg7: memref<128x128xf32, #tpu.memory_space<vmem>>, %arg8: memref<128x128xf32, #tpu.memory_space<vmem>>, %arg9: memref<10240x128xf32, #tpu.memory_space<vmem_shared>>, %arg10: memref<!tpu.dma_semaphore, #tpu.memory_space<semaphore_mem>>, %arg11: memref<!tpu.dma_semaphore, #tpu.memory_space<semaphore_mem>>) attributes {dimension_semantics = [#tpu.dimension_semantics<core_parallel>, #tpu.dimension_semantics<subcore_parallel>], iteration_bounds = array<i64: 2, 16>, scalar_prefetch = 0 : i64, scratch_operands = 6 : i64, tpu.core_type = #tpu.core_type<sc_vector_subcore>, window_params = [{transform_indices = #map}, {transform_indices = #map1}, {transform_indices = #map}, {transform_indices = #map1}]} {
    %mul3A = arith.constant 16 : i32
    %mul3A_0 = arith.muli %arg0, %mul3A : i32
    %add3A = arith.addi %mul3A_0, %arg1 : i32
    %mul3A_1 = arith.constant 80 : i32
    %mul3A_2 = arith.muli %add3A, %mul3A_1 : i32
    %mul3A_3 = arith.constant 640 : i32
    %mul3A_4 = arith.muli %arg1, %mul3A_3 : i32
    "tpu.region"() ({
      %run_scoped3A_238 = tpu.sem_alloc : memref<!tpu.dma_semaphore, #tpu.memory_space<semaphore_mem>>
      tpu.enqueue_dma source(%arg4 : memref<128x128xf32, #tpu.memory_space<hbm>>) target(%arg7 : memref<128x128xf32, #tpu.memory_space<vmem>>) target_semaphore(%run_scoped3A_238 : memref<!tpu.dma_semaphore, #tpu.memory_space<semaphore_mem>>)
      tpu.wait_dma2 semaphore(%run_scoped3A_238 : memref<!tpu.dma_semaphore, #tpu.memory_space<semaphore_mem>>) src(%arg4 : memref<128x128xf32, #tpu.memory_space<hbm>>) dst(%arg7 : memref<128x128xf32, #tpu.memory_space<vmem>>)
      tpu.yield
    }) : () -> ()
    %add3A_5 = arith.constant 0 : i32
    %add3A_6 = arith.addi %mul3A_4, %add3A_5 : i32
    %dma_start3A = arith.constant 0 : i32
    %dma_start3A_7 = tpu.memref_slice %arg9[%add3A_6, %dma_start3A] : memref<10240x128xf32, #tpu.memory_space<vmem_shared>> -> memref<128x128xf32, #tpu.memory_space<vmem_shared>>
    %dma_start3A_8 = arith.constant 0 : i32
    %dma_start3A_9 = tpu.memref_slice %arg9[%add3A_6, %dma_start3A_8] : memref<10240x128xf32, #tpu.memory_space<vmem_shared>> -> memref<128x128xf32, #tpu.memory_space<vmem_shared>>
    tpu.enqueue_dma source(%arg7 : memref<128x128xf32, #tpu.memory_space<vmem>>) target(%dma_start3A_9 : memref<128x128xf32, #tpu.memory_space<vmem_shared>>) target_semaphore(%arg10 : memref<!tpu.dma_semaphore, #tpu.memory_space<semaphore_mem>>)
    %add3A_10 = arith.constant 128 : i32
    %add3A_11 = arith.addi %mul3A_4, %add3A_10 : i32
    %dma_start3A_12 = arith.constant 0 : i32
    %dma_start3A_13 = tpu.memref_slice %arg9[%add3A_11, %dma_start3A_12] : memref<10240x128xf32, #tpu.memory_space<vmem_shared>> -> memref<128x128xf32, #tpu.memory_space<vmem_shared>>
    %dma_start3A_14 = arith.constant 0 : i32
    %dma_start3A_15 = tpu.memref_slice %arg9[%add3A_11, %dma_start3A_14] : memref<10240x128xf32, #tpu.memory_space<vmem_shared>> -> memref<128x128xf32, #tpu.memory_space<vmem_shared>>
    tpu.enqueue_dma source(%arg7 : memref<128x128xf32, #tpu.memory_space<vmem>>) target(%dma_start3A_15 : memref<128x128xf32, #tpu.memory_space<vmem_shared>>) target_semaphore(%arg10 : memref<!tpu.dma_semaphore, #tpu.memory_space<semaphore_mem>>)
    %add3A_16 = arith.constant 256 : i32
    %add3A_17 = arith.addi %mul3A_4, %add3A_16 : i32
    %dma_start3A_18 = arith.constant 0 : i32
    %dma_start3A_19 = tpu.memref_slice %arg9[%add3A_17, %dma_start3A_18] : memref<10240x128xf32, #tpu.memory_space<vmem_shared>> -> memref<128x128xf32, #tpu.memory_space<vmem_shared>>
    %dma_start3A_20 = arith.constant 0 : i32
    %dma_start3A_21 = tpu.memref_slice %arg9[%add3A_17, %dma_start3A_20] : memref<10240x128xf32, #tpu.memory_space<vmem_shared>> -> memref<128x128xf32, #tpu.memory_space<vmem_shared>>
    tpu.enqueue_dma source(%arg7 : memref<128x128xf32, #tpu.memory_space<vmem>>) target(%dma_start3A_21 : memref<128x128xf32, #tpu.memory_space<vmem_shared>>) target_semaphore(%arg10 : memref<!tpu.dma_semaphore, #tpu.memory_space<semaphore_mem>>)
    %add3A_22 = arith.constant 384 : i32
    %add3A_23 = arith.addi %mul3A_4, %add3A_22 : i32
    %dma_start3A_24 = arith.constant 0 : i32
    %dma_start3A_25 = tpu.memref_slice %arg9[%add3A_23, %dma_start3A_24] : memref<10240x128xf32, #tpu.memory_space<vmem_shared>> -> memref<128x128xf32, #tpu.memory_space<vmem_shared>>
    %dma_start3A_26 = arith.constant 0 : i32
    %dma_start3A_27 = tpu.memref_slice %arg9[%add3A_23, %dma_start3A_26] : memref<10240x128xf32, #tpu.memory_space<vmem_shared>> -> memref<128x128xf32, #tpu.memory_space<vmem_shared>>
    tpu.enqueue_dma source(%arg7 : memref<128x128xf32, #tpu.memory_space<vmem>>) target(%dma_start3A_27 : memref<128x128xf32, #tpu.memory_space<vmem_shared>>) target_semaphore(%arg10 : memref<!tpu.dma_semaphore, #tpu.memory_space<semaphore_mem>>)
    %add3A_28 = arith.constant 512 : i32
    %add3A_29 = arith.addi %mul3A_4, %add3A_28 : i32
    %dma_start3A_30 = arith.constant 0 : i32
    %dma_start3A_31 = tpu.memref_slice %arg9[%add3A_29, %dma_start3A_30] : memref<10240x128xf32, #tpu.memory_space<vmem_shared>> -> memref<128x128xf32, #tpu.memory_space<vmem_shared>>
    %dma_start3A_32 = arith.constant 0 : i32
    %dma_start3A_33 = tpu.memref_slice %arg9[%add3A_29, %dma_start3A_32] : memref<10240x128xf32, #tpu.memory_space<vmem_shared>> -> memref<128x128xf32, #tpu.memory_space<vmem_shared>>
    tpu.enqueue_dma source(%arg7 : memref<128x128xf32, #tpu.memory_space<vmem>>) target(%dma_start3A_33 : memref<128x128xf32, #tpu.memory_space<vmem_shared>>) target_semaphore(%arg10 : memref<!tpu.dma_semaphore, #tpu.memory_space<semaphore_mem>>)
    %add3A_34 = arith.constant 0 : i32
    %add3A_35 = arith.addi %mul3A_4, %add3A_34 : i32
    %dma_wait3A = arith.constant 0 : i32
    %dma_wait3A_36 = tpu.memref_slice %arg9[%add3A_35, %dma_wait3A] : memref<10240x128xf32, #tpu.memory_space<vmem_shared>> -> memref<128x128xf32, #tpu.memory_space<vmem_shared>>
    %dma_wait3A_37 = arith.constant 0 : i32
    %dma_wait3A_38 = tpu.memref_slice %arg9[%add3A_35, %dma_wait3A_37] : memref<10240x128xf32, #tpu.memory_space<vmem_shared>> -> memref<128x128xf32, #tpu.memory_space<vmem_shared>>
    tpu.wait_dma2 semaphore(%arg10 : memref<!tpu.dma_semaphore, #tpu.memory_space<semaphore_mem>>) src(%arg7 : memref<128x128xf32, #tpu.memory_space<vmem>>) dst(%dma_wait3A_38 : memref<128x128xf32, #tpu.memory_space<vmem_shared>>)
    %add3A_39 = arith.constant 128 : i32
    %add3A_40 = arith.addi %mul3A_4, %add3A_39 : i32
    %dma_wait3A_41 = arith.constant 0 : i32
    %dma_wait3A_42 = tpu.memref_slice %arg9[%add3A_40, %dma_wait3A_41] : memref<10240x128xf32, #tpu.memory_space<vmem_shared>> -> memref<128x128xf32, #tpu.memory_space<vmem_shared>>
    %dma_wait3A_43 = arith.constant 0 : i32
    %dma_wait3A_44 = tpu.memref_slice %arg9[%add3A_40, %dma_wait3A_43] : memref<10240x128xf32, #tpu.memory_space<vmem_shared>> -> memref<128x128xf32, #tpu.memory_space<vmem_shared>>
    tpu.wait_dma2 semaphore(%arg10 : memref<!tpu.dma_semaphore, #tpu.memory_space<semaphore_mem>>) src(%arg7 : memref<128x128xf32, #tpu.memory_space<vmem>>) dst(%dma_wait3A_44 : memref<128x128xf32, #tpu.memory_space<vmem_shared>>)
    %add3A_45 = arith.constant 256 : i32
    %add3A_46 = arith.addi %mul3A_4, %add3A_45 : i32
    %dma_wait3A_47 = arith.constant 0 : i32
    %dma_wait3A_48 = tpu.memref_slice %arg9[%add3A_46, %dma_wait3A_47] : memref<10240x128xf32, #tpu.memory_space<vmem_shared>> -> memref<128x128xf32, #tpu.memory_space<vmem_shared>>
    %dma_wait3A_49 = arith.constant 0 : i32
    %dma_wait3A_50 = tpu.memref_slice %arg9[%add3A_46, %dma_wait3A_49] : memref<10240x128xf32, #tpu.memory_space<vmem_shared>> -> memref<128x128xf32, #tpu.memory_space<vmem_shared>>
    tpu.wait_dma2 semaphore(%arg10 : memref<!tpu.dma_semaphore, #tpu.memory_space<semaphore_mem>>) src(%arg7 : memref<128x128xf32, #tpu.memory_space<vmem>>) dst(%dma_wait3A_50 : memref<128x128xf32, #tpu.memory_space<vmem_shared>>)
    %add3A_51 = arith.constant 384 : i32
    %add3A_52 = arith.addi %mul3A_4, %add3A_51 : i32
    %dma_wait3A_53 = arith.constant 0 : i32
    %dma_wait3A_54 = tpu.memref_slice %arg9[%add3A_52, %dma_wait3A_53] : memref<10240x128xf32, #tpu.memory_space<vmem_shared>> -> memref<128x128xf32, #tpu.memory_space<vmem_shared>>
    %dma_wait3A_55 = arith.constant 0 : i32
    %dma_wait3A_56 = tpu.memref_slice %arg9[%add3A_52, %dma_wait3A_55] : memref<10240x128xf32, #tpu.memory_space<vmem_shared>> -> memref<128x128xf32, #tpu.memory_space<vmem_shared>>
    tpu.wait_dma2 semaphore(%arg10 : memref<!tpu.dma_semaphore, #tpu.memory_space<semaphore_mem>>) src(%arg7 : memref<128x128xf32, #tpu.memory_space<vmem>>) dst(%dma_wait3A_56 : memref<128x128xf32, #tpu.memory_space<vmem_shared>>)
    %add3A_57 = arith.constant 512 : i32
    %add3A_58 = arith.addi %mul3A_4, %add3A_57 : i32
    %dma_wait3A_59 = arith.constant 0 : i32
    %dma_wait3A_60 = tpu.memref_slice %arg9[%add3A_58, %dma_wait3A_59] : memref<10240x128xf32, #tpu.memory_space<vmem_shared>> -> memref<128x128xf32, #tpu.memory_space<vmem_shared>>
    %dma_wait3A_61 = arith.constant 0 : i32
    %dma_wait3A_62 = tpu.memref_slice %arg9[%add3A_58, %dma_wait3A_61] : memref<10240x128xf32, #tpu.memory_space<vmem_shared>> -> memref<128x128xf32, #tpu.memory_space<vmem_shared>>
    tpu.wait_dma2 semaphore(%arg10 : memref<!tpu.dma_semaphore, #tpu.memory_space<semaphore_mem>>) src(%arg7 : memref<128x128xf32, #tpu.memory_space<vmem>>) dst(%dma_wait3A_62 : memref<128x128xf32, #tpu.memory_space<vmem_shared>>)
    %barrier3A = arith.constant 0 : index
    tpu.barrier barrier_id(%barrier3A)
    %add3A_63 = arith.constant 0 : i32
    %add3A_64 = arith.addi %mul3A_2, %add3A_63 : i32
    "tpu.region"() ({
      %run_scoped3A_238 = tpu.sem_alloc : memref<!tpu.dma_semaphore, #tpu.memory_space<semaphore_mem>>
      %dma_start3A_239 = arith.constant 0 : i32
      %dma_start3A_240 = arith.constant 0 : i32
      %dma_start3A_241 = tpu.memref_slice %arg3[%add3A_64, %dma_start3A_239, %dma_start3A_240] : memref<2560x2x128xi32, #tpu.memory_space<hbm>> -> memref<40x2x128xi32, #tpu.memory_space<hbm>>
      %dma_start3A_242 = arith.constant 0 : i32
      %dma_start3A_243 = arith.constant 0 : i32
      %dma_start3A_244 = tpu.memref_slice %arg3[%add3A_64, %dma_start3A_242, %dma_start3A_243] : memref<2560x2x128xi32, #tpu.memory_space<hbm>> -> memref<40x2x128xi32, #tpu.memory_space<hbm>>
      tpu.enqueue_dma source(%dma_start3A_244 : memref<40x2x128xi32, #tpu.memory_space<hbm>>) target(%arg6 : memref<40x2x128xi32, #tpu.memory_space<vmem>>) target_semaphore(%run_scoped3A_238 : memref<!tpu.dma_semaphore, #tpu.memory_space<semaphore_mem>>)
      %dma_wait3A_245 = arith.constant 0 : i32
      %dma_wait3A_246 = arith.constant 0 : i32
      %dma_wait3A_247 = tpu.memref_slice %arg3[%add3A_64, %dma_wait3A_245, %dma_wait3A_246] : memref<2560x2x128xi32, #tpu.memory_space<hbm>> -> memref<40x2x128xi32, #tpu.memory_space<hbm>>
      %dma_wait3A_248 = arith.constant 0 : i32
      %dma_wait3A_249 = arith.constant 0 : i32
      %dma_wait3A_250 = tpu.memref_slice %arg3[%add3A_64, %dma_wait3A_248, %dma_wait3A_249] : memref<2560x2x128xi32, #tpu.memory_space<hbm>> -> memref<40x2x128xi32, #tpu.memory_space<hbm>>
      tpu.wait_dma2 semaphore(%run_scoped3A_238 : memref<!tpu.dma_semaphore, #tpu.memory_space<semaphore_mem>>) src(%dma_wait3A_250 : memref<40x2x128xi32, #tpu.memory_space<hbm>>) dst(%arg6 : memref<40x2x128xi32, #tpu.memory_space<vmem>>)
      tpu.yield
    }) : () -> ()
    %dma_start3A_65 = arith.constant 0 : i32
    %dma_start3A_66 = arith.constant 0 : i32
    %dma_start3A_67 = arith.constant 0 : i32
    %dma_start3A_68 = tpu.memref_slice %arg6[%dma_start3A_65, %dma_start3A_66, %dma_start3A_67] : memref<40x2x128xi32, #tpu.memory_space<vmem>> -> memref<1x1x128xi32, #tpu.memory_space<vmem>>
    %dma_start3A_69 = tpu.memref_squeeze %dma_start3A_68 : memref<1x1x128xi32, #tpu.memory_space<vmem>> -> memref<128xi32, #tpu.memory_space<vmem>>
    %dma_start3A_70 = arith.constant 0 : i32
    %dma_start3A_71 = arith.constant 0 : i32
    %dma_start3A_72 = tpu.memref_slice %arg2[%dma_start3A_70, %dma_start3A_71] : memref<10240x128xf32, #tpu.memory_space<hbm>> -> memref<10240x128xf32, #tpu.memory_space<hbm>>
    tpu.enqueue_indirect_dma source(%dma_start3A_72 : memref<10240x128xf32, #tpu.memory_space<hbm>>) target(%arg7 : memref<128x128xf32, #tpu.memory_space<vmem>>) offsets(%dma_start3A_69 : memref<128xi32, #tpu.memory_space<vmem>>) semaphore(%arg10 : memref<!tpu.dma_semaphore, #tpu.memory_space<semaphore_mem>>)
    %dma_start3A_73 = arith.constant 1 : i32
    %dma_start3A_74 = arith.constant 0 : i32
    %dma_start3A_75 = arith.constant 0 : i32
    %dma_start3A_76 = tpu.memref_slice %arg6[%dma_start3A_73, %dma_start3A_74, %dma_start3A_75] : memref<40x2x128xi32, #tpu.memory_space<vmem>> -> memref<1x1x128xi32, #tpu.memory_space<vmem>>
    %dma_start3A_77 = tpu.memref_squeeze %dma_start3A_76 : memref<1x1x128xi32, #tpu.memory_space<vmem>> -> memref<128xi32, #tpu.memory_space<vmem>>
    %dma_start3A_78 = arith.constant 0 : i32
    %dma_start3A_79 = arith.constant 0 : i32
    %dma_start3A_80 = tpu.memref_slice %arg2[%dma_start3A_78, %dma_start3A_79] : memref<10240x128xf32, #tpu.memory_space<hbm>> -> memref<10240x128xf32, #tpu.memory_space<hbm>>
    tpu.enqueue_indirect_dma source(%dma_start3A_80 : memref<10240x128xf32, #tpu.memory_space<hbm>>) target(%arg8 : memref<128x128xf32, #tpu.memory_space<vmem>>) offsets(%dma_start3A_77 : memref<128xi32, #tpu.memory_space<vmem>>) semaphore(%arg11 : memref<!tpu.dma_semaphore, #tpu.memory_space<semaphore_mem>>)
    %scan3A = arith.constant 0 : i32
    %scan3A_81 = arith.constant 19 : i32
    %scan3A_82 = arith.addi %scan3A, %scan3A_81 : i32
    %scan3A_83 = arith.constant 1 : i32
    scf.for %scan3A_238 = %scan3A to %scan3A_82 step %scan3A_83  : i32 {
      %mul3A_239 = arith.constant 2 : i32
      %mul3A_240 = arith.muli %mul3A_239, %scan3A_238 : i32
      %dma_wait3A_241 = arith.constant 0 : i32
      %dma_wait3A_242 = arith.constant 0 : i32
      %dma_wait3A_243 = arith.constant 0 : i32
      %dma_wait3A_244 = tpu.memref_slice %arg6[%dma_wait3A_241, %dma_wait3A_242, %dma_wait3A_243] : memref<40x2x128xi32, #tpu.memory_space<vmem>> -> memref<1x1x128xi32, #tpu.memory_space<vmem>>
      %dma_wait3A_245 = tpu.memref_squeeze %dma_wait3A_244 : memref<1x1x128xi32, #tpu.memory_space<vmem>> -> memref<128xi32, #tpu.memory_space<vmem>>
      %dma_wait3A_246 = arith.constant 0 : i32
      %dma_wait3A_247 = arith.constant 0 : i32
      %dma_wait3A_248 = tpu.memref_slice %arg2[%dma_wait3A_246, %dma_wait3A_247] : memref<10240x128xf32, #tpu.memory_space<hbm>> -> memref<10240x128xf32, #tpu.memory_space<hbm>>
      tpu.wait_indirect_dma semaphore(%arg10 : memref<!tpu.dma_semaphore, #tpu.memory_space<semaphore_mem>>) src(%dma_wait3A_248 : memref<10240x128xf32, #tpu.memory_space<hbm>>) dst(%arg7 : memref<128x128xf32, #tpu.memory_space<vmem>>)
      %run_scoped3A_249 = arith.constant 1 : i32
      "tpu.region"() ({
        %run_scoped3A_281 = tpu.sem_alloc : memref<!tpu.dma_semaphore, #tpu.memory_space<semaphore_mem>>
        %dma_start3A_282 = arith.constant 0 : i32
        %dma_start3A_283 = tpu.memref_slice %arg6[%mul3A_240, %run_scoped3A_249, %dma_start3A_282] : memref<40x2x128xi32, #tpu.memory_space<vmem>> -> memref<1x1x128xi32, #tpu.memory_space<vmem>>
        %dma_start3A_284 = tpu.memref_squeeze %dma_start3A_283 : memref<1x1x128xi32, #tpu.memory_space<vmem>> -> memref<128xi32, #tpu.memory_space<vmem>>
        %dma_start3A_285 = arith.constant 0 : i32
        %dma_start3A_286 = arith.constant 0 : i32
        %dma_start3A_287 = tpu.memref_slice %arg9[%dma_start3A_285, %dma_start3A_286] : memref<10240x128xf32, #tpu.memory_space<vmem_shared>> -> memref<10240x128xf32, #tpu.memory_space<vmem_shared>>
        tpu.enqueue_indirect_dma source(%arg7 : memref<128x128xf32, #tpu.memory_space<vmem>>) target(%dma_start3A_287 : memref<10240x128xf32, #tpu.memory_space<vmem_shared>>) offsets(%dma_start3A_284 : memref<128xi32, #tpu.memory_space<vmem>>) semaphore(%run_scoped3A_281 : memref<!tpu.dma_semaphore, #tpu.memory_space<semaphore_mem>>) {add = true}
        %dma_wait3A_288 = arith.constant 0 : i32
        %dma_wait3A_289 = tpu.memref_slice %arg6[%mul3A_240, %run_scoped3A_249, %dma_wait3A_288] : memref<40x2x128xi32, #tpu.memory_space<vmem>> -> memref<1x1x128xi32, #tpu.memory_space<vmem>>
        %dma_wait3A_290 = tpu.memref_squeeze %dma_wait3A_289 : memref<1x1x128xi32, #tpu.memory_space<vmem>> -> memref<128xi32, #tpu.memory_space<vmem>>
        %dma_wait3A_291 = arith.constant 0 : i32
        %dma_wait3A_292 = arith.constant 0 : i32
        %dma_wait3A_293 = tpu.memref_slice %arg9[%dma_wait3A_291, %dma_wait3A_292] : memref<10240x128xf32, #tpu.memory_space<vmem_shared>> -> memref<10240x128xf32, #tpu.memory_space<vmem_shared>>
        tpu.wait_indirect_dma semaphore(%run_scoped3A_281 : memref<!tpu.dma_semaphore, #tpu.memory_space<semaphore_mem>>) src(%arg7 : memref<128x128xf32, #tpu.memory_space<vmem>>) dst(%dma_wait3A_293 : memref<10240x128xf32, #tpu.memory_space<vmem_shared>>)
        tpu.yield
      }) : () -> ()
      %add3A_250 = arith.constant 2 : i32
      %add3A_251 = arith.addi %mul3A_240, %add3A_250 : i32
      %dma_start3A_252 = arith.constant 0 : i32
      %dma_start3A_253 = arith.constant 0 : i32
      %dma_start3A_254 = tpu.memref_slice %arg6[%add3A_251, %dma_start3A_252, %dma_start3A_253] : memref<40x2x128xi32, #tpu.memory_space<vmem>> -> memref<1x1x128xi32, #tpu.memory_space<vmem>>
      %dma_start3A_255 = tpu.memref_squeeze %dma_start3A_254 : memref<1x1x128xi32, #tpu.memory_space<vmem>> -> memref<128xi32, #tpu.memory_space<vmem>>
      %dma_start3A_256 = arith.constant 0 : i32
      %dma_start3A_257 = arith.constant 0 : i32
      %dma_start3A_258 = tpu.memref_slice %arg2[%dma_start3A_256, %dma_start3A_257] : memref<10240x128xf32, #tpu.memory_space<hbm>> -> memref<10240x128xf32, #tpu.memory_space<hbm>>
      tpu.enqueue_indirect_dma source(%dma_start3A_258 : memref<10240x128xf32, #tpu.memory_space<hbm>>) target(%arg7 : memref<128x128xf32, #tpu.memory_space<vmem>>) offsets(%dma_start3A_255 : memref<128xi32, #tpu.memory_space<vmem>>) semaphore(%arg10 : memref<!tpu.dma_semaphore, #tpu.memory_space<semaphore_mem>>)
      %mul3A_259 = arith.constant 2 : i32
      %mul3A_260 = arith.muli %mul3A_259, %scan3A_238 : i32
      %add3A_261 = arith.constant 1 : i32
      %add3A_262 = arith.addi %mul3A_260, %add3A_261 : i32
      %dma_wait3A_263 = arith.constant 0 : i32
      %dma_wait3A_264 = arith.constant 0 : i32
      %dma_wait3A_265 = arith.constant 0 : i32
      %dma_wait3A_266 = tpu.memref_slice %arg6[%dma_wait3A_263, %dma_wait3A_264, %dma_wait3A_265] : memref<40x2x128xi32, #tpu.memory_space<vmem>> -> memref<1x1x128xi32, #tpu.memory_space<vmem>>
      %dma_wait3A_267 = tpu.memref_squeeze %dma_wait3A_266 : memref<1x1x128xi32, #tpu.memory_space<vmem>> -> memref<128xi32, #tpu.memory_space<vmem>>
      %dma_wait3A_268 = arith.constant 0 : i32
      %dma_wait3A_269 = arith.constant 0 : i32
      %dma_wait3A_270 = tpu.memref_slice %arg2[%dma_wait3A_268, %dma_wait3A_269] : memref<10240x128xf32, #tpu.memory_space<hbm>> -> memref<10240x128xf32, #tpu.memory_space<hbm>>
      tpu.wait_indirect_dma semaphore(%arg11 : memref<!tpu.dma_semaphore, #tpu.memory_space<semaphore_mem>>) src(%dma_wait3A_270 : memref<10240x128xf32, #tpu.memory_space<hbm>>) dst(%arg8 : memref<128x128xf32, #tpu.memory_space<vmem>>)
      %run_scoped3A_271 = arith.constant 1 : i32
      "tpu.region"() ({
        %run_scoped3A_281 = tpu.sem_alloc : memref<!tpu.dma_semaphore, #tpu.memory_space<semaphore_mem>>
        %dma_start3A_282 = arith.constant 0 : i32
        %dma_start3A_283 = tpu.memref_slice %arg6[%add3A_262, %run_scoped3A_271, %dma_start3A_282] : memref<40x2x128xi32, #tpu.memory_space<vmem>> -> memref<1x1x128xi32, #tpu.memory_space<vmem>>
        %dma_start3A_284 = tpu.memref_squeeze %dma_start3A_283 : memref<1x1x128xi32, #tpu.memory_space<vmem>> -> memref<128xi32, #tpu.memory_space<vmem>>
        %dma_start3A_285 = arith.constant 0 : i32
        %dma_start3A_286 = arith.constant 0 : i32
        %dma_start3A_287 = tpu.memref_slice %arg9[%dma_start3A_285, %dma_start3A_286] : memref<10240x128xf32, #tpu.memory_space<vmem_shared>> -> memref<10240x128xf32, #tpu.memory_space<vmem_shared>>
        tpu.enqueue_indirect_dma source(%arg8 : memref<128x128xf32, #tpu.memory_space<vmem>>) target(%dma_start3A_287 : memref<10240x128xf32, #tpu.memory_space<vmem_shared>>) offsets(%dma_start3A_284 : memref<128xi32, #tpu.memory_space<vmem>>) semaphore(%run_scoped3A_281 : memref<!tpu.dma_semaphore, #tpu.memory_space<semaphore_mem>>) {add = true}
        %dma_wait3A_288 = arith.constant 0 : i32
        %dma_wait3A_289 = tpu.memref_slice %arg6[%add3A_262, %run_scoped3A_271, %dma_wait3A_288] : memref<40x2x128xi32, #tpu.memory_space<vmem>> -> memref<1x1x128xi32, #tpu.memory_space<vmem>>
        %dma_wait3A_290 = tpu.memref_squeeze %dma_wait3A_289 : memref<1x1x128xi32, #tpu.memory_space<vmem>> -> memref<128xi32, #tpu.memory_space<vmem>>
        %dma_wait3A_291 = arith.constant 0 : i32
        %dma_wait3A_292 = arith.constant 0 : i32
        %dma_wait3A_293 = tpu.memref_slice %arg9[%dma_wait3A_291, %dma_wait3A_292] : memref<10240x128xf32, #tpu.memory_space<vmem_shared>> -> memref<10240x128xf32, #tpu.memory_space<vmem_shared>>
        tpu.wait_indirect_dma semaphore(%run_scoped3A_281 : memref<!tpu.dma_semaphore, #tpu.memory_space<semaphore_mem>>) src(%arg8 : memref<128x128xf32, #tpu.memory_space<vmem>>) dst(%dma_wait3A_293 : memref<10240x128xf32, #tpu.memory_space<vmem_shared>>)
        tpu.yield
      }) : () -> ()
      %add3A_272 = arith.constant 2 : i32
      %add3A_273 = arith.addi %add3A_262, %add3A_272 : i32
      %dma_start3A_274 = arith.constant 0 : i32
      %dma_start3A_275 = arith.constant 0 : i32
      %dma_start3A_276 = tpu.memref_slice %arg6[%add3A_273, %dma_start3A_274, %dma_start3A_275] : memref<40x2x128xi32, #tpu.memory_space<vmem>> -> memref<1x1x128xi32, #tpu.memory_space<vmem>>
      %dma_start3A_277 = tpu.memref_squeeze %dma_start3A_276 : memref<1x1x128xi32, #tpu.memory_space<vmem>> -> memref<128xi32, #tpu.memory_space<vmem>>
      %dma_start3A_278 = arith.constant 0 : i32
      %dma_start3A_279 = arith.constant 0 : i32
      %dma_start3A_280 = tpu.memref_slice %arg2[%dma_start3A_278, %dma_start3A_279] : memref<10240x128xf32, #tpu.memory_space<hbm>> -> memref<10240x128xf32, #tpu.memory_space<hbm>>
      tpu.enqueue_indirect_dma source(%dma_start3A_280 : memref<10240x128xf32, #tpu.memory_space<hbm>>) target(%arg8 : memref<128x128xf32, #tpu.memory_space<vmem>>) offsets(%dma_start3A_277 : memref<128xi32, #tpu.memory_space<vmem>>) semaphore(%arg11 : memref<!tpu.dma_semaphore, #tpu.memory_space<semaphore_mem>>)
    }
    %scan3A_84 = arith.constant 19 : i32
    %dma_wait3A_85 = arith.constant 0 : i32
    %dma_wait3A_86 = arith.constant 0 : i32
    %dma_wait3A_87 = arith.constant 0 : i32
    %dma_wait3A_88 = tpu.memref_slice %arg6[%dma_wait3A_85, %dma_wait3A_86, %dma_wait3A_87] : memref<40x2x128xi32, #tpu.memory_space<vmem>> -> memref<1x1x128xi32, #tpu.memory_space<vmem>>
    %dma_wait3A_89 = tpu.memref_squeeze %dma_wait3A_88 : memref<1x1x128xi32, #tpu.memory_space<vmem>> -> memref<128xi32, #tpu.memory_space<vmem>>
    %dma_wait3A_90 = arith.constant 0 : i32
    %dma_wait3A_91 = arith.constant 0 : i32
    %dma_wait3A_92 = tpu.memref_slice %arg2[%dma_wait3A_90, %dma_wait3A_91] : memref<10240x128xf32, #tpu.memory_space<hbm>> -> memref<10240x128xf32, #tpu.memory_space<hbm>>
    tpu.wait_indirect_dma semaphore(%arg10 : memref<!tpu.dma_semaphore, #tpu.memory_space<semaphore_mem>>) src(%dma_wait3A_92 : memref<10240x128xf32, #tpu.memory_space<hbm>>) dst(%arg7 : memref<128x128xf32, #tpu.memory_space<vmem>>)
    %run_scoped3A = arith.constant 38 : i32
    %run_scoped3A_93 = arith.constant 1 : i32
    "tpu.region"() ({
      %run_scoped3A_238 = tpu.sem_alloc : memref<!tpu.dma_semaphore, #tpu.memory_space<semaphore_mem>>
      %dma_start3A_239 = arith.constant 0 : i32
      %dma_start3A_240 = tpu.memref_slice %arg6[%run_scoped3A, %run_scoped3A_93, %dma_start3A_239] : memref<40x2x128xi32, #tpu.memory_space<vmem>> -> memref<1x1x128xi32, #tpu.memory_space<vmem>>
      %dma_start3A_241 = tpu.memref_squeeze %dma_start3A_240 : memref<1x1x128xi32, #tpu.memory_space<vmem>> -> memref<128xi32, #tpu.memory_space<vmem>>
      %dma_start3A_242 = arith.constant 0 : i32
      %dma_start3A_243 = arith.constant 0 : i32
      %dma_start3A_244 = tpu.memref_slice %arg9[%dma_start3A_242, %dma_start3A_243] : memref<10240x128xf32, #tpu.memory_space<vmem_shared>> -> memref<10240x128xf32, #tpu.memory_space<vmem_shared>>
      tpu.enqueue_indirect_dma source(%arg7 : memref<128x128xf32, #tpu.memory_space<vmem>>) target(%dma_start3A_244 : memref<10240x128xf32, #tpu.memory_space<vmem_shared>>) offsets(%dma_start3A_241 : memref<128xi32, #tpu.memory_space<vmem>>) semaphore(%run_scoped3A_238 : memref<!tpu.dma_semaphore, #tpu.memory_space<semaphore_mem>>) {add = true}
      %dma_wait3A_245 = arith.constant 0 : i32
      %dma_wait3A_246 = tpu.memref_slice %arg6[%run_scoped3A, %run_scoped3A_93, %dma_wait3A_245] : memref<40x2x128xi32, #tpu.memory_space<vmem>> -> memref<1x1x128xi32, #tpu.memory_space<vmem>>
      %dma_wait3A_247 = tpu.memref_squeeze %dma_wait3A_246 : memref<1x1x128xi32, #tpu.memory_space<vmem>> -> memref<128xi32, #tpu.memory_space<vmem>>
      %dma_wait3A_248 = arith.constant 0 : i32
      %dma_wait3A_249 = arith.constant 0 : i32
      %dma_wait3A_250 = tpu.memref_slice %arg9[%dma_wait3A_248, %dma_wait3A_249] : memref<10240x128xf32, #tpu.memory_space<vmem_shared>> -> memref<10240x128xf32, #tpu.memory_space<vmem_shared>>
      tpu.wait_indirect_dma semaphore(%run_scoped3A_238 : memref<!tpu.dma_semaphore, #tpu.memory_space<semaphore_mem>>) src(%arg7 : memref<128x128xf32, #tpu.memory_space<vmem>>) dst(%dma_wait3A_250 : memref<10240x128xf32, #tpu.memory_space<vmem_shared>>)
      tpu.yield
    }) : () -> ()
    %dma_wait3A_94 = arith.constant 0 : i32
    %dma_wait3A_95 = arith.constant 0 : i32
    %dma_wait3A_96 = arith.constant 0 : i32
    %dma_wait3A_97 = tpu.memref_slice %arg6[%dma_wait3A_94, %dma_wait3A_95, %dma_wait3A_96] : memref<40x2x128xi32, #tpu.memory_space<vmem>> -> memref<1x1x128xi32, #tpu.memory_space<vmem>>
    %dma_wait3A_98 = tpu.memref_squeeze %dma_wait3A_97 : memref<1x1x128xi32, #tpu.memory_space<vmem>> -> memref<128xi32, #tpu.memory_space<vmem>>
    %dma_wait3A_99 = arith.constant 0 : i32
    %dma_wait3A_100 = arith.constant 0 : i32
    %dma_wait3A_101 = tpu.memref_slice %arg2[%dma_wait3A_99, %dma_wait3A_100] : memref<10240x128xf32, #tpu.memory_space<hbm>> -> memref<10240x128xf32, #tpu.memory_space<hbm>>
    tpu.wait_indirect_dma semaphore(%arg11 : memref<!tpu.dma_semaphore, #tpu.memory_space<semaphore_mem>>) src(%dma_wait3A_101 : memref<10240x128xf32, #tpu.memory_space<hbm>>) dst(%arg8 : memref<128x128xf32, #tpu.memory_space<vmem>>)
    %run_scoped3A_102 = arith.constant 39 : i32
    %run_scoped3A_103 = arith.constant 1 : i32
    "tpu.region"() ({
      %run_scoped3A_238 = tpu.sem_alloc : memref<!tpu.dma_semaphore, #tpu.memory_space<semaphore_mem>>
      %dma_start3A_239 = arith.constant 0 : i32
      %dma_start3A_240 = tpu.memref_slice %arg6[%run_scoped3A_102, %run_scoped3A_103, %dma_start3A_239] : memref<40x2x128xi32, #tpu.memory_space<vmem>> -> memref<1x1x128xi32, #tpu.memory_space<vmem>>
      %dma_start3A_241 = tpu.memref_squeeze %dma_start3A_240 : memref<1x1x128xi32, #tpu.memory_space<vmem>> -> memref<128xi32, #tpu.memory_space<vmem>>
      %dma_start3A_242 = arith.constant 0 : i32
      %dma_start3A_243 = arith.constant 0 : i32
      %dma_start3A_244 = tpu.memref_slice %arg9[%dma_start3A_242, %dma_start3A_243] : memref<10240x128xf32, #tpu.memory_space<vmem_shared>> -> memref<10240x128xf32, #tpu.memory_space<vmem_shared>>
      tpu.enqueue_indirect_dma source(%arg8 : memref<128x128xf32, #tpu.memory_space<vmem>>) target(%dma_start3A_244 : memref<10240x128xf32, #tpu.memory_space<vmem_shared>>) offsets(%dma_start3A_241 : memref<128xi32, #tpu.memory_space<vmem>>) semaphore(%run_scoped3A_238 : memref<!tpu.dma_semaphore, #tpu.memory_space<semaphore_mem>>) {add = true}
      %dma_wait3A_245 = arith.constant 0 : i32
      %dma_wait3A_246 = tpu.memref_slice %arg6[%run_scoped3A_102, %run_scoped3A_103, %dma_wait3A_245] : memref<40x2x128xi32, #tpu.memory_space<vmem>> -> memref<1x1x128xi32, #tpu.memory_space<vmem>>
      %dma_wait3A_247 = tpu.memref_squeeze %dma_wait3A_246 : memref<1x1x128xi32, #tpu.memory_space<vmem>> -> memref<128xi32, #tpu.memory_space<vmem>>
      %dma_wait3A_248 = arith.constant 0 : i32
      %dma_wait3A_249 = arith.constant 0 : i32
      %dma_wait3A_250 = tpu.memref_slice %arg9[%dma_wait3A_248, %dma_wait3A_249] : memref<10240x128xf32, #tpu.memory_space<vmem_shared>> -> memref<10240x128xf32, #tpu.memory_space<vmem_shared>>
      tpu.wait_indirect_dma semaphore(%run_scoped3A_238 : memref<!tpu.dma_semaphore, #tpu.memory_space<semaphore_mem>>) src(%arg8 : memref<128x128xf32, #tpu.memory_space<vmem>>) dst(%dma_wait3A_250 : memref<10240x128xf32, #tpu.memory_space<vmem_shared>>)
      tpu.yield
    }) : () -> ()
    %add3A_104 = arith.constant 40 : i32
    %add3A_105 = arith.addi %mul3A_2, %add3A_104 : i32
    "tpu.region"() ({
      %run_scoped3A_238 = tpu.sem_alloc : memref<!tpu.dma_semaphore, #tpu.memory_space<semaphore_mem>>
      %dma_start3A_239 = arith.constant 0 : i32
      %dma_start3A_240 = arith.constant 0 : i32
      %dma_start3A_241 = tpu.memref_slice %arg3[%add3A_105, %dma_start3A_239, %dma_start3A_240] : memref<2560x2x128xi32, #tpu.memory_space<hbm>> -> memref<40x2x128xi32, #tpu.memory_space<hbm>>
      %dma_start3A_242 = arith.constant 0 : i32
      %dma_start3A_243 = arith.constant 0 : i32
      %dma_start3A_244 = tpu.memref_slice %arg3[%add3A_105, %dma_start3A_242, %dma_start3A_243] : memref<2560x2x128xi32, #tpu.memory_space<hbm>> -> memref<40x2x128xi32, #tpu.memory_space<hbm>>
      tpu.enqueue_dma source(%dma_start3A_244 : memref<40x2x128xi32, #tpu.memory_space<hbm>>) target(%arg6 : memref<40x2x128xi32, #tpu.memory_space<vmem>>) target_semaphore(%run_scoped3A_238 : memref<!tpu.dma_semaphore, #tpu.memory_space<semaphore_mem>>)
      %dma_wait3A_245 = arith.constant 0 : i32
      %dma_wait3A_246 = arith.constant 0 : i32
      %dma_wait3A_247 = tpu.memref_slice %arg3[%add3A_105, %dma_wait3A_245, %dma_wait3A_246] : memref<2560x2x128xi32, #tpu.memory_space<hbm>> -> memref<40x2x128xi32, #tpu.memory_space<hbm>>
      %dma_wait3A_248 = arith.constant 0 : i32
      %dma_wait3A_249 = arith.constant 0 : i32
      %dma_wait3A_250 = tpu.memref_slice %arg3[%add3A_105, %dma_wait3A_248, %dma_wait3A_249] : memref<2560x2x128xi32, #tpu.memory_space<hbm>> -> memref<40x2x128xi32, #tpu.memory_space<hbm>>
      tpu.wait_dma2 semaphore(%run_scoped3A_238 : memref<!tpu.dma_semaphore, #tpu.memory_space<semaphore_mem>>) src(%dma_wait3A_250 : memref<40x2x128xi32, #tpu.memory_space<hbm>>) dst(%arg6 : memref<40x2x128xi32, #tpu.memory_space<vmem>>)
      tpu.yield
    }) : () -> ()
    %dma_start3A_106 = arith.constant 0 : i32
    %dma_start3A_107 = arith.constant 0 : i32
    %dma_start3A_108 = arith.constant 0 : i32
    %dma_start3A_109 = tpu.memref_slice %arg6[%dma_start3A_106, %dma_start3A_107, %dma_start3A_108] : memref<40x2x128xi32, #tpu.memory_space<vmem>> -> memref<1x1x128xi32, #tpu.memory_space<vmem>>
    %dma_start3A_110 = tpu.memref_squeeze %dma_start3A_109 : memref<1x1x128xi32, #tpu.memory_space<vmem>> -> memref<128xi32, #tpu.memory_space<vmem>>
    %dma_start3A_111 = arith.constant 0 : i32
    %dma_start3A_112 = arith.constant 0 : i32
    %dma_start3A_113 = tpu.memref_slice %arg2[%dma_start3A_111, %dma_start3A_112] : memref<10240x128xf32, #tpu.memory_space<hbm>> -> memref<10240x128xf32, #tpu.memory_space<hbm>>
    tpu.enqueue_indirect_dma source(%dma_start3A_113 : memref<10240x128xf32, #tpu.memory_space<hbm>>) target(%arg7 : memref<128x128xf32, #tpu.memory_space<vmem>>) offsets(%dma_start3A_110 : memref<128xi32, #tpu.memory_space<vmem>>) semaphore(%arg10 : memref<!tpu.dma_semaphore, #tpu.memory_space<semaphore_mem>>)
    %dma_start3A_114 = arith.constant 1 : i32
    %dma_start3A_115 = arith.constant 0 : i32
    %dma_start3A_116 = arith.constant 0 : i32
    %dma_start3A_117 = tpu.memref_slice %arg6[%dma_start3A_114, %dma_start3A_115, %dma_start3A_116] : memref<40x2x128xi32, #tpu.memory_space<vmem>> -> memref<1x1x128xi32, #tpu.memory_space<vmem>>
    %dma_start3A_118 = tpu.memref_squeeze %dma_start3A_117 : memref<1x1x128xi32, #tpu.memory_space<vmem>> -> memref<128xi32, #tpu.memory_space<vmem>>
    %dma_start3A_119 = arith.constant 0 : i32
    %dma_start3A_120 = arith.constant 0 : i32
    %dma_start3A_121 = tpu.memref_slice %arg2[%dma_start3A_119, %dma_start3A_120] : memref<10240x128xf32, #tpu.memory_space<hbm>> -> memref<10240x128xf32, #tpu.memory_space<hbm>>
    tpu.enqueue_indirect_dma source(%dma_start3A_121 : memref<10240x128xf32, #tpu.memory_space<hbm>>) target(%arg8 : memref<128x128xf32, #tpu.memory_space<vmem>>) offsets(%dma_start3A_118 : memref<128xi32, #tpu.memory_space<vmem>>) semaphore(%arg11 : memref<!tpu.dma_semaphore, #tpu.memory_space<semaphore_mem>>)
    %scan3A_122 = arith.constant 0 : i32
    %scan3A_123 = arith.constant 19 : i32
    %scan3A_124 = arith.addi %scan3A_122, %scan3A_123 : i32
    %scan3A_125 = arith.constant 1 : i32
    scf.for %scan3A_238 = %scan3A_122 to %scan3A_124 step %scan3A_125  : i32 {
      %mul3A_239 = arith.constant 2 : i32
      %mul3A_240 = arith.muli %mul3A_239, %scan3A_238 : i32
      %dma_wait3A_241 = arith.constant 0 : i32
      %dma_wait3A_242 = arith.constant 0 : i32
      %dma_wait3A_243 = arith.constant 0 : i32
      %dma_wait3A_244 = tpu.memref_slice %arg6[%dma_wait3A_241, %dma_wait3A_242, %dma_wait3A_243] : memref<40x2x128xi32, #tpu.memory_space<vmem>> -> memref<1x1x128xi32, #tpu.memory_space<vmem>>
      %dma_wait3A_245 = tpu.memref_squeeze %dma_wait3A_244 : memref<1x1x128xi32, #tpu.memory_space<vmem>> -> memref<128xi32, #tpu.memory_space<vmem>>
      %dma_wait3A_246 = arith.constant 0 : i32
      %dma_wait3A_247 = arith.constant 0 : i32
      %dma_wait3A_248 = tpu.memref_slice %arg2[%dma_wait3A_246, %dma_wait3A_247] : memref<10240x128xf32, #tpu.memory_space<hbm>> -> memref<10240x128xf32, #tpu.memory_space<hbm>>
      tpu.wait_indirect_dma semaphore(%arg10 : memref<!tpu.dma_semaphore, #tpu.memory_space<semaphore_mem>>) src(%dma_wait3A_248 : memref<10240x128xf32, #tpu.memory_space<hbm>>) dst(%arg7 : memref<128x128xf32, #tpu.memory_space<vmem>>)
      %run_scoped3A_249 = arith.constant 1 : i32
      "tpu.region"() ({
        %run_scoped3A_281 = tpu.sem_alloc : memref<!tpu.dma_semaphore, #tpu.memory_space<semaphore_mem>>
        %dma_start3A_282 = arith.constant 0 : i32
        %dma_start3A_283 = tpu.memref_slice %arg6[%mul3A_240, %run_scoped3A_249, %dma_start3A_282] : memref<40x2x128xi32, #tpu.memory_space<vmem>> -> memref<1x1x128xi32, #tpu.memory_space<vmem>>
        %dma_start3A_284 = tpu.memref_squeeze %dma_start3A_283 : memref<1x1x128xi32, #tpu.memory_space<vmem>> -> memref<128xi32, #tpu.memory_space<vmem>>
        %dma_start3A_285 = arith.constant 0 : i32
        %dma_start3A_286 = arith.constant 0 : i32
        %dma_start3A_287 = tpu.memref_slice %arg9[%dma_start3A_285, %dma_start3A_286] : memref<10240x128xf32, #tpu.memory_space<vmem_shared>> -> memref<10240x128xf32, #tpu.memory_space<vmem_shared>>
        tpu.enqueue_indirect_dma source(%arg7 : memref<128x128xf32, #tpu.memory_space<vmem>>) target(%dma_start3A_287 : memref<10240x128xf32, #tpu.memory_space<vmem_shared>>) offsets(%dma_start3A_284 : memref<128xi32, #tpu.memory_space<vmem>>) semaphore(%run_scoped3A_281 : memref<!tpu.dma_semaphore, #tpu.memory_space<semaphore_mem>>) {add = true}
        %dma_wait3A_288 = arith.constant 0 : i32
        %dma_wait3A_289 = tpu.memref_slice %arg6[%mul3A_240, %run_scoped3A_249, %dma_wait3A_288] : memref<40x2x128xi32, #tpu.memory_space<vmem>> -> memref<1x1x128xi32, #tpu.memory_space<vmem>>
        %dma_wait3A_290 = tpu.memref_squeeze %dma_wait3A_289 : memref<1x1x128xi32, #tpu.memory_space<vmem>> -> memref<128xi32, #tpu.memory_space<vmem>>
        %dma_wait3A_291 = arith.constant 0 : i32
        %dma_wait3A_292 = arith.constant 0 : i32
        %dma_wait3A_293 = tpu.memref_slice %arg9[%dma_wait3A_291, %dma_wait3A_292] : memref<10240x128xf32, #tpu.memory_space<vmem_shared>> -> memref<10240x128xf32, #tpu.memory_space<vmem_shared>>
        tpu.wait_indirect_dma semaphore(%run_scoped3A_281 : memref<!tpu.dma_semaphore, #tpu.memory_space<semaphore_mem>>) src(%arg7 : memref<128x128xf32, #tpu.memory_space<vmem>>) dst(%dma_wait3A_293 : memref<10240x128xf32, #tpu.memory_space<vmem_shared>>)
        tpu.yield
      }) : () -> ()
      %add3A_250 = arith.constant 2 : i32
      %add3A_251 = arith.addi %mul3A_240, %add3A_250 : i32
      %dma_start3A_252 = arith.constant 0 : i32
      %dma_start3A_253 = arith.constant 0 : i32
      %dma_start3A_254 = tpu.memref_slice %arg6[%add3A_251, %dma_start3A_252, %dma_start3A_253] : memref<40x2x128xi32, #tpu.memory_space<vmem>> -> memref<1x1x128xi32, #tpu.memory_space<vmem>>
      %dma_start3A_255 = tpu.memref_squeeze %dma_start3A_254 : memref<1x1x128xi32, #tpu.memory_space<vmem>> -> memref<128xi32, #tpu.memory_space<vmem>>
      %dma_start3A_256 = arith.constant 0 : i32
      %dma_start3A_257 = arith.constant 0 : i32
      %dma_start3A_258 = tpu.memref_slice %arg2[%dma_start3A_256, %dma_start3A_257] : memref<10240x128xf32, #tpu.memory_space<hbm>> -> memref<10240x128xf32, #tpu.memory_space<hbm>>
      tpu.enqueue_indirect_dma source(%dma_start3A_258 : memref<10240x128xf32, #tpu.memory_space<hbm>>) target(%arg7 : memref<128x128xf32, #tpu.memory_space<vmem>>) offsets(%dma_start3A_255 : memref<128xi32, #tpu.memory_space<vmem>>) semaphore(%arg10 : memref<!tpu.dma_semaphore, #tpu.memory_space<semaphore_mem>>)
      %mul3A_259 = arith.constant 2 : i32
      %mul3A_260 = arith.muli %mul3A_259, %scan3A_238 : i32
      %add3A_261 = arith.constant 1 : i32
      %add3A_262 = arith.addi %mul3A_260, %add3A_261 : i32
      %dma_wait3A_263 = arith.constant 0 : i32
      %dma_wait3A_264 = arith.constant 0 : i32
      %dma_wait3A_265 = arith.constant 0 : i32
      %dma_wait3A_266 = tpu.memref_slice %arg6[%dma_wait3A_263, %dma_wait3A_264, %dma_wait3A_265] : memref<40x2x128xi32, #tpu.memory_space<vmem>> -> memref<1x1x128xi32, #tpu.memory_space<vmem>>
      %dma_wait3A_267 = tpu.memref_squeeze %dma_wait3A_266 : memref<1x1x128xi32, #tpu.memory_space<vmem>> -> memref<128xi32, #tpu.memory_space<vmem>>
      %dma_wait3A_268 = arith.constant 0 : i32
      %dma_wait3A_269 = arith.constant 0 : i32
      %dma_wait3A_270 = tpu.memref_slice %arg2[%dma_wait3A_268, %dma_wait3A_269] : memref<10240x128xf32, #tpu.memory_space<hbm>> -> memref<10240x128xf32, #tpu.memory_space<hbm>>
      tpu.wait_indirect_dma semaphore(%arg11 : memref<!tpu.dma_semaphore, #tpu.memory_space<semaphore_mem>>) src(%dma_wait3A_270 : memref<10240x128xf32, #tpu.memory_space<hbm>>) dst(%arg8 : memref<128x128xf32, #tpu.memory_space<vmem>>)
      %run_scoped3A_271 = arith.constant 1 : i32
      "tpu.region"() ({
        %run_scoped3A_281 = tpu.sem_alloc : memref<!tpu.dma_semaphore, #tpu.memory_space<semaphore_mem>>
        %dma_start3A_282 = arith.constant 0 : i32
        %dma_start3A_283 = tpu.memref_slice %arg6[%add3A_262, %run_scoped3A_271, %dma_start3A_282] : memref<40x2x128xi32, #tpu.memory_space<vmem>> -> memref<1x1x128xi32, #tpu.memory_space<vmem>>
        %dma_start3A_284 = tpu.memref_squeeze %dma_start3A_283 : memref<1x1x128xi32, #tpu.memory_space<vmem>> -> memref<128xi32, #tpu.memory_space<vmem>>
        %dma_start3A_285 = arith.constant 0 : i32
        %dma_start3A_286 = arith.constant 0 : i32
        %dma_start3A_287 = tpu.memref_slice %arg9[%dma_start3A_285, %dma_start3A_286] : memref<10240x128xf32, #tpu.memory_space<vmem_shared>> -> memref<10240x128xf32, #tpu.memory_space<vmem_shared>>
        tpu.enqueue_indirect_dma source(%arg8 : memref<128x128xf32, #tpu.memory_space<vmem>>) target(%dma_start3A_287 : memref<10240x128xf32, #tpu.memory_space<vmem_shared>>) offsets(%dma_start3A_284 : memref<128xi32, #tpu.memory_space<vmem>>) semaphore(%run_scoped3A_281 : memref<!tpu.dma_semaphore, #tpu.memory_space<semaphore_mem>>) {add = true}
        %dma_wait3A_288 = arith.constant 0 : i32
        %dma_wait3A_289 = tpu.memref_slice %arg6[%add3A_262, %run_scoped3A_271, %dma_wait3A_288] : memref<40x2x128xi32, #tpu.memory_space<vmem>> -> memref<1x1x128xi32, #tpu.memory_space<vmem>>
        %dma_wait3A_290 = tpu.memref_squeeze %dma_wait3A_289 : memref<1x1x128xi32, #tpu.memory_space<vmem>> -> memref<128xi32, #tpu.memory_space<vmem>>
        %dma_wait3A_291 = arith.constant 0 : i32
        %dma_wait3A_292 = arith.constant 0 : i32
        %dma_wait3A_293 = tpu.memref_slice %arg9[%dma_wait3A_291, %dma_wait3A_292] : memref<10240x128xf32, #tpu.memory_space<vmem_shared>> -> memref<10240x128xf32, #tpu.memory_space<vmem_shared>>
        tpu.wait_indirect_dma semaphore(%run_scoped3A_281 : memref<!tpu.dma_semaphore, #tpu.memory_space<semaphore_mem>>) src(%arg8 : memref<128x128xf32, #tpu.memory_space<vmem>>) dst(%dma_wait3A_293 : memref<10240x128xf32, #tpu.memory_space<vmem_shared>>)
        tpu.yield
      }) : () -> ()
      %add3A_272 = arith.constant 2 : i32
      %add3A_273 = arith.addi %add3A_262, %add3A_272 : i32
      %dma_start3A_274 = arith.constant 0 : i32
      %dma_start3A_275 = arith.constant 0 : i32
      %dma_start3A_276 = tpu.memref_slice %arg6[%add3A_273, %dma_start3A_274, %dma_start3A_275] : memref<40x2x128xi32, #tpu.memory_space<vmem>> -> memref<1x1x128xi32, #tpu.memory_space<vmem>>
      %dma_start3A_277 = tpu.memref_squeeze %dma_start3A_276 : memref<1x1x128xi32, #tpu.memory_space<vmem>> -> memref<128xi32, #tpu.memory_space<vmem>>
      %dma_start3A_278 = arith.constant 0 : i32
      %dma_start3A_279 = arith.constant 0 : i32
      %dma_start3A_280 = tpu.memref_slice %arg2[%dma_start3A_278, %dma_start3A_279] : memref<10240x128xf32, #tpu.memory_space<hbm>> -> memref<10240x128xf32, #tpu.memory_space<hbm>>
      tpu.enqueue_indirect_dma source(%dma_start3A_280 : memref<10240x128xf32, #tpu.memory_space<hbm>>) target(%arg8 : memref<128x128xf32, #tpu.memory_space<vmem>>) offsets(%dma_start3A_277 : memref<128xi32, #tpu.memory_space<vmem>>) semaphore(%arg11 : memref<!tpu.dma_semaphore, #tpu.memory_space<semaphore_mem>>)
    }
    %scan3A_126 = arith.constant 19 : i32
    %dma_wait3A_127 = arith.constant 0 : i32
    %dma_wait3A_128 = arith.constant 0 : i32
    %dma_wait3A_129 = arith.constant 0 : i32
    %dma_wait3A_130 = tpu.memref_slice %arg6[%dma_wait3A_127, %dma_wait3A_128, %dma_wait3A_129] : memref<40x2x128xi32, #tpu.memory_space<vmem>> -> memref<1x1x128xi32, #tpu.memory_space<vmem>>
    %dma_wait3A_131 = tpu.memref_squeeze %dma_wait3A_130 : memref<1x1x128xi32, #tpu.memory_space<vmem>> -> memref<128xi32, #tpu.memory_space<vmem>>
    %dma_wait3A_132 = arith.constant 0 : i32
    %dma_wait3A_133 = arith.constant 0 : i32
    %dma_wait3A_134 = tpu.memref_slice %arg2[%dma_wait3A_132, %dma_wait3A_133] : memref<10240x128xf32, #tpu.memory_space<hbm>> -> memref<10240x128xf32, #tpu.memory_space<hbm>>
    tpu.wait_indirect_dma semaphore(%arg10 : memref<!tpu.dma_semaphore, #tpu.memory_space<semaphore_mem>>) src(%dma_wait3A_134 : memref<10240x128xf32, #tpu.memory_space<hbm>>) dst(%arg7 : memref<128x128xf32, #tpu.memory_space<vmem>>)
    %run_scoped3A_135 = arith.constant 38 : i32
    %run_scoped3A_136 = arith.constant 1 : i32
    "tpu.region"() ({
      %run_scoped3A_238 = tpu.sem_alloc : memref<!tpu.dma_semaphore, #tpu.memory_space<semaphore_mem>>
      %dma_start3A_239 = arith.constant 0 : i32
      %dma_start3A_240 = tpu.memref_slice %arg6[%run_scoped3A_135, %run_scoped3A_136, %dma_start3A_239] : memref<40x2x128xi32, #tpu.memory_space<vmem>> -> memref<1x1x128xi32, #tpu.memory_space<vmem>>
      %dma_start3A_241 = tpu.memref_squeeze %dma_start3A_240 : memref<1x1x128xi32, #tpu.memory_space<vmem>> -> memref<128xi32, #tpu.memory_space<vmem>>
      %dma_start3A_242 = arith.constant 0 : i32
      %dma_start3A_243 = arith.constant 0 : i32
      %dma_start3A_244 = tpu.memref_slice %arg9[%dma_start3A_242, %dma_start3A_243] : memref<10240x128xf32, #tpu.memory_space<vmem_shared>> -> memref<10240x128xf32, #tpu.memory_space<vmem_shared>>
      tpu.enqueue_indirect_dma source(%arg7 : memref<128x128xf32, #tpu.memory_space<vmem>>) target(%dma_start3A_244 : memref<10240x128xf32, #tpu.memory_space<vmem_shared>>) offsets(%dma_start3A_241 : memref<128xi32, #tpu.memory_space<vmem>>) semaphore(%run_scoped3A_238 : memref<!tpu.dma_semaphore, #tpu.memory_space<semaphore_mem>>) {add = true}
      %dma_wait3A_245 = arith.constant 0 : i32
      %dma_wait3A_246 = tpu.memref_slice %arg6[%run_scoped3A_135, %run_scoped3A_136, %dma_wait3A_245] : memref<40x2x128xi32, #tpu.memory_space<vmem>> -> memref<1x1x128xi32, #tpu.memory_space<vmem>>
      %dma_wait3A_247 = tpu.memref_squeeze %dma_wait3A_246 : memref<1x1x128xi32, #tpu.memory_space<vmem>> -> memref<128xi32, #tpu.memory_space<vmem>>
      %dma_wait3A_248 = arith.constant 0 : i32
      %dma_wait3A_249 = arith.constant 0 : i32
      %dma_wait3A_250 = tpu.memref_slice %arg9[%dma_wait3A_248, %dma_wait3A_249] : memref<10240x128xf32, #tpu.memory_space<vmem_shared>> -> memref<10240x128xf32, #tpu.memory_space<vmem_shared>>
      tpu.wait_indirect_dma semaphore(%run_scoped3A_238 : memref<!tpu.dma_semaphore, #tpu.memory_space<semaphore_mem>>) src(%arg7 : memref<128x128xf32, #tpu.memory_space<vmem>>) dst(%dma_wait3A_250 : memref<10240x128xf32, #tpu.memory_space<vmem_shared>>)
      tpu.yield
    }) : () -> ()
    %dma_wait3A_137 = arith.constant 0 : i32
    %dma_wait3A_138 = arith.constant 0 : i32
    %dma_wait3A_139 = arith.constant 0 : i32
    %dma_wait3A_140 = tpu.memref_slice %arg6[%dma_wait3A_137, %dma_wait3A_138, %dma_wait3A_139] : memref<40x2x128xi32, #tpu.memory_space<vmem>> -> memref<1x1x128xi32, #tpu.memory_space<vmem>>
    %dma_wait3A_141 = tpu.memref_squeeze %dma_wait3A_140 : memref<1x1x128xi32, #tpu.memory_space<vmem>> -> memref<128xi32, #tpu.memory_space<vmem>>
    %dma_wait3A_142 = arith.constant 0 : i32
    %dma_wait3A_143 = arith.constant 0 : i32
    %dma_wait3A_144 = tpu.memref_slice %arg2[%dma_wait3A_142, %dma_wait3A_143] : memref<10240x128xf32, #tpu.memory_space<hbm>> -> memref<10240x128xf32, #tpu.memory_space<hbm>>
    tpu.wait_indirect_dma semaphore(%arg11 : memref<!tpu.dma_semaphore, #tpu.memory_space<semaphore_mem>>) src(%dma_wait3A_144 : memref<10240x128xf32, #tpu.memory_space<hbm>>) dst(%arg8 : memref<128x128xf32, #tpu.memory_space<vmem>>)
    %run_scoped3A_145 = arith.constant 39 : i32
    %run_scoped3A_146 = arith.constant 1 : i32
    "tpu.region"() ({
      %run_scoped3A_238 = tpu.sem_alloc : memref<!tpu.dma_semaphore, #tpu.memory_space<semaphore_mem>>
      %dma_start3A_239 = arith.constant 0 : i32
      %dma_start3A_240 = tpu.memref_slice %arg6[%run_scoped3A_145, %run_scoped3A_146, %dma_start3A_239] : memref<40x2x128xi32, #tpu.memory_space<vmem>> -> memref<1x1x128xi32, #tpu.memory_space<vmem>>
      %dma_start3A_241 = tpu.memref_squeeze %dma_start3A_240 : memref<1x1x128xi32, #tpu.memory_space<vmem>> -> memref<128xi32, #tpu.memory_space<vmem>>
      %dma_start3A_242 = arith.constant 0 : i32
      %dma_start3A_243 = arith.constant 0 : i32
      %dma_start3A_244 = tpu.memref_slice %arg9[%dma_start3A_242, %dma_start3A_243] : memref<10240x128xf32, #tpu.memory_space<vmem_shared>> -> memref<10240x128xf32, #tpu.memory_space<vmem_shared>>
      tpu.enqueue_indirect_dma source(%arg8 : memref<128x128xf32, #tpu.memory_space<vmem>>) target(%dma_start3A_244 : memref<10240x128xf32, #tpu.memory_space<vmem_shared>>) offsets(%dma_start3A_241 : memref<128xi32, #tpu.memory_space<vmem>>) semaphore(%run_scoped3A_238 : memref<!tpu.dma_semaphore, #tpu.memory_space<semaphore_mem>>) {add = true}
      %dma_wait3A_245 = arith.constant 0 : i32
      %dma_wait3A_246 = tpu.memref_slice %arg6[%run_scoped3A_145, %run_scoped3A_146, %dma_wait3A_245] : memref<40x2x128xi32, #tpu.memory_space<vmem>> -> memref<1x1x128xi32, #tpu.memory_space<vmem>>
      %dma_wait3A_247 = tpu.memref_squeeze %dma_wait3A_246 : memref<1x1x128xi32, #tpu.memory_space<vmem>> -> memref<128xi32, #tpu.memory_space<vmem>>
      %dma_wait3A_248 = arith.constant 0 : i32
      %dma_wait3A_249 = arith.constant 0 : i32
      %dma_wait3A_250 = tpu.memref_slice %arg9[%dma_wait3A_248, %dma_wait3A_249] : memref<10240x128xf32, #tpu.memory_space<vmem_shared>> -> memref<10240x128xf32, #tpu.memory_space<vmem_shared>>
      tpu.wait_indirect_dma semaphore(%run_scoped3A_238 : memref<!tpu.dma_semaphore, #tpu.memory_space<semaphore_mem>>) src(%arg8 : memref<128x128xf32, #tpu.memory_space<vmem>>) dst(%dma_wait3A_250 : memref<10240x128xf32, #tpu.memory_space<vmem_shared>>)
      tpu.yield
    }) : () -> ()
    %barrier3A_147 = arith.constant 0 : index
    tpu.barrier barrier_id(%barrier3A_147)
    %add3A_148 = arith.constant 0 : i32
    %add3A_149 = arith.addi %mul3A_4, %add3A_148 : i32
    "tpu.region"() ({
      %run_scoped3A_238 = tpu.sem_alloc : memref<!tpu.dma_semaphore, #tpu.memory_space<semaphore_mem>>
      %dma_start3A_239 = arith.constant 0 : i32
      %dma_start3A_240 = tpu.memref_slice %arg9[%add3A_149, %dma_start3A_239] : memref<10240x128xf32, #tpu.memory_space<vmem_shared>> -> memref<128x128xf32, #tpu.memory_space<vmem_shared>>
      %dma_start3A_241 = arith.constant 0 : i32
      %dma_start3A_242 = tpu.memref_slice %arg9[%add3A_149, %dma_start3A_241] : memref<10240x128xf32, #tpu.memory_space<vmem_shared>> -> memref<128x128xf32, #tpu.memory_space<vmem_shared>>
      tpu.enqueue_dma source(%dma_start3A_242 : memref<128x128xf32, #tpu.memory_space<vmem_shared>>) target(%arg7 : memref<128x128xf32, #tpu.memory_space<vmem>>) target_semaphore(%run_scoped3A_238 : memref<!tpu.dma_semaphore, #tpu.memory_space<semaphore_mem>>)
      %dma_wait3A_243 = arith.constant 0 : i32
      %dma_wait3A_244 = tpu.memref_slice %arg9[%add3A_149, %dma_wait3A_243] : memref<10240x128xf32, #tpu.memory_space<vmem_shared>> -> memref<128x128xf32, #tpu.memory_space<vmem_shared>>
      %dma_wait3A_245 = arith.constant 0 : i32
      %dma_wait3A_246 = tpu.memref_slice %arg9[%add3A_149, %dma_wait3A_245] : memref<10240x128xf32, #tpu.memory_space<vmem_shared>> -> memref<128x128xf32, #tpu.memory_space<vmem_shared>>
      tpu.wait_dma2 semaphore(%run_scoped3A_238 : memref<!tpu.dma_semaphore, #tpu.memory_space<semaphore_mem>>) src(%dma_wait3A_246 : memref<128x128xf32, #tpu.memory_space<vmem_shared>>) dst(%arg7 : memref<128x128xf32, #tpu.memory_space<vmem>>)
      tpu.yield
    }) : () -> ()
    %add3A_150 = arith.constant 0 : i32
    %add3A_151 = arith.addi %mul3A_4, %add3A_150 : i32
    %dma_start3A_152 = arith.constant 0 : i32
    %dma_start3A_153 = tpu.memref_slice %arg5[%arg0, %add3A_151, %dma_start3A_152] : memref<2x10240x128xf32, #tpu.memory_space<hbm>> -> memref<1x128x128xf32, #tpu.memory_space<hbm>>
    %dma_start3A_154 = tpu.memref_squeeze %dma_start3A_153 : memref<1x128x128xf32, #tpu.memory_space<hbm>> -> memref<128x128xf32, #tpu.memory_space<hbm>>
    %dma_start3A_155 = arith.constant 0 : i32
    %dma_start3A_156 = tpu.memref_slice %arg5[%arg0, %add3A_151, %dma_start3A_155] : memref<2x10240x128xf32, #tpu.memory_space<hbm>> -> memref<1x128x128xf32, #tpu.memory_space<hbm>>
    %dma_start3A_157 = tpu.memref_squeeze %dma_start3A_156 : memref<1x128x128xf32, #tpu.memory_space<hbm>> -> memref<128x128xf32, #tpu.memory_space<hbm>>
    tpu.enqueue_dma source(%arg7 : memref<128x128xf32, #tpu.memory_space<vmem>>) target(%dma_start3A_157 : memref<128x128xf32, #tpu.memory_space<hbm>>) target_semaphore(%arg10 : memref<!tpu.dma_semaphore, #tpu.memory_space<semaphore_mem>>)
    %add3A_158 = arith.constant 128 : i32
    %add3A_159 = arith.addi %mul3A_4, %add3A_158 : i32
    "tpu.region"() ({
      %run_scoped3A_238 = tpu.sem_alloc : memref<!tpu.dma_semaphore, #tpu.memory_space<semaphore_mem>>
      %dma_start3A_239 = arith.constant 0 : i32
      %dma_start3A_240 = tpu.memref_slice %arg9[%add3A_159, %dma_start3A_239] : memref<10240x128xf32, #tpu.memory_space<vmem_shared>> -> memref<128x128xf32, #tpu.memory_space<vmem_shared>>
      %dma_start3A_241 = arith.constant 0 : i32
      %dma_start3A_242 = tpu.memref_slice %arg9[%add3A_159, %dma_start3A_241] : memref<10240x128xf32, #tpu.memory_space<vmem_shared>> -> memref<128x128xf32, #tpu.memory_space<vmem_shared>>
      tpu.enqueue_dma source(%dma_start3A_242 : memref<128x128xf32, #tpu.memory_space<vmem_shared>>) target(%arg8 : memref<128x128xf32, #tpu.memory_space<vmem>>) target_semaphore(%run_scoped3A_238 : memref<!tpu.dma_semaphore, #tpu.memory_space<semaphore_mem>>)
      %dma_wait3A_243 = arith.constant 0 : i32
      %dma_wait3A_244 = tpu.memref_slice %arg9[%add3A_159, %dma_wait3A_243] : memref<10240x128xf32, #tpu.memory_space<vmem_shared>> -> memref<128x128xf32, #tpu.memory_space<vmem_shared>>
      %dma_wait3A_245 = arith.constant 0 : i32
      %dma_wait3A_246 = tpu.memref_slice %arg9[%add3A_159, %dma_wait3A_245] : memref<10240x128xf32, #tpu.memory_space<vmem_shared>> -> memref<128x128xf32, #tpu.memory_space<vmem_shared>>
      tpu.wait_dma2 semaphore(%run_scoped3A_238 : memref<!tpu.dma_semaphore, #tpu.memory_space<semaphore_mem>>) src(%dma_wait3A_246 : memref<128x128xf32, #tpu.memory_space<vmem_shared>>) dst(%arg8 : memref<128x128xf32, #tpu.memory_space<vmem>>)
      tpu.yield
    }) : () -> ()
    %add3A_160 = arith.constant 128 : i32
    %add3A_161 = arith.addi %mul3A_4, %add3A_160 : i32
    %dma_start3A_162 = arith.constant 0 : i32
    %dma_start3A_163 = tpu.memref_slice %arg5[%arg0, %add3A_161, %dma_start3A_162] : memref<2x10240x128xf32, #tpu.memory_space<hbm>> -> memref<1x128x128xf32, #tpu.memory_space<hbm>>
    %dma_start3A_164 = tpu.memref_squeeze %dma_start3A_163 : memref<1x128x128xf32, #tpu.memory_space<hbm>> -> memref<128x128xf32, #tpu.memory_space<hbm>>
    %dma_start3A_165 = arith.constant 0 : i32
    %dma_start3A_166 = tpu.memref_slice %arg5[%arg0, %add3A_161, %dma_start3A_165] : memref<2x10240x128xf32, #tpu.memory_space<hbm>> -> memref<1x128x128xf32, #tpu.memory_space<hbm>>
    %dma_start3A_167 = tpu.memref_squeeze %dma_start3A_166 : memref<1x128x128xf32, #tpu.memory_space<hbm>> -> memref<128x128xf32, #tpu.memory_space<hbm>>
    tpu.enqueue_dma source(%arg8 : memref<128x128xf32, #tpu.memory_space<vmem>>) target(%dma_start3A_167 : memref<128x128xf32, #tpu.memory_space<hbm>>) target_semaphore(%arg11 : memref<!tpu.dma_semaphore, #tpu.memory_space<semaphore_mem>>)
    %add3A_168 = arith.constant 0 : i32
    %add3A_169 = arith.addi %mul3A_4, %add3A_168 : i32
    %dma_wait3A_170 = arith.constant 0 : i32
    %dma_wait3A_171 = tpu.memref_slice %arg5[%arg0, %add3A_169, %dma_wait3A_170] : memref<2x10240x128xf32, #tpu.memory_space<hbm>> -> memref<1x128x128xf32, #tpu.memory_space<hbm>>
    %dma_wait3A_172 = tpu.memref_squeeze %dma_wait3A_171 : memref<1x128x128xf32, #tpu.memory_space<hbm>> -> memref<128x128xf32, #tpu.memory_space<hbm>>
    %dma_wait3A_173 = arith.constant 0 : i32
    %dma_wait3A_174 = tpu.memref_slice %arg5[%arg0, %add3A_169, %dma_wait3A_173] : memref<2x10240x128xf32, #tpu.memory_space<hbm>> -> memref<1x128x128xf32, #tpu.memory_space<hbm>>
    %dma_wait3A_175 = tpu.memref_squeeze %dma_wait3A_174 : memref<1x128x128xf32, #tpu.memory_space<hbm>> -> memref<128x128xf32, #tpu.memory_space<hbm>>
    tpu.wait_dma2 semaphore(%arg10 : memref<!tpu.dma_semaphore, #tpu.memory_space<semaphore_mem>>) src(%arg7 : memref<128x128xf32, #tpu.memory_space<vmem>>) dst(%dma_wait3A_175 : memref<128x128xf32, #tpu.memory_space<hbm>>)
    %add3A_176 = arith.constant 256 : i32
    %add3A_177 = arith.addi %mul3A_4, %add3A_176 : i32
    "tpu.region"() ({
      %run_scoped3A_238 = tpu.sem_alloc : memref<!tpu.dma_semaphore, #tpu.memory_space<semaphore_mem>>
      %dma_start3A_239 = arith.constant 0 : i32
      %dma_start3A_240 = tpu.memref_slice %arg9[%add3A_177, %dma_start3A_239] : memref<10240x128xf32, #tpu.memory_space<vmem_shared>> -> memref<128x128xf32, #tpu.memory_space<vmem_shared>>
      %dma_start3A_241 = arith.constant 0 : i32
      %dma_start3A_242 = tpu.memref_slice %arg9[%add3A_177, %dma_start3A_241] : memref<10240x128xf32, #tpu.memory_space<vmem_shared>> -> memref<128x128xf32, #tpu.memory_space<vmem_shared>>
      tpu.enqueue_dma source(%dma_start3A_242 : memref<128x128xf32, #tpu.memory_space<vmem_shared>>) target(%arg7 : memref<128x128xf32, #tpu.memory_space<vmem>>) target_semaphore(%run_scoped3A_238 : memref<!tpu.dma_semaphore, #tpu.memory_space<semaphore_mem>>)
      %dma_wait3A_243 = arith.constant 0 : i32
      %dma_wait3A_244 = tpu.memref_slice %arg9[%add3A_177, %dma_wait3A_243] : memref<10240x128xf32, #tpu.memory_space<vmem_shared>> -> memref<128x128xf32, #tpu.memory_space<vmem_shared>>
      %dma_wait3A_245 = arith.constant 0 : i32
      %dma_wait3A_246 = tpu.memref_slice %arg9[%add3A_177, %dma_wait3A_245] : memref<10240x128xf32, #tpu.memory_space<vmem_shared>> -> memref<128x128xf32, #tpu.memory_space<vmem_shared>>
      tpu.wait_dma2 semaphore(%run_scoped3A_238 : memref<!tpu.dma_semaphore, #tpu.memory_space<semaphore_mem>>) src(%dma_wait3A_246 : memref<128x128xf32, #tpu.memory_space<vmem_shared>>) dst(%arg7 : memref<128x128xf32, #tpu.memory_space<vmem>>)
      tpu.yield
    }) : () -> ()
    %add3A_178 = arith.constant 256 : i32
    %add3A_179 = arith.addi %mul3A_4, %add3A_178 : i32
    %dma_start3A_180 = arith.constant 0 : i32
    %dma_start3A_181 = tpu.memref_slice %arg5[%arg0, %add3A_179, %dma_start3A_180] : memref<2x10240x128xf32, #tpu.memory_space<hbm>> -> memref<1x128x128xf32, #tpu.memory_space<hbm>>
    %dma_start3A_182 = tpu.memref_squeeze %dma_start3A_181 : memref<1x128x128xf32, #tpu.memory_space<hbm>> -> memref<128x128xf32, #tpu.memory_space<hbm>>
    %dma_start3A_183 = arith.constant 0 : i32
    %dma_start3A_184 = tpu.memref_slice %arg5[%arg0, %add3A_179, %dma_start3A_183] : memref<2x10240x128xf32, #tpu.memory_space<hbm>> -> memref<1x128x128xf32, #tpu.memory_space<hbm>>
    %dma_start3A_185 = tpu.memref_squeeze %dma_start3A_184 : memref<1x128x128xf32, #tpu.memory_space<hbm>> -> memref<128x128xf32, #tpu.memory_space<hbm>>
    tpu.enqueue_dma source(%arg7 : memref<128x128xf32, #tpu.memory_space<vmem>>) target(%dma_start3A_185 : memref<128x128xf32, #tpu.memory_space<hbm>>) target_semaphore(%arg10 : memref<!tpu.dma_semaphore, #tpu.memory_space<semaphore_mem>>)
    %add3A_186 = arith.constant 128 : i32
    %add3A_187 = arith.addi %mul3A_4, %add3A_186 : i32
    %dma_wait3A_188 = arith.constant 0 : i32
    %dma_wait3A_189 = tpu.memref_slice %arg5[%arg0, %add3A_187, %dma_wait3A_188] : memref<2x10240x128xf32, #tpu.memory_space<hbm>> -> memref<1x128x128xf32, #tpu.memory_space<hbm>>
    %dma_wait3A_190 = tpu.memref_squeeze %dma_wait3A_189 : memref<1x128x128xf32, #tpu.memory_space<hbm>> -> memref<128x128xf32, #tpu.memory_space<hbm>>
    %dma_wait3A_191 = arith.constant 0 : i32
    %dma_wait3A_192 = tpu.memref_slice %arg5[%arg0, %add3A_187, %dma_wait3A_191] : memref<2x10240x128xf32, #tpu.memory_space<hbm>> -> memref<1x128x128xf32, #tpu.memory_space<hbm>>
    %dma_wait3A_193 = tpu.memref_squeeze %dma_wait3A_192 : memref<1x128x128xf32, #tpu.memory_space<hbm>> -> memref<128x128xf32, #tpu.memory_space<hbm>>
    tpu.wait_dma2 semaphore(%arg11 : memref<!tpu.dma_semaphore, #tpu.memory_space<semaphore_mem>>) src(%arg8 : memref<128x128xf32, #tpu.memory_space<vmem>>) dst(%dma_wait3A_193 : memref<128x128xf32, #tpu.memory_space<hbm>>)
    %add3A_194 = arith.constant 384 : i32
    %add3A_195 = arith.addi %mul3A_4, %add3A_194 : i32
    "tpu.region"() ({
      %run_scoped3A_238 = tpu.sem_alloc : memref<!tpu.dma_semaphore, #tpu.memory_space<semaphore_mem>>
      %dma_start3A_239 = arith.constant 0 : i32
      %dma_start3A_240 = tpu.memref_slice %arg9[%add3A_195, %dma_start3A_239] : memref<10240x128xf32, #tpu.memory_space<vmem_shared>> -> memref<128x128xf32, #tpu.memory_space<vmem_shared>>
      %dma_start3A_241 = arith.constant 0 : i32
      %dma_start3A_242 = tpu.memref_slice %arg9[%add3A_195, %dma_start3A_241] : memref<10240x128xf32, #tpu.memory_space<vmem_shared>> -> memref<128x128xf32, #tpu.memory_space<vmem_shared>>
      tpu.enqueue_dma source(%dma_start3A_242 : memref<128x128xf32, #tpu.memory_space<vmem_shared>>) target(%arg8 : memref<128x128xf32, #tpu.memory_space<vmem>>) target_semaphore(%run_scoped3A_238 : memref<!tpu.dma_semaphore, #tpu.memory_space<semaphore_mem>>)
      %dma_wait3A_243 = arith.constant 0 : i32
      %dma_wait3A_244 = tpu.memref_slice %arg9[%add3A_195, %dma_wait3A_243] : memref<10240x128xf32, #tpu.memory_space<vmem_shared>> -> memref<128x128xf32, #tpu.memory_space<vmem_shared>>
      %dma_wait3A_245 = arith.constant 0 : i32
      %dma_wait3A_246 = tpu.memref_slice %arg9[%add3A_195, %dma_wait3A_245] : memref<10240x128xf32, #tpu.memory_space<vmem_shared>> -> memref<128x128xf32, #tpu.memory_space<vmem_shared>>
      tpu.wait_dma2 semaphore(%run_scoped3A_238 : memref<!tpu.dma_semaphore, #tpu.memory_space<semaphore_mem>>) src(%dma_wait3A_246 : memref<128x128xf32, #tpu.memory_space<vmem_shared>>) dst(%arg8 : memref<128x128xf32, #tpu.memory_space<vmem>>)
      tpu.yield
    }) : () -> ()
    %add3A_196 = arith.constant 384 : i32
    %add3A_197 = arith.addi %mul3A_4, %add3A_196 : i32
    %dma_start3A_198 = arith.constant 0 : i32
    %dma_start3A_199 = tpu.memref_slice %arg5[%arg0, %add3A_197, %dma_start3A_198] : memref<2x10240x128xf32, #tpu.memory_space<hbm>> -> memref<1x128x128xf32, #tpu.memory_space<hbm>>
    %dma_start3A_200 = tpu.memref_squeeze %dma_start3A_199 : memref<1x128x128xf32, #tpu.memory_space<hbm>> -> memref<128x128xf32, #tpu.memory_space<hbm>>
    %dma_start3A_201 = arith.constant 0 : i32
    %dma_start3A_202 = tpu.memref_slice %arg5[%arg0, %add3A_197, %dma_start3A_201] : memref<2x10240x128xf32, #tpu.memory_space<hbm>> -> memref<1x128x128xf32, #tpu.memory_space<hbm>>
    %dma_start3A_203 = tpu.memref_squeeze %dma_start3A_202 : memref<1x128x128xf32, #tpu.memory_space<hbm>> -> memref<128x128xf32, #tpu.memory_space<hbm>>
    tpu.enqueue_dma source(%arg8 : memref<128x128xf32, #tpu.memory_space<vmem>>) target(%dma_start3A_203 : memref<128x128xf32, #tpu.memory_space<hbm>>) target_semaphore(%arg11 : memref<!tpu.dma_semaphore, #tpu.memory_space<semaphore_mem>>)
    %add3A_204 = arith.constant 256 : i32
    %add3A_205 = arith.addi %mul3A_4, %add3A_204 : i32
    %dma_wait3A_206 = arith.constant 0 : i32
    %dma_wait3A_207 = tpu.memref_slice %arg5[%arg0, %add3A_205, %dma_wait3A_206] : memref<2x10240x128xf32, #tpu.memory_space<hbm>> -> memref<1x128x128xf32, #tpu.memory_space<hbm>>
    %dma_wait3A_208 = tpu.memref_squeeze %dma_wait3A_207 : memref<1x128x128xf32, #tpu.memory_space<hbm>> -> memref<128x128xf32, #tpu.memory_space<hbm>>
    %dma_wait3A_209 = arith.constant 0 : i32
    %dma_wait3A_210 = tpu.memref_slice %arg5[%arg0, %add3A_205, %dma_wait3A_209] : memref<2x10240x128xf32, #tpu.memory_space<hbm>> -> memref<1x128x128xf32, #tpu.memory_space<hbm>>
    %dma_wait3A_211 = tpu.memref_squeeze %dma_wait3A_210 : memref<1x128x128xf32, #tpu.memory_space<hbm>> -> memref<128x128xf32, #tpu.memory_space<hbm>>
    tpu.wait_dma2 semaphore(%arg10 : memref<!tpu.dma_semaphore, #tpu.memory_space<semaphore_mem>>) src(%arg7 : memref<128x128xf32, #tpu.memory_space<vmem>>) dst(%dma_wait3A_211 : memref<128x128xf32, #tpu.memory_space<hbm>>)
    %add3A_212 = arith.constant 512 : i32
    %add3A_213 = arith.addi %mul3A_4, %add3A_212 : i32
    "tpu.region"() ({
      %run_scoped3A_238 = tpu.sem_alloc : memref<!tpu.dma_semaphore, #tpu.memory_space<semaphore_mem>>
      %dma_start3A_239 = arith.constant 0 : i32
      %dma_start3A_240 = tpu.memref_slice %arg9[%add3A_213, %dma_start3A_239] : memref<10240x128xf32, #tpu.memory_space<vmem_shared>> -> memref<128x128xf32, #tpu.memory_space<vmem_shared>>
      %dma_start3A_241 = arith.constant 0 : i32
      %dma_start3A_242 = tpu.memref_slice %arg9[%add3A_213, %dma_start3A_241] : memref<10240x128xf32, #tpu.memory_space<vmem_shared>> -> memref<128x128xf32, #tpu.memory_space<vmem_shared>>
      tpu.enqueue_dma source(%dma_start3A_242 : memref<128x128xf32, #tpu.memory_space<vmem_shared>>) target(%arg7 : memref<128x128xf32, #tpu.memory_space<vmem>>) target_semaphore(%run_scoped3A_238 : memref<!tpu.dma_semaphore, #tpu.memory_space<semaphore_mem>>)
      %dma_wait3A_243 = arith.constant 0 : i32
      %dma_wait3A_244 = tpu.memref_slice %arg9[%add3A_213, %dma_wait3A_243] : memref<10240x128xf32, #tpu.memory_space<vmem_shared>> -> memref<128x128xf32, #tpu.memory_space<vmem_shared>>
      %dma_wait3A_245 = arith.constant 0 : i32
      %dma_wait3A_246 = tpu.memref_slice %arg9[%add3A_213, %dma_wait3A_245] : memref<10240x128xf32, #tpu.memory_space<vmem_shared>> -> memref<128x128xf32, #tpu.memory_space<vmem_shared>>
      tpu.wait_dma2 semaphore(%run_scoped3A_238 : memref<!tpu.dma_semaphore, #tpu.memory_space<semaphore_mem>>) src(%dma_wait3A_246 : memref<128x128xf32, #tpu.memory_space<vmem_shared>>) dst(%arg7 : memref<128x128xf32, #tpu.memory_space<vmem>>)
      tpu.yield
    }) : () -> ()
    %add3A_214 = arith.constant 512 : i32
    %add3A_215 = arith.addi %mul3A_4, %add3A_214 : i32
    %dma_start3A_216 = arith.constant 0 : i32
    %dma_start3A_217 = tpu.memref_slice %arg5[%arg0, %add3A_215, %dma_start3A_216] : memref<2x10240x128xf32, #tpu.memory_space<hbm>> -> memref<1x128x128xf32, #tpu.memory_space<hbm>>
    %dma_start3A_218 = tpu.memref_squeeze %dma_start3A_217 : memref<1x128x128xf32, #tpu.memory_space<hbm>> -> memref<128x128xf32, #tpu.memory_space<hbm>>
    %dma_start3A_219 = arith.constant 0 : i32
    %dma_start3A_220 = tpu.memref_slice %arg5[%arg0, %add3A_215, %dma_start3A_219] : memref<2x10240x128xf32, #tpu.memory_space<hbm>> -> memref<1x128x128xf32, #tpu.memory_space<hbm>>
    %dma_start3A_221 = tpu.memref_squeeze %dma_start3A_220 : memref<1x128x128xf32, #tpu.memory_space<hbm>> -> memref<128x128xf32, #tpu.memory_space<hbm>>
    tpu.enqueue_dma source(%arg7 : memref<128x128xf32, #tpu.memory_space<vmem>>) target(%dma_start3A_221 : memref<128x128xf32, #tpu.memory_space<hbm>>) target_semaphore(%arg10 : memref<!tpu.dma_semaphore, #tpu.memory_space<semaphore_mem>>)
    %add3A_222 = arith.constant 384 : i32
    %add3A_223 = arith.addi %mul3A_4, %add3A_222 : i32
    %dma_wait3A_224 = arith.constant 0 : i32
    %dma_wait3A_225 = tpu.memref_slice %arg5[%arg0, %add3A_223, %dma_wait3A_224] : memref<2x10240x128xf32, #tpu.memory_space<hbm>> -> memref<1x128x128xf32, #tpu.memory_space<hbm>>
    %dma_wait3A_226 = tpu.memref_squeeze %dma_wait3A_225 : memref<1x128x128xf32, #tpu.memory_space<hbm>> -> memref<128x128xf32, #tpu.memory_space<hbm>>
    %dma_wait3A_227 = arith.constant 0 : i32
    %dma_wait3A_228 = tpu.memref_slice %arg5[%arg0, %add3A_223, %dma_wait3A_227] : memref<2x10240x128xf32, #tpu.memory_space<hbm>> -> memref<1x128x128xf32, #tpu.memory_space<hbm>>
    %dma_wait3A_229 = tpu.memref_squeeze %dma_wait3A_228 : memref<1x128x128xf32, #tpu.memory_space<hbm>> -> memref<128x128xf32, #tpu.memory_space<hbm>>
    tpu.wait_dma2 semaphore(%arg11 : memref<!tpu.dma_semaphore, #tpu.memory_space<semaphore_mem>>) src(%arg8 : memref<128x128xf32, #tpu.memory_space<vmem>>) dst(%dma_wait3A_229 : memref<128x128xf32, #tpu.memory_space<hbm>>)
    %add3A_230 = arith.constant 512 : i32
    %add3A_231 = arith.addi %mul3A_4, %add3A_230 : i32
    %dma_wait3A_232 = arith.constant 0 : i32
    %dma_wait3A_233 = tpu.memref_slice %arg5[%arg0, %add3A_231, %dma_wait3A_232] : memref<2x10240x128xf32, #tpu.memory_space<hbm>> -> memref<1x128x128xf32, #tpu.memory_space<hbm>>
    %dma_wait3A_234 = tpu.memref_squeeze %dma_wait3A_233 : memref<1x128x128xf32, #tpu.memory_space<hbm>> -> memref<128x128xf32, #tpu.memory_space<hbm>>
    %dma_wait3A_235 = arith.constant 0 : i32
    %dma_wait3A_236 = tpu.memref_slice %arg5[%arg0, %add3A_231, %dma_wait3A_235] : memref<2x10240x128xf32, #tpu.memory_space<hbm>> -> memref<1x128x128xf32, #tpu.memory_space<hbm>>
    %dma_wait3A_237 = tpu.memref_squeeze %dma_wait3A_236 : memref<1x128x128xf32, #tpu.memory_space<hbm>> -> memref<128x128xf32, #tpu.memory_space<hbm>>
    tpu.wait_dma2 semaphore(%arg10 : memref<!tpu.dma_semaphore, #tpu.memory_space<semaphore_mem>>) src(%arg7 : memref<128x128xf32, #tpu.memory_space<vmem>>) dst(%dma_wait3A_237 : memref<128x128xf32, #tpu.memory_space<hbm>>)
    return
  }
}

#map = affine_map<(d0, d1) -> (0, 0)>
#map1 = affine_map<(d0, d1) -> (0, 0, 0)>
module attributes {stable_mosaic.version = 14 : i64} {
  func.func @_sc_agg_body(%arg0: i32, %arg1: i32, %arg2: memref<10240x128xf32, #tpu.memory_space<hbm>>, %arg3: memref<2560x2x128xi32, #tpu.memory_space<hbm>>, %arg4: memref<128x128xf32, #tpu.memory_space<hbm>>, %arg5: memref<2x10240x128xf32, #tpu.memory_space<hbm>>, %arg6: memref<40x2x128xi32, #tpu.memory_space<vmem>>, %arg7: memref<128x128xf32, #tpu.memory_space<vmem>>, %arg8: memref<128x128xf32, #tpu.memory_space<vmem>>, %arg9: memref<10240x128xf32, #tpu.memory_space<vmem_shared>>, %arg10: memref<!tpu.dma_semaphore, #tpu.memory_space<semaphore_mem>>, %arg11: memref<!tpu.dma_semaphore, #tpu.memory_space<semaphore_mem>>) attributes {dimension_semantics = [#tpu.dimension_semantics<core_parallel>, #tpu.dimension_semantics<subcore_parallel>], iteration_bounds = array<i64: 2, 16>, scalar_prefetch = 0 : i64, scratch_operands = 6 : i64, tpu.core_type = #tpu.core_type<sc_vector_subcore>, window_params = [{transform_indices = #map}, {transform_indices = #map1}, {transform_indices = #map}, {transform_indices = #map1}]} {
    %mul3A = arith.constant 16 : i32
    %mul3A_0 = arith.muli %arg0, %mul3A : i32
    %add3A = arith.addi %mul3A_0, %arg1 : i32
    %mul3A_1 = arith.constant 80 : i32
    %mul3A_2 = arith.muli %add3A, %mul3A_1 : i32
    %mul3A_3 = arith.constant 640 : i32
    %mul3A_4 = arith.muli %arg1, %mul3A_3 : i32
    "tpu.region"() ({
      %run_scoped3A_238 = tpu.sem_alloc : memref<!tpu.dma_semaphore, #tpu.memory_space<semaphore_mem>>
      tpu.enqueue_dma source(%arg4 : memref<128x128xf32, #tpu.memory_space<hbm>>) target(%arg7 : memref<128x128xf32, #tpu.memory_space<vmem>>) target_semaphore(%run_scoped3A_238 : memref<!tpu.dma_semaphore, #tpu.memory_space<semaphore_mem>>)
      tpu.wait_dma2 semaphore(%run_scoped3A_238 : memref<!tpu.dma_semaphore, #tpu.memory_space<semaphore_mem>>) src(%arg4 : memref<128x128xf32, #tpu.memory_space<hbm>>) dst(%arg7 : memref<128x128xf32, #tpu.memory_space<vmem>>)
      tpu.yield
    }) : () -> ()
    %add3A_5 = arith.constant 0 : i32
    %add3A_6 = arith.addi %mul3A_4, %add3A_5 : i32
    %dma_start3A = arith.constant 0 : i32
    %dma_start3A_7 = tpu.memref_slice %arg9[%add3A_6, %dma_start3A] : memref<10240x128xf32, #tpu.memory_space<vmem_shared>> -> memref<128x128xf32, #tpu.memory_space<vmem_shared>>
    %dma_start3A_8 = arith.constant 0 : i32
    %dma_start3A_9 = tpu.memref_slice %arg9[%add3A_6, %dma_start3A_8] : memref<10240x128xf32, #tpu.memory_space<vmem_shared>> -> memref<128x128xf32, #tpu.memory_space<vmem_shared>>
    tpu.enqueue_dma source(%arg7 : memref<128x128xf32, #tpu.memory_space<vmem>>) target(%dma_start3A_9 : memref<128x128xf32, #tpu.memory_space<vmem_shared>>) target_semaphore(%arg10 : memref<!tpu.dma_semaphore, #tpu.memory_space<semaphore_mem>>)
    %add3A_10 = arith.constant 128 : i32
    %add3A_11 = arith.addi %mul3A_4, %add3A_10 : i32
    %dma_start3A_12 = arith.constant 0 : i32
    %dma_start3A_13 = tpu.memref_slice %arg9[%add3A_11, %dma_start3A_12] : memref<10240x128xf32, #tpu.memory_space<vmem_shared>> -> memref<128x128xf32, #tpu.memory_space<vmem_shared>>
    %dma_start3A_14 = arith.constant 0 : i32
    %dma_start3A_15 = tpu.memref_slice %arg9[%add3A_11, %dma_start3A_14] : memref<10240x128xf32, #tpu.memory_space<vmem_shared>> -> memref<128x128xf32, #tpu.memory_space<vmem_shared>>
    tpu.enqueue_dma source(%arg7 : memref<128x128xf32, #tpu.memory_space<vmem>>) target(%dma_start3A_15 : memref<128x128xf32, #tpu.memory_space<vmem_shared>>) target_semaphore(%arg10 : memref<!tpu.dma_semaphore, #tpu.memory_space<semaphore_mem>>)
    %add3A_16 = arith.constant 256 : i32
    %add3A_17 = arith.addi %mul3A_4, %add3A_16 : i32
    %dma_start3A_18 = arith.constant 0 : i32
    %dma_start3A_19 = tpu.memref_slice %arg9[%add3A_17, %dma_start3A_18] : memref<10240x128xf32, #tpu.memory_space<vmem_shared>> -> memref<128x128xf32, #tpu.memory_space<vmem_shared>>
    %dma_start3A_20 = arith.constant 0 : i32
    %dma_start3A_21 = tpu.memref_slice %arg9[%add3A_17, %dma_start3A_20] : memref<10240x128xf32, #tpu.memory_space<vmem_shared>> -> memref<128x128xf32, #tpu.memory_space<vmem_shared>>
    tpu.enqueue_dma source(%arg7 : memref<128x128xf32, #tpu.memory_space<vmem>>) target(%dma_start3A_21 : memref<128x128xf32, #tpu.memory_space<vmem_shared>>) target_semaphore(%arg10 : memref<!tpu.dma_semaphore, #tpu.memory_space<semaphore_mem>>)
    %add3A_22 = arith.constant 384 : i32
    %add3A_23 = arith.addi %mul3A_4, %add3A_22 : i32
    %dma_start3A_24 = arith.constant 0 : i32
    %dma_start3A_25 = tpu.memref_slice %arg9[%add3A_23, %dma_start3A_24] : memref<10240x128xf32, #tpu.memory_space<vmem_shared>> -> memref<128x128xf32, #tpu.memory_space<vmem_shared>>
    %dma_start3A_26 = arith.constant 0 : i32
    %dma_start3A_27 = tpu.memref_slice %arg9[%add3A_23, %dma_start3A_26] : memref<10240x128xf32, #tpu.memory_space<vmem_shared>> -> memref<128x128xf32, #tpu.memory_space<vmem_shared>>
    tpu.enqueue_dma source(%arg7 : memref<128x128xf32, #tpu.memory_space<vmem>>) target(%dma_start3A_27 : memref<128x128xf32, #tpu.memory_space<vmem_shared>>) target_semaphore(%arg10 : memref<!tpu.dma_semaphore, #tpu.memory_space<semaphore_mem>>)
    %add3A_28 = arith.constant 512 : i32
    %add3A_29 = arith.addi %mul3A_4, %add3A_28 : i32
    %dma_start3A_30 = arith.constant 0 : i32
    %dma_start3A_31 = tpu.memref_slice %arg9[%add3A_29, %dma_start3A_30] : memref<10240x128xf32, #tpu.memory_space<vmem_shared>> -> memref<128x128xf32, #tpu.memory_space<vmem_shared>>
    %dma_start3A_32 = arith.constant 0 : i32
    %dma_start3A_33 = tpu.memref_slice %arg9[%add3A_29, %dma_start3A_32] : memref<10240x128xf32, #tpu.memory_space<vmem_shared>> -> memref<128x128xf32, #tpu.memory_space<vmem_shared>>
    tpu.enqueue_dma source(%arg7 : memref<128x128xf32, #tpu.memory_space<vmem>>) target(%dma_start3A_33 : memref<128x128xf32, #tpu.memory_space<vmem_shared>>) target_semaphore(%arg10 : memref<!tpu.dma_semaphore, #tpu.memory_space<semaphore_mem>>)
    %add3A_34 = arith.constant 0 : i32
    %add3A_35 = arith.addi %mul3A_4, %add3A_34 : i32
    %dma_wait3A = arith.constant 0 : i32
    %dma_wait3A_36 = tpu.memref_slice %arg9[%add3A_35, %dma_wait3A] : memref<10240x128xf32, #tpu.memory_space<vmem_shared>> -> memref<128x128xf32, #tpu.memory_space<vmem_shared>>
    %dma_wait3A_37 = arith.constant 0 : i32
    %dma_wait3A_38 = tpu.memref_slice %arg9[%add3A_35, %dma_wait3A_37] : memref<10240x128xf32, #tpu.memory_space<vmem_shared>> -> memref<128x128xf32, #tpu.memory_space<vmem_shared>>
    tpu.wait_dma2 semaphore(%arg10 : memref<!tpu.dma_semaphore, #tpu.memory_space<semaphore_mem>>) src(%arg7 : memref<128x128xf32, #tpu.memory_space<vmem>>) dst(%dma_wait3A_38 : memref<128x128xf32, #tpu.memory_space<vmem_shared>>)
    %add3A_39 = arith.constant 128 : i32
    %add3A_40 = arith.addi %mul3A_4, %add3A_39 : i32
    %dma_wait3A_41 = arith.constant 0 : i32
    %dma_wait3A_42 = tpu.memref_slice %arg9[%add3A_40, %dma_wait3A_41] : memref<10240x128xf32, #tpu.memory_space<vmem_shared>> -> memref<128x128xf32, #tpu.memory_space<vmem_shared>>
    %dma_wait3A_43 = arith.constant 0 : i32
    %dma_wait3A_44 = tpu.memref_slice %arg9[%add3A_40, %dma_wait3A_43] : memref<10240x128xf32, #tpu.memory_space<vmem_shared>> -> memref<128x128xf32, #tpu.memory_space<vmem_shared>>
    tpu.wait_dma2 semaphore(%arg10 : memref<!tpu.dma_semaphore, #tpu.memory_space<semaphore_mem>>) src(%arg7 : memref<128x128xf32, #tpu.memory_space<vmem>>) dst(%dma_wait3A_44 : memref<128x128xf32, #tpu.memory_space<vmem_shared>>)
    %add3A_45 = arith.constant 256 : i32
    %add3A_46 = arith.addi %mul3A_4, %add3A_45 : i32
    %dma_wait3A_47 = arith.constant 0 : i32
    %dma_wait3A_48 = tpu.memref_slice %arg9[%add3A_46, %dma_wait3A_47] : memref<10240x128xf32, #tpu.memory_space<vmem_shared>> -> memref<128x128xf32, #tpu.memory_space<vmem_shared>>
    %dma_wait3A_49 = arith.constant 0 : i32
    %dma_wait3A_50 = tpu.memref_slice %arg9[%add3A_46, %dma_wait3A_49] : memref<10240x128xf32, #tpu.memory_space<vmem_shared>> -> memref<128x128xf32, #tpu.memory_space<vmem_shared>>
    tpu.wait_dma2 semaphore(%arg10 : memref<!tpu.dma_semaphore, #tpu.memory_space<semaphore_mem>>) src(%arg7 : memref<128x128xf32, #tpu.memory_space<vmem>>) dst(%dma_wait3A_50 : memref<128x128xf32, #tpu.memory_space<vmem_shared>>)
    %add3A_51 = arith.constant 384 : i32
    %add3A_52 = arith.addi %mul3A_4, %add3A_51 : i32
    %dma_wait3A_53 = arith.constant 0 : i32
    %dma_wait3A_54 = tpu.memref_slice %arg9[%add3A_52, %dma_wait3A_53] : memref<10240x128xf32, #tpu.memory_space<vmem_shared>> -> memref<128x128xf32, #tpu.memory_space<vmem_shared>>
    %dma_wait3A_55 = arith.constant 0 : i32
    %dma_wait3A_56 = tpu.memref_slice %arg9[%add3A_52, %dma_wait3A_55] : memref<10240x128xf32, #tpu.memory_space<vmem_shared>> -> memref<128x128xf32, #tpu.memory_space<vmem_shared>>
    tpu.wait_dma2 semaphore(%arg10 : memref<!tpu.dma_semaphore, #tpu.memory_space<semaphore_mem>>) src(%arg7 : memref<128x128xf32, #tpu.memory_space<vmem>>) dst(%dma_wait3A_56 : memref<128x128xf32, #tpu.memory_space<vmem_shared>>)
    %add3A_57 = arith.constant 512 : i32
    %add3A_58 = arith.addi %mul3A_4, %add3A_57 : i32
    %dma_wait3A_59 = arith.constant 0 : i32
    %dma_wait3A_60 = tpu.memref_slice %arg9[%add3A_58, %dma_wait3A_59] : memref<10240x128xf32, #tpu.memory_space<vmem_shared>> -> memref<128x128xf32, #tpu.memory_space<vmem_shared>>
    %dma_wait3A_61 = arith.constant 0 : i32
    %dma_wait3A_62 = tpu.memref_slice %arg9[%add3A_58, %dma_wait3A_61] : memref<10240x128xf32, #tpu.memory_space<vmem_shared>> -> memref<128x128xf32, #tpu.memory_space<vmem_shared>>
    tpu.wait_dma2 semaphore(%arg10 : memref<!tpu.dma_semaphore, #tpu.memory_space<semaphore_mem>>) src(%arg7 : memref<128x128xf32, #tpu.memory_space<vmem>>) dst(%dma_wait3A_62 : memref<128x128xf32, #tpu.memory_space<vmem_shared>>)
    %barrier3A = arith.constant 0 : index
    tpu.barrier barrier_id(%barrier3A)
    %add3A_63 = arith.constant 0 : i32
    %add3A_64 = arith.addi %mul3A_2, %add3A_63 : i32
    "tpu.region"() ({
      %run_scoped3A_238 = tpu.sem_alloc : memref<!tpu.dma_semaphore, #tpu.memory_space<semaphore_mem>>
      %dma_start3A_239 = arith.constant 0 : i32
      %dma_start3A_240 = arith.constant 0 : i32
      %dma_start3A_241 = tpu.memref_slice %arg3[%add3A_64, %dma_start3A_239, %dma_start3A_240] : memref<2560x2x128xi32, #tpu.memory_space<hbm>> -> memref<40x2x128xi32, #tpu.memory_space<hbm>>
      %dma_start3A_242 = arith.constant 0 : i32
      %dma_start3A_243 = arith.constant 0 : i32
      %dma_start3A_244 = tpu.memref_slice %arg3[%add3A_64, %dma_start3A_242, %dma_start3A_243] : memref<2560x2x128xi32, #tpu.memory_space<hbm>> -> memref<40x2x128xi32, #tpu.memory_space<hbm>>
      tpu.enqueue_dma source(%dma_start3A_244 : memref<40x2x128xi32, #tpu.memory_space<hbm>>) target(%arg6 : memref<40x2x128xi32, #tpu.memory_space<vmem>>) target_semaphore(%run_scoped3A_238 : memref<!tpu.dma_semaphore, #tpu.memory_space<semaphore_mem>>)
      %dma_wait3A_245 = arith.constant 0 : i32
      %dma_wait3A_246 = arith.constant 0 : i32
      %dma_wait3A_247 = tpu.memref_slice %arg3[%add3A_64, %dma_wait3A_245, %dma_wait3A_246] : memref<2560x2x128xi32, #tpu.memory_space<hbm>> -> memref<40x2x128xi32, #tpu.memory_space<hbm>>
      %dma_wait3A_248 = arith.constant 0 : i32
      %dma_wait3A_249 = arith.constant 0 : i32
      %dma_wait3A_250 = tpu.memref_slice %arg3[%add3A_64, %dma_wait3A_248, %dma_wait3A_249] : memref<2560x2x128xi32, #tpu.memory_space<hbm>> -> memref<40x2x128xi32, #tpu.memory_space<hbm>>
      tpu.wait_dma2 semaphore(%run_scoped3A_238 : memref<!tpu.dma_semaphore, #tpu.memory_space<semaphore_mem>>) src(%dma_wait3A_250 : memref<40x2x128xi32, #tpu.memory_space<hbm>>) dst(%arg6 : memref<40x2x128xi32, #tpu.memory_space<vmem>>)
      tpu.yield
    }) : () -> ()
    %dma_start3A_65 = arith.constant 0 : i32
    %dma_start3A_66 = arith.constant 0 : i32
    %dma_start3A_67 = arith.constant 0 : i32
    %dma_start3A_68 = tpu.memref_slice %arg6[%dma_start3A_65, %dma_start3A_66, %dma_start3A_67] : memref<40x2x128xi32, #tpu.memory_space<vmem>> -> memref<1x1x128xi32, #tpu.memory_space<vmem>>
    %dma_start3A_69 = tpu.memref_squeeze %dma_start3A_68 : memref<1x1x128xi32, #tpu.memory_space<vmem>> -> memref<128xi32, #tpu.memory_space<vmem>>
    %dma_start3A_70 = arith.constant 0 : i32
    %dma_start3A_71 = arith.constant 0 : i32
    %dma_start3A_72 = tpu.memref_slice %arg2[%dma_start3A_70, %dma_start3A_71] : memref<10240x128xf32, #tpu.memory_space<hbm>> -> memref<10240x128xf32, #tpu.memory_space<hbm>>
    tpu.enqueue_indirect_dma source(%dma_start3A_72 : memref<10240x128xf32, #tpu.memory_space<hbm>>) target(%arg7 : memref<128x128xf32, #tpu.memory_space<vmem>>) offsets(%dma_start3A_69 : memref<128xi32, #tpu.memory_space<vmem>>) semaphore(%arg10 : memref<!tpu.dma_semaphore, #tpu.memory_space<semaphore_mem>>)
    %dma_start3A_73 = arith.constant 1 : i32
    %dma_start3A_74 = arith.constant 0 : i32
    %dma_start3A_75 = arith.constant 0 : i32
    %dma_start3A_76 = tpu.memref_slice %arg6[%dma_start3A_73, %dma_start3A_74, %dma_start3A_75] : memref<40x2x128xi32, #tpu.memory_space<vmem>> -> memref<1x1x128xi32, #tpu.memory_space<vmem>>
    %dma_start3A_77 = tpu.memref_squeeze %dma_start3A_76 : memref<1x1x128xi32, #tpu.memory_space<vmem>> -> memref<128xi32, #tpu.memory_space<vmem>>
    %dma_start3A_78 = arith.constant 0 : i32
    %dma_start3A_79 = arith.constant 0 : i32
    %dma_start3A_80 = tpu.memref_slice %arg2[%dma_start3A_78, %dma_start3A_79] : memref<10240x128xf32, #tpu.memory_space<hbm>> -> memref<10240x128xf32, #tpu.memory_space<hbm>>
    tpu.enqueue_indirect_dma source(%dma_start3A_80 : memref<10240x128xf32, #tpu.memory_space<hbm>>) target(%arg8 : memref<128x128xf32, #tpu.memory_space<vmem>>) offsets(%dma_start3A_77 : memref<128xi32, #tpu.memory_space<vmem>>) semaphore(%arg11 : memref<!tpu.dma_semaphore, #tpu.memory_space<semaphore_mem>>)
    %scan3A = arith.constant 0 : i32
    %scan3A_81 = arith.constant 19 : i32
    %scan3A_82 = arith.addi %scan3A, %scan3A_81 : i32
    %scan3A_83 = arith.constant 1 : i32
    scf.for %scan3A_238 = %scan3A to %scan3A_82 step %scan3A_83  : i32 {
      %mul3A_239 = arith.constant 2 : i32
      %mul3A_240 = arith.muli %mul3A_239, %scan3A_238 : i32
      %dma_wait3A_241 = arith.constant 0 : i32
      %dma_wait3A_242 = arith.constant 0 : i32
      %dma_wait3A_243 = arith.constant 0 : i32
      %dma_wait3A_244 = tpu.memref_slice %arg6[%dma_wait3A_241, %dma_wait3A_242, %dma_wait3A_243] : memref<40x2x128xi32, #tpu.memory_space<vmem>> -> memref<1x1x128xi32, #tpu.memory_space<vmem>>
      %dma_wait3A_245 = tpu.memref_squeeze %dma_wait3A_244 : memref<1x1x128xi32, #tpu.memory_space<vmem>> -> memref<128xi32, #tpu.memory_space<vmem>>
      %dma_wait3A_246 = arith.constant 0 : i32
      %dma_wait3A_247 = arith.constant 0 : i32
      %dma_wait3A_248 = tpu.memref_slice %arg2[%dma_wait3A_246, %dma_wait3A_247] : memref<10240x128xf32, #tpu.memory_space<hbm>> -> memref<10240x128xf32, #tpu.memory_space<hbm>>
      tpu.wait_indirect_dma semaphore(%arg10 : memref<!tpu.dma_semaphore, #tpu.memory_space<semaphore_mem>>) src(%dma_wait3A_248 : memref<10240x128xf32, #tpu.memory_space<hbm>>) dst(%arg7 : memref<128x128xf32, #tpu.memory_space<vmem>>)
      %run_scoped3A_249 = arith.constant 1 : i32
      "tpu.region"() ({
        %run_scoped3A_281 = tpu.sem_alloc : memref<!tpu.dma_semaphore, #tpu.memory_space<semaphore_mem>>
        %dma_start3A_282 = arith.constant 0 : i32
        %dma_start3A_283 = tpu.memref_slice %arg6[%mul3A_240, %run_scoped3A_249, %dma_start3A_282] : memref<40x2x128xi32, #tpu.memory_space<vmem>> -> memref<1x1x128xi32, #tpu.memory_space<vmem>>
        %dma_start3A_284 = tpu.memref_squeeze %dma_start3A_283 : memref<1x1x128xi32, #tpu.memory_space<vmem>> -> memref<128xi32, #tpu.memory_space<vmem>>
        %dma_start3A_285 = arith.constant 0 : i32
        %dma_start3A_286 = arith.constant 0 : i32
        %dma_start3A_287 = tpu.memref_slice %arg9[%dma_start3A_285, %dma_start3A_286] : memref<10240x128xf32, #tpu.memory_space<vmem_shared>> -> memref<10240x128xf32, #tpu.memory_space<vmem_shared>>
        tpu.enqueue_indirect_dma source(%arg7 : memref<128x128xf32, #tpu.memory_space<vmem>>) target(%dma_start3A_287 : memref<10240x128xf32, #tpu.memory_space<vmem_shared>>) offsets(%dma_start3A_284 : memref<128xi32, #tpu.memory_space<vmem>>) semaphore(%run_scoped3A_281 : memref<!tpu.dma_semaphore, #tpu.memory_space<semaphore_mem>>) {add = true}
        %dma_wait3A_288 = arith.constant 0 : i32
        %dma_wait3A_289 = tpu.memref_slice %arg6[%mul3A_240, %run_scoped3A_249, %dma_wait3A_288] : memref<40x2x128xi32, #tpu.memory_space<vmem>> -> memref<1x1x128xi32, #tpu.memory_space<vmem>>
        %dma_wait3A_290 = tpu.memref_squeeze %dma_wait3A_289 : memref<1x1x128xi32, #tpu.memory_space<vmem>> -> memref<128xi32, #tpu.memory_space<vmem>>
        %dma_wait3A_291 = arith.constant 0 : i32
        %dma_wait3A_292 = arith.constant 0 : i32
        %dma_wait3A_293 = tpu.memref_slice %arg9[%dma_wait3A_291, %dma_wait3A_292] : memref<10240x128xf32, #tpu.memory_space<vmem_shared>> -> memref<10240x128xf32, #tpu.memory_space<vmem_shared>>
        tpu.wait_indirect_dma semaphore(%run_scoped3A_281 : memref<!tpu.dma_semaphore, #tpu.memory_space<semaphore_mem>>) src(%arg7 : memref<128x128xf32, #tpu.memory_space<vmem>>) dst(%dma_wait3A_293 : memref<10240x128xf32, #tpu.memory_space<vmem_shared>>)
        tpu.yield
      }) : () -> ()
      %add3A_250 = arith.constant 2 : i32
      %add3A_251 = arith.addi %mul3A_240, %add3A_250 : i32
      %dma_start3A_252 = arith.constant 0 : i32
      %dma_start3A_253 = arith.constant 0 : i32
      %dma_start3A_254 = tpu.memref_slice %arg6[%add3A_251, %dma_start3A_252, %dma_start3A_253] : memref<40x2x128xi32, #tpu.memory_space<vmem>> -> memref<1x1x128xi32, #tpu.memory_space<vmem>>
      %dma_start3A_255 = tpu.memref_squeeze %dma_start3A_254 : memref<1x1x128xi32, #tpu.memory_space<vmem>> -> memref<128xi32, #tpu.memory_space<vmem>>
      %dma_start3A_256 = arith.constant 0 : i32
      %dma_start3A_257 = arith.constant 0 : i32
      %dma_start3A_258 = tpu.memref_slice %arg2[%dma_start3A_256, %dma_start3A_257] : memref<10240x128xf32, #tpu.memory_space<hbm>> -> memref<10240x128xf32, #tpu.memory_space<hbm>>
      tpu.enqueue_indirect_dma source(%dma_start3A_258 : memref<10240x128xf32, #tpu.memory_space<hbm>>) target(%arg7 : memref<128x128xf32, #tpu.memory_space<vmem>>) offsets(%dma_start3A_255 : memref<128xi32, #tpu.memory_space<vmem>>) semaphore(%arg10 : memref<!tpu.dma_semaphore, #tpu.memory_space<semaphore_mem>>)
      %mul3A_259 = arith.constant 2 : i32
      %mul3A_260 = arith.muli %mul3A_259, %scan3A_238 : i32
      %add3A_261 = arith.constant 1 : i32
      %add3A_262 = arith.addi %mul3A_260, %add3A_261 : i32
      %dma_wait3A_263 = arith.constant 0 : i32
      %dma_wait3A_264 = arith.constant 0 : i32
      %dma_wait3A_265 = arith.constant 0 : i32
      %dma_wait3A_266 = tpu.memref_slice %arg6[%dma_wait3A_263, %dma_wait3A_264, %dma_wait3A_265] : memref<40x2x128xi32, #tpu.memory_space<vmem>> -> memref<1x1x128xi32, #tpu.memory_space<vmem>>
      %dma_wait3A_267 = tpu.memref_squeeze %dma_wait3A_266 : memref<1x1x128xi32, #tpu.memory_space<vmem>> -> memref<128xi32, #tpu.memory_space<vmem>>
      %dma_wait3A_268 = arith.constant 0 : i32
      %dma_wait3A_269 = arith.constant 0 : i32
      %dma_wait3A_270 = tpu.memref_slice %arg2[%dma_wait3A_268, %dma_wait3A_269] : memref<10240x128xf32, #tpu.memory_space<hbm>> -> memref<10240x128xf32, #tpu.memory_space<hbm>>
      tpu.wait_indirect_dma semaphore(%arg11 : memref<!tpu.dma_semaphore, #tpu.memory_space<semaphore_mem>>) src(%dma_wait3A_270 : memref<10240x128xf32, #tpu.memory_space<hbm>>) dst(%arg8 : memref<128x128xf32, #tpu.memory_space<vmem>>)
      %run_scoped3A_271 = arith.constant 1 : i32
      "tpu.region"() ({
        %run_scoped3A_281 = tpu.sem_alloc : memref<!tpu.dma_semaphore, #tpu.memory_space<semaphore_mem>>
        %dma_start3A_282 = arith.constant 0 : i32
        %dma_start3A_283 = tpu.memref_slice %arg6[%add3A_262, %run_scoped3A_271, %dma_start3A_282] : memref<40x2x128xi32, #tpu.memory_space<vmem>> -> memref<1x1x128xi32, #tpu.memory_space<vmem>>
        %dma_start3A_284 = tpu.memref_squeeze %dma_start3A_283 : memref<1x1x128xi32, #tpu.memory_space<vmem>> -> memref<128xi32, #tpu.memory_space<vmem>>
        %dma_start3A_285 = arith.constant 0 : i32
        %dma_start3A_286 = arith.constant 0 : i32
        %dma_start3A_287 = tpu.memref_slice %arg9[%dma_start3A_285, %dma_start3A_286] : memref<10240x128xf32, #tpu.memory_space<vmem_shared>> -> memref<10240x128xf32, #tpu.memory_space<vmem_shared>>
        tpu.enqueue_indirect_dma source(%arg8 : memref<128x128xf32, #tpu.memory_space<vmem>>) target(%dma_start3A_287 : memref<10240x128xf32, #tpu.memory_space<vmem_shared>>) offsets(%dma_start3A_284 : memref<128xi32, #tpu.memory_space<vmem>>) semaphore(%run_scoped3A_281 : memref<!tpu.dma_semaphore, #tpu.memory_space<semaphore_mem>>) {add = true}
        %dma_wait3A_288 = arith.constant 0 : i32
        %dma_wait3A_289 = tpu.memref_slice %arg6[%add3A_262, %run_scoped3A_271, %dma_wait3A_288] : memref<40x2x128xi32, #tpu.memory_space<vmem>> -> memref<1x1x128xi32, #tpu.memory_space<vmem>>
        %dma_wait3A_290 = tpu.memref_squeeze %dma_wait3A_289 : memref<1x1x128xi32, #tpu.memory_space<vmem>> -> memref<128xi32, #tpu.memory_space<vmem>>
        %dma_wait3A_291 = arith.constant 0 : i32
        %dma_wait3A_292 = arith.constant 0 : i32
        %dma_wait3A_293 = tpu.memref_slice %arg9[%dma_wait3A_291, %dma_wait3A_292] : memref<10240x128xf32, #tpu.memory_space<vmem_shared>> -> memref<10240x128xf32, #tpu.memory_space<vmem_shared>>
        tpu.wait_indirect_dma semaphore(%run_scoped3A_281 : memref<!tpu.dma_semaphore, #tpu.memory_space<semaphore_mem>>) src(%arg8 : memref<128x128xf32, #tpu.memory_space<vmem>>) dst(%dma_wait3A_293 : memref<10240x128xf32, #tpu.memory_space<vmem_shared>>)
        tpu.yield
      }) : () -> ()
      %add3A_272 = arith.constant 2 : i32
      %add3A_273 = arith.addi %add3A_262, %add3A_272 : i32
      %dma_start3A_274 = arith.constant 0 : i32
      %dma_start3A_275 = arith.constant 0 : i32
      %dma_start3A_276 = tpu.memref_slice %arg6[%add3A_273, %dma_start3A_274, %dma_start3A_275] : memref<40x2x128xi32, #tpu.memory_space<vmem>> -> memref<1x1x128xi32, #tpu.memory_space<vmem>>
      %dma_start3A_277 = tpu.memref_squeeze %dma_start3A_276 : memref<1x1x128xi32, #tpu.memory_space<vmem>> -> memref<128xi32, #tpu.memory_space<vmem>>
      %dma_start3A_278 = arith.constant 0 : i32
      %dma_start3A_279 = arith.constant 0 : i32
      %dma_start3A_280 = tpu.memref_slice %arg2[%dma_start3A_278, %dma_start3A_279] : memref<10240x128xf32, #tpu.memory_space<hbm>> -> memref<10240x128xf32, #tpu.memory_space<hbm>>
      tpu.enqueue_indirect_dma source(%dma_start3A_280 : memref<10240x128xf32, #tpu.memory_space<hbm>>) target(%arg8 : memref<128x128xf32, #tpu.memory_space<vmem>>) offsets(%dma_start3A_277 : memref<128xi32, #tpu.memory_space<vmem>>) semaphore(%arg11 : memref<!tpu.dma_semaphore, #tpu.memory_space<semaphore_mem>>)
    }
    %scan3A_84 = arith.constant 19 : i32
    %dma_wait3A_85 = arith.constant 0 : i32
    %dma_wait3A_86 = arith.constant 0 : i32
    %dma_wait3A_87 = arith.constant 0 : i32
    %dma_wait3A_88 = tpu.memref_slice %arg6[%dma_wait3A_85, %dma_wait3A_86, %dma_wait3A_87] : memref<40x2x128xi32, #tpu.memory_space<vmem>> -> memref<1x1x128xi32, #tpu.memory_space<vmem>>
    %dma_wait3A_89 = tpu.memref_squeeze %dma_wait3A_88 : memref<1x1x128xi32, #tpu.memory_space<vmem>> -> memref<128xi32, #tpu.memory_space<vmem>>
    %dma_wait3A_90 = arith.constant 0 : i32
    %dma_wait3A_91 = arith.constant 0 : i32
    %dma_wait3A_92 = tpu.memref_slice %arg2[%dma_wait3A_90, %dma_wait3A_91] : memref<10240x128xf32, #tpu.memory_space<hbm>> -> memref<10240x128xf32, #tpu.memory_space<hbm>>
    tpu.wait_indirect_dma semaphore(%arg10 : memref<!tpu.dma_semaphore, #tpu.memory_space<semaphore_mem>>) src(%dma_wait3A_92 : memref<10240x128xf32, #tpu.memory_space<hbm>>) dst(%arg7 : memref<128x128xf32, #tpu.memory_space<vmem>>)
    %run_scoped3A = arith.constant 38 : i32
    %run_scoped3A_93 = arith.constant 1 : i32
    "tpu.region"() ({
      %run_scoped3A_238 = tpu.sem_alloc : memref<!tpu.dma_semaphore, #tpu.memory_space<semaphore_mem>>
      %dma_start3A_239 = arith.constant 0 : i32
      %dma_start3A_240 = tpu.memref_slice %arg6[%run_scoped3A, %run_scoped3A_93, %dma_start3A_239] : memref<40x2x128xi32, #tpu.memory_space<vmem>> -> memref<1x1x128xi32, #tpu.memory_space<vmem>>
      %dma_start3A_241 = tpu.memref_squeeze %dma_start3A_240 : memref<1x1x128xi32, #tpu.memory_space<vmem>> -> memref<128xi32, #tpu.memory_space<vmem>>
      %dma_start3A_242 = arith.constant 0 : i32
      %dma_start3A_243 = arith.constant 0 : i32
      %dma_start3A_244 = tpu.memref_slice %arg9[%dma_start3A_242, %dma_start3A_243] : memref<10240x128xf32, #tpu.memory_space<vmem_shared>> -> memref<10240x128xf32, #tpu.memory_space<vmem_shared>>
      tpu.enqueue_indirect_dma source(%arg7 : memref<128x128xf32, #tpu.memory_space<vmem>>) target(%dma_start3A_244 : memref<10240x128xf32, #tpu.memory_space<vmem_shared>>) offsets(%dma_start3A_241 : memref<128xi32, #tpu.memory_space<vmem>>) semaphore(%run_scoped3A_238 : memref<!tpu.dma_semaphore, #tpu.memory_space<semaphore_mem>>) {add = true}
      %dma_wait3A_245 = arith.constant 0 : i32
      %dma_wait3A_246 = tpu.memref_slice %arg6[%run_scoped3A, %run_scoped3A_93, %dma_wait3A_245] : memref<40x2x128xi32, #tpu.memory_space<vmem>> -> memref<1x1x128xi32, #tpu.memory_space<vmem>>
      %dma_wait3A_247 = tpu.memref_squeeze %dma_wait3A_246 : memref<1x1x128xi32, #tpu.memory_space<vmem>> -> memref<128xi32, #tpu.memory_space<vmem>>
      %dma_wait3A_248 = arith.constant 0 : i32
      %dma_wait3A_249 = arith.constant 0 : i32
      %dma_wait3A_250 = tpu.memref_slice %arg9[%dma_wait3A_248, %dma_wait3A_249] : memref<10240x128xf32, #tpu.memory_space<vmem_shared>> -> memref<10240x128xf32, #tpu.memory_space<vmem_shared>>
      tpu.wait_indirect_dma semaphore(%run_scoped3A_238 : memref<!tpu.dma_semaphore, #tpu.memory_space<semaphore_mem>>) src(%arg7 : memref<128x128xf32, #tpu.memory_space<vmem>>) dst(%dma_wait3A_250 : memref<10240x128xf32, #tpu.memory_space<vmem_shared>>)
      tpu.yield
    }) : () -> ()
    %dma_wait3A_94 = arith.constant 0 : i32
    %dma_wait3A_95 = arith.constant 0 : i32
    %dma_wait3A_96 = arith.constant 0 : i32
    %dma_wait3A_97 = tpu.memref_slice %arg6[%dma_wait3A_94, %dma_wait3A_95, %dma_wait3A_96] : memref<40x2x128xi32, #tpu.memory_space<vmem>> -> memref<1x1x128xi32, #tpu.memory_space<vmem>>
    %dma_wait3A_98 = tpu.memref_squeeze %dma_wait3A_97 : memref<1x1x128xi32, #tpu.memory_space<vmem>> -> memref<128xi32, #tpu.memory_space<vmem>>
    %dma_wait3A_99 = arith.constant 0 : i32
    %dma_wait3A_100 = arith.constant 0 : i32
    %dma_wait3A_101 = tpu.memref_slice %arg2[%dma_wait3A_99, %dma_wait3A_100] : memref<10240x128xf32, #tpu.memory_space<hbm>> -> memref<10240x128xf32, #tpu.memory_space<hbm>>
    tpu.wait_indirect_dma semaphore(%arg11 : memref<!tpu.dma_semaphore, #tpu.memory_space<semaphore_mem>>) src(%dma_wait3A_101 : memref<10240x128xf32, #tpu.memory_space<hbm>>) dst(%arg8 : memref<128x128xf32, #tpu.memory_space<vmem>>)
    %run_scoped3A_102 = arith.constant 39 : i32
    %run_scoped3A_103 = arith.constant 1 : i32
    "tpu.region"() ({
      %run_scoped3A_238 = tpu.sem_alloc : memref<!tpu.dma_semaphore, #tpu.memory_space<semaphore_mem>>
      %dma_start3A_239 = arith.constant 0 : i32
      %dma_start3A_240 = tpu.memref_slice %arg6[%run_scoped3A_102, %run_scoped3A_103, %dma_start3A_239] : memref<40x2x128xi32, #tpu.memory_space<vmem>> -> memref<1x1x128xi32, #tpu.memory_space<vmem>>
      %dma_start3A_241 = tpu.memref_squeeze %dma_start3A_240 : memref<1x1x128xi32, #tpu.memory_space<vmem>> -> memref<128xi32, #tpu.memory_space<vmem>>
      %dma_start3A_242 = arith.constant 0 : i32
      %dma_start3A_243 = arith.constant 0 : i32
      %dma_start3A_244 = tpu.memref_slice %arg9[%dma_start3A_242, %dma_start3A_243] : memref<10240x128xf32, #tpu.memory_space<vmem_shared>> -> memref<10240x128xf32, #tpu.memory_space<vmem_shared>>
      tpu.enqueue_indirect_dma source(%arg8 : memref<128x128xf32, #tpu.memory_space<vmem>>) target(%dma_start3A_244 : memref<10240x128xf32, #tpu.memory_space<vmem_shared>>) offsets(%dma_start3A_241 : memref<128xi32, #tpu.memory_space<vmem>>) semaphore(%run_scoped3A_238 : memref<!tpu.dma_semaphore, #tpu.memory_space<semaphore_mem>>) {add = true}
      %dma_wait3A_245 = arith.constant 0 : i32
      %dma_wait3A_246 = tpu.memref_slice %arg6[%run_scoped3A_102, %run_scoped3A_103, %dma_wait3A_245] : memref<40x2x128xi32, #tpu.memory_space<vmem>> -> memref<1x1x128xi32, #tpu.memory_space<vmem>>
      %dma_wait3A_247 = tpu.memref_squeeze %dma_wait3A_246 : memref<1x1x128xi32, #tpu.memory_space<vmem>> -> memref<128xi32, #tpu.memory_space<vmem>>
      %dma_wait3A_248 = arith.constant 0 : i32
      %dma_wait3A_249 = arith.constant 0 : i32
      %dma_wait3A_250 = tpu.memref_slice %arg9[%dma_wait3A_248, %dma_wait3A_249] : memref<10240x128xf32, #tpu.memory_space<vmem_shared>> -> memref<10240x128xf32, #tpu.memory_space<vmem_shared>>
      tpu.wait_indirect_dma semaphore(%run_scoped3A_238 : memref<!tpu.dma_semaphore, #tpu.memory_space<semaphore_mem>>) src(%arg8 : memref<128x128xf32, #tpu.memory_space<vmem>>) dst(%dma_wait3A_250 : memref<10240x128xf32, #tpu.memory_space<vmem_shared>>)
      tpu.yield
    }) : () -> ()
    %add3A_104 = arith.constant 40 : i32
    %add3A_105 = arith.addi %mul3A_2, %add3A_104 : i32
    "tpu.region"() ({
      %run_scoped3A_238 = tpu.sem_alloc : memref<!tpu.dma_semaphore, #tpu.memory_space<semaphore_mem>>
      %dma_start3A_239 = arith.constant 0 : i32
      %dma_start3A_240 = arith.constant 0 : i32
      %dma_start3A_241 = tpu.memref_slice %arg3[%add3A_105, %dma_start3A_239, %dma_start3A_240] : memref<2560x2x128xi32, #tpu.memory_space<hbm>> -> memref<40x2x128xi32, #tpu.memory_space<hbm>>
      %dma_start3A_242 = arith.constant 0 : i32
      %dma_start3A_243 = arith.constant 0 : i32
      %dma_start3A_244 = tpu.memref_slice %arg3[%add3A_105, %dma_start3A_242, %dma_start3A_243] : memref<2560x2x128xi32, #tpu.memory_space<hbm>> -> memref<40x2x128xi32, #tpu.memory_space<hbm>>
      tpu.enqueue_dma source(%dma_start3A_244 : memref<40x2x128xi32, #tpu.memory_space<hbm>>) target(%arg6 : memref<40x2x128xi32, #tpu.memory_space<vmem>>) target_semaphore(%run_scoped3A_238 : memref<!tpu.dma_semaphore, #tpu.memory_space<semaphore_mem>>)
      %dma_wait3A_245 = arith.constant 0 : i32
      %dma_wait3A_246 = arith.constant 0 : i32
      %dma_wait3A_247 = tpu.memref_slice %arg3[%add3A_105, %dma_wait3A_245, %dma_wait3A_246] : memref<2560x2x128xi32, #tpu.memory_space<hbm>> -> memref<40x2x128xi32, #tpu.memory_space<hbm>>
      %dma_wait3A_248 = arith.constant 0 : i32
      %dma_wait3A_249 = arith.constant 0 : i32
      %dma_wait3A_250 = tpu.memref_slice %arg3[%add3A_105, %dma_wait3A_248, %dma_wait3A_249] : memref<2560x2x128xi32, #tpu.memory_space<hbm>> -> memref<40x2x128xi32, #tpu.memory_space<hbm>>
      tpu.wait_dma2 semaphore(%run_scoped3A_238 : memref<!tpu.dma_semaphore, #tpu.memory_space<semaphore_mem>>) src(%dma_wait3A_250 : memref<40x2x128xi32, #tpu.memory_space<hbm>>) dst(%arg6 : memref<40x2x128xi32, #tpu.memory_space<vmem>>)
      tpu.yield
    }) : () -> ()
    %dma_start3A_106 = arith.constant 0 : i32
    %dma_start3A_107 = arith.constant 0 : i32
    %dma_start3A_108 = arith.constant 0 : i32
    %dma_start3A_109 = tpu.memref_slice %arg6[%dma_start3A_106, %dma_start3A_107, %dma_start3A_108] : memref<40x2x128xi32, #tpu.memory_space<vmem>> -> memref<1x1x128xi32, #tpu.memory_space<vmem>>
    %dma_start3A_110 = tpu.memref_squeeze %dma_start3A_109 : memref<1x1x128xi32, #tpu.memory_space<vmem>> -> memref<128xi32, #tpu.memory_space<vmem>>
    %dma_start3A_111 = arith.constant 0 : i32
    %dma_start3A_112 = arith.constant 0 : i32
    %dma_start3A_113 = tpu.memref_slice %arg2[%dma_start3A_111, %dma_start3A_112] : memref<10240x128xf32, #tpu.memory_space<hbm>> -> memref<10240x128xf32, #tpu.memory_space<hbm>>
    tpu.enqueue_indirect_dma source(%dma_start3A_113 : memref<10240x128xf32, #tpu.memory_space<hbm>>) target(%arg7 : memref<128x128xf32, #tpu.memory_space<vmem>>) offsets(%dma_start3A_110 : memref<128xi32, #tpu.memory_space<vmem>>) semaphore(%arg10 : memref<!tpu.dma_semaphore, #tpu.memory_space<semaphore_mem>>)
    %dma_start3A_114 = arith.constant 1 : i32
    %dma_start3A_115 = arith.constant 0 : i32
    %dma_start3A_116 = arith.constant 0 : i32
    %dma_start3A_117 = tpu.memref_slice %arg6[%dma_start3A_114, %dma_start3A_115, %dma_start3A_116] : memref<40x2x128xi32, #tpu.memory_space<vmem>> -> memref<1x1x128xi32, #tpu.memory_space<vmem>>
    %dma_start3A_118 = tpu.memref_squeeze %dma_start3A_117 : memref<1x1x128xi32, #tpu.memory_space<vmem>> -> memref<128xi32, #tpu.memory_space<vmem>>
    %dma_start3A_119 = arith.constant 0 : i32
    %dma_start3A_120 = arith.constant 0 : i32
    %dma_start3A_121 = tpu.memref_slice %arg2[%dma_start3A_119, %dma_start3A_120] : memref<10240x128xf32, #tpu.memory_space<hbm>> -> memref<10240x128xf32, #tpu.memory_space<hbm>>
    tpu.enqueue_indirect_dma source(%dma_start3A_121 : memref<10240x128xf32, #tpu.memory_space<hbm>>) target(%arg8 : memref<128x128xf32, #tpu.memory_space<vmem>>) offsets(%dma_start3A_118 : memref<128xi32, #tpu.memory_space<vmem>>) semaphore(%arg11 : memref<!tpu.dma_semaphore, #tpu.memory_space<semaphore_mem>>)
    %scan3A_122 = arith.constant 0 : i32
    %scan3A_123 = arith.constant 19 : i32
    %scan3A_124 = arith.addi %scan3A_122, %scan3A_123 : i32
    %scan3A_125 = arith.constant 1 : i32
    scf.for %scan3A_238 = %scan3A_122 to %scan3A_124 step %scan3A_125  : i32 {
      %mul3A_239 = arith.constant 2 : i32
      %mul3A_240 = arith.muli %mul3A_239, %scan3A_238 : i32
      %dma_wait3A_241 = arith.constant 0 : i32
      %dma_wait3A_242 = arith.constant 0 : i32
      %dma_wait3A_243 = arith.constant 0 : i32
      %dma_wait3A_244 = tpu.memref_slice %arg6[%dma_wait3A_241, %dma_wait3A_242, %dma_wait3A_243] : memref<40x2x128xi32, #tpu.memory_space<vmem>> -> memref<1x1x128xi32, #tpu.memory_space<vmem>>
      %dma_wait3A_245 = tpu.memref_squeeze %dma_wait3A_244 : memref<1x1x128xi32, #tpu.memory_space<vmem>> -> memref<128xi32, #tpu.memory_space<vmem>>
      %dma_wait3A_246 = arith.constant 0 : i32
      %dma_wait3A_247 = arith.constant 0 : i32
      %dma_wait3A_248 = tpu.memref_slice %arg2[%dma_wait3A_246, %dma_wait3A_247] : memref<10240x128xf32, #tpu.memory_space<hbm>> -> memref<10240x128xf32, #tpu.memory_space<hbm>>
      tpu.wait_indirect_dma semaphore(%arg10 : memref<!tpu.dma_semaphore, #tpu.memory_space<semaphore_mem>>) src(%dma_wait3A_248 : memref<10240x128xf32, #tpu.memory_space<hbm>>) dst(%arg7 : memref<128x128xf32, #tpu.memory_space<vmem>>)
      %run_scoped3A_249 = arith.constant 1 : i32
      "tpu.region"() ({
        %run_scoped3A_281 = tpu.sem_alloc : memref<!tpu.dma_semaphore, #tpu.memory_space<semaphore_mem>>
        %dma_start3A_282 = arith.constant 0 : i32
        %dma_start3A_283 = tpu.memref_slice %arg6[%mul3A_240, %run_scoped3A_249, %dma_start3A_282] : memref<40x2x128xi32, #tpu.memory_space<vmem>> -> memref<1x1x128xi32, #tpu.memory_space<vmem>>
        %dma_start3A_284 = tpu.memref_squeeze %dma_start3A_283 : memref<1x1x128xi32, #tpu.memory_space<vmem>> -> memref<128xi32, #tpu.memory_space<vmem>>
        %dma_start3A_285 = arith.constant 0 : i32
        %dma_start3A_286 = arith.constant 0 : i32
        %dma_start3A_287 = tpu.memref_slice %arg9[%dma_start3A_285, %dma_start3A_286] : memref<10240x128xf32, #tpu.memory_space<vmem_shared>> -> memref<10240x128xf32, #tpu.memory_space<vmem_shared>>
        tpu.enqueue_indirect_dma source(%arg7 : memref<128x128xf32, #tpu.memory_space<vmem>>) target(%dma_start3A_287 : memref<10240x128xf32, #tpu.memory_space<vmem_shared>>) offsets(%dma_start3A_284 : memref<128xi32, #tpu.memory_space<vmem>>) semaphore(%run_scoped3A_281 : memref<!tpu.dma_semaphore, #tpu.memory_space<semaphore_mem>>) {add = true}
        %dma_wait3A_288 = arith.constant 0 : i32
        %dma_wait3A_289 = tpu.memref_slice %arg6[%mul3A_240, %run_scoped3A_249, %dma_wait3A_288] : memref<40x2x128xi32, #tpu.memory_space<vmem>> -> memref<1x1x128xi32, #tpu.memory_space<vmem>>
        %dma_wait3A_290 = tpu.memref_squeeze %dma_wait3A_289 : memref<1x1x128xi32, #tpu.memory_space<vmem>> -> memref<128xi32, #tpu.memory_space<vmem>>
        %dma_wait3A_291 = arith.constant 0 : i32
        %dma_wait3A_292 = arith.constant 0 : i32
        %dma_wait3A_293 = tpu.memref_slice %arg9[%dma_wait3A_291, %dma_wait3A_292] : memref<10240x128xf32, #tpu.memory_space<vmem_shared>> -> memref<10240x128xf32, #tpu.memory_space<vmem_shared>>
        tpu.wait_indirect_dma semaphore(%run_scoped3A_281 : memref<!tpu.dma_semaphore, #tpu.memory_space<semaphore_mem>>) src(%arg7 : memref<128x128xf32, #tpu.memory_space<vmem>>) dst(%dma_wait3A_293 : memref<10240x128xf32, #tpu.memory_space<vmem_shared>>)
        tpu.yield
      }) : () -> ()
      %add3A_250 = arith.constant 2 : i32
      %add3A_251 = arith.addi %mul3A_240, %add3A_250 : i32
      %dma_start3A_252 = arith.constant 0 : i32
      %dma_start3A_253 = arith.constant 0 : i32
      %dma_start3A_254 = tpu.memref_slice %arg6[%add3A_251, %dma_start3A_252, %dma_start3A_253] : memref<40x2x128xi32, #tpu.memory_space<vmem>> -> memref<1x1x128xi32, #tpu.memory_space<vmem>>
      %dma_start3A_255 = tpu.memref_squeeze %dma_start3A_254 : memref<1x1x128xi32, #tpu.memory_space<vmem>> -> memref<128xi32, #tpu.memory_space<vmem>>
      %dma_start3A_256 = arith.constant 0 : i32
      %dma_start3A_257 = arith.constant 0 : i32
      %dma_start3A_258 = tpu.memref_slice %arg2[%dma_start3A_256, %dma_start3A_257] : memref<10240x128xf32, #tpu.memory_space<hbm>> -> memref<10240x128xf32, #tpu.memory_space<hbm>>
      tpu.enqueue_indirect_dma source(%dma_start3A_258 : memref<10240x128xf32, #tpu.memory_space<hbm>>) target(%arg7 : memref<128x128xf32, #tpu.memory_space<vmem>>) offsets(%dma_start3A_255 : memref<128xi32, #tpu.memory_space<vmem>>) semaphore(%arg10 : memref<!tpu.dma_semaphore, #tpu.memory_space<semaphore_mem>>)
      %mul3A_259 = arith.constant 2 : i32
      %mul3A_260 = arith.muli %mul3A_259, %scan3A_238 : i32
      %add3A_261 = arith.constant 1 : i32
      %add3A_262 = arith.addi %mul3A_260, %add3A_261 : i32
      %dma_wait3A_263 = arith.constant 0 : i32
      %dma_wait3A_264 = arith.constant 0 : i32
      %dma_wait3A_265 = arith.constant 0 : i32
      %dma_wait3A_266 = tpu.memref_slice %arg6[%dma_wait3A_263, %dma_wait3A_264, %dma_wait3A_265] : memref<40x2x128xi32, #tpu.memory_space<vmem>> -> memref<1x1x128xi32, #tpu.memory_space<vmem>>
      %dma_wait3A_267 = tpu.memref_squeeze %dma_wait3A_266 : memref<1x1x128xi32, #tpu.memory_space<vmem>> -> memref<128xi32, #tpu.memory_space<vmem>>
      %dma_wait3A_268 = arith.constant 0 : i32
      %dma_wait3A_269 = arith.constant 0 : i32
      %dma_wait3A_270 = tpu.memref_slice %arg2[%dma_wait3A_268, %dma_wait3A_269] : memref<10240x128xf32, #tpu.memory_space<hbm>> -> memref<10240x128xf32, #tpu.memory_space<hbm>>
      tpu.wait_indirect_dma semaphore(%arg11 : memref<!tpu.dma_semaphore, #tpu.memory_space<semaphore_mem>>) src(%dma_wait3A_270 : memref<10240x128xf32, #tpu.memory_space<hbm>>) dst(%arg8 : memref<128x128xf32, #tpu.memory_space<vmem>>)
      %run_scoped3A_271 = arith.constant 1 : i32
      "tpu.region"() ({
        %run_scoped3A_281 = tpu.sem_alloc : memref<!tpu.dma_semaphore, #tpu.memory_space<semaphore_mem>>
        %dma_start3A_282 = arith.constant 0 : i32
        %dma_start3A_283 = tpu.memref_slice %arg6[%add3A_262, %run_scoped3A_271, %dma_start3A_282] : memref<40x2x128xi32, #tpu.memory_space<vmem>> -> memref<1x1x128xi32, #tpu.memory_space<vmem>>
        %dma_start3A_284 = tpu.memref_squeeze %dma_start3A_283 : memref<1x1x128xi32, #tpu.memory_space<vmem>> -> memref<128xi32, #tpu.memory_space<vmem>>
        %dma_start3A_285 = arith.constant 0 : i32
        %dma_start3A_286 = arith.constant 0 : i32
        %dma_start3A_287 = tpu.memref_slice %arg9[%dma_start3A_285, %dma_start3A_286] : memref<10240x128xf32, #tpu.memory_space<vmem_shared>> -> memref<10240x128xf32, #tpu.memory_space<vmem_shared>>
        tpu.enqueue_indirect_dma source(%arg8 : memref<128x128xf32, #tpu.memory_space<vmem>>) target(%dma_start3A_287 : memref<10240x128xf32, #tpu.memory_space<vmem_shared>>) offsets(%dma_start3A_284 : memref<128xi32, #tpu.memory_space<vmem>>) semaphore(%run_scoped3A_281 : memref<!tpu.dma_semaphore, #tpu.memory_space<semaphore_mem>>) {add = true}
        %dma_wait3A_288 = arith.constant 0 : i32
        %dma_wait3A_289 = tpu.memref_slice %arg6[%add3A_262, %run_scoped3A_271, %dma_wait3A_288] : memref<40x2x128xi32, #tpu.memory_space<vmem>> -> memref<1x1x128xi32, #tpu.memory_space<vmem>>
        %dma_wait3A_290 = tpu.memref_squeeze %dma_wait3A_289 : memref<1x1x128xi32, #tpu.memory_space<vmem>> -> memref<128xi32, #tpu.memory_space<vmem>>
        %dma_wait3A_291 = arith.constant 0 : i32
        %dma_wait3A_292 = arith.constant 0 : i32
        %dma_wait3A_293 = tpu.memref_slice %arg9[%dma_wait3A_291, %dma_wait3A_292] : memref<10240x128xf32, #tpu.memory_space<vmem_shared>> -> memref<10240x128xf32, #tpu.memory_space<vmem_shared>>
        tpu.wait_indirect_dma semaphore(%run_scoped3A_281 : memref<!tpu.dma_semaphore, #tpu.memory_space<semaphore_mem>>) src(%arg8 : memref<128x128xf32, #tpu.memory_space<vmem>>) dst(%dma_wait3A_293 : memref<10240x128xf32, #tpu.memory_space<vmem_shared>>)
        tpu.yield
      }) : () -> ()
      %add3A_272 = arith.constant 2 : i32
      %add3A_273 = arith.addi %add3A_262, %add3A_272 : i32
      %dma_start3A_274 = arith.constant 0 : i32
      %dma_start3A_275 = arith.constant 0 : i32
      %dma_start3A_276 = tpu.memref_slice %arg6[%add3A_273, %dma_start3A_274, %dma_start3A_275] : memref<40x2x128xi32, #tpu.memory_space<vmem>> -> memref<1x1x128xi32, #tpu.memory_space<vmem>>
      %dma_start3A_277 = tpu.memref_squeeze %dma_start3A_276 : memref<1x1x128xi32, #tpu.memory_space<vmem>> -> memref<128xi32, #tpu.memory_space<vmem>>
      %dma_start3A_278 = arith.constant 0 : i32
      %dma_start3A_279 = arith.constant 0 : i32
      %dma_start3A_280 = tpu.memref_slice %arg2[%dma_start3A_278, %dma_start3A_279] : memref<10240x128xf32, #tpu.memory_space<hbm>> -> memref<10240x128xf32, #tpu.memory_space<hbm>>
      tpu.enqueue_indirect_dma source(%dma_start3A_280 : memref<10240x128xf32, #tpu.memory_space<hbm>>) target(%arg8 : memref<128x128xf32, #tpu.memory_space<vmem>>) offsets(%dma_start3A_277 : memref<128xi32, #tpu.memory_space<vmem>>) semaphore(%arg11 : memref<!tpu.dma_semaphore, #tpu.memory_space<semaphore_mem>>)
    }
    %scan3A_126 = arith.constant 19 : i32
    %dma_wait3A_127 = arith.constant 0 : i32
    %dma_wait3A_128 = arith.constant 0 : i32
    %dma_wait3A_129 = arith.constant 0 : i32
    %dma_wait3A_130 = tpu.memref_slice %arg6[%dma_wait3A_127, %dma_wait3A_128, %dma_wait3A_129] : memref<40x2x128xi32, #tpu.memory_space<vmem>> -> memref<1x1x128xi32, #tpu.memory_space<vmem>>
    %dma_wait3A_131 = tpu.memref_squeeze %dma_wait3A_130 : memref<1x1x128xi32, #tpu.memory_space<vmem>> -> memref<128xi32, #tpu.memory_space<vmem>>
    %dma_wait3A_132 = arith.constant 0 : i32
    %dma_wait3A_133 = arith.constant 0 : i32
    %dma_wait3A_134 = tpu.memref_slice %arg2[%dma_wait3A_132, %dma_wait3A_133] : memref<10240x128xf32, #tpu.memory_space<hbm>> -> memref<10240x128xf32, #tpu.memory_space<hbm>>
    tpu.wait_indirect_dma semaphore(%arg10 : memref<!tpu.dma_semaphore, #tpu.memory_space<semaphore_mem>>) src(%dma_wait3A_134 : memref<10240x128xf32, #tpu.memory_space<hbm>>) dst(%arg7 : memref<128x128xf32, #tpu.memory_space<vmem>>)
    %run_scoped3A_135 = arith.constant 38 : i32
    %run_scoped3A_136 = arith.constant 1 : i32
    "tpu.region"() ({
      %run_scoped3A_238 = tpu.sem_alloc : memref<!tpu.dma_semaphore, #tpu.memory_space<semaphore_mem>>
      %dma_start3A_239 = arith.constant 0 : i32
      %dma_start3A_240 = tpu.memref_slice %arg6[%run_scoped3A_135, %run_scoped3A_136, %dma_start3A_239] : memref<40x2x128xi32, #tpu.memory_space<vmem>> -> memref<1x1x128xi32, #tpu.memory_space<vmem>>
      %dma_start3A_241 = tpu.memref_squeeze %dma_start3A_240 : memref<1x1x128xi32, #tpu.memory_space<vmem>> -> memref<128xi32, #tpu.memory_space<vmem>>
      %dma_start3A_242 = arith.constant 0 : i32
      %dma_start3A_243 = arith.constant 0 : i32
      %dma_start3A_244 = tpu.memref_slice %arg9[%dma_start3A_242, %dma_start3A_243] : memref<10240x128xf32, #tpu.memory_space<vmem_shared>> -> memref<10240x128xf32, #tpu.memory_space<vmem_shared>>
      tpu.enqueue_indirect_dma source(%arg7 : memref<128x128xf32, #tpu.memory_space<vmem>>) target(%dma_start3A_244 : memref<10240x128xf32, #tpu.memory_space<vmem_shared>>) offsets(%dma_start3A_241 : memref<128xi32, #tpu.memory_space<vmem>>) semaphore(%run_scoped3A_238 : memref<!tpu.dma_semaphore, #tpu.memory_space<semaphore_mem>>) {add = true}
      %dma_wait3A_245 = arith.constant 0 : i32
      %dma_wait3A_246 = tpu.memref_slice %arg6[%run_scoped3A_135, %run_scoped3A_136, %dma_wait3A_245] : memref<40x2x128xi32, #tpu.memory_space<vmem>> -> memref<1x1x128xi32, #tpu.memory_space<vmem>>
      %dma_wait3A_247 = tpu.memref_squeeze %dma_wait3A_246 : memref<1x1x128xi32, #tpu.memory_space<vmem>> -> memref<128xi32, #tpu.memory_space<vmem>>
      %dma_wait3A_248 = arith.constant 0 : i32
      %dma_wait3A_249 = arith.constant 0 : i32
      %dma_wait3A_250 = tpu.memref_slice %arg9[%dma_wait3A_248, %dma_wait3A_249] : memref<10240x128xf32, #tpu.memory_space<vmem_shared>> -> memref<10240x128xf32, #tpu.memory_space<vmem_shared>>
      tpu.wait_indirect_dma semaphore(%run_scoped3A_238 : memref<!tpu.dma_semaphore, #tpu.memory_space<semaphore_mem>>) src(%arg7 : memref<128x128xf32, #tpu.memory_space<vmem>>) dst(%dma_wait3A_250 : memref<10240x128xf32, #tpu.memory_space<vmem_shared>>)
      tpu.yield
    }) : () -> ()
    %dma_wait3A_137 = arith.constant 0 : i32
    %dma_wait3A_138 = arith.constant 0 : i32
    %dma_wait3A_139 = arith.constant 0 : i32
    %dma_wait3A_140 = tpu.memref_slice %arg6[%dma_wait3A_137, %dma_wait3A_138, %dma_wait3A_139] : memref<40x2x128xi32, #tpu.memory_space<vmem>> -> memref<1x1x128xi32, #tpu.memory_space<vmem>>
    %dma_wait3A_141 = tpu.memref_squeeze %dma_wait3A_140 : memref<1x1x128xi32, #tpu.memory_space<vmem>> -> memref<128xi32, #tpu.memory_space<vmem>>
    %dma_wait3A_142 = arith.constant 0 : i32
    %dma_wait3A_143 = arith.constant 0 : i32
    %dma_wait3A_144 = tpu.memref_slice %arg2[%dma_wait3A_142, %dma_wait3A_143] : memref<10240x128xf32, #tpu.memory_space<hbm>> -> memref<10240x128xf32, #tpu.memory_space<hbm>>
    tpu.wait_indirect_dma semaphore(%arg11 : memref<!tpu.dma_semaphore, #tpu.memory_space<semaphore_mem>>) src(%dma_wait3A_144 : memref<10240x128xf32, #tpu.memory_space<hbm>>) dst(%arg8 : memref<128x128xf32, #tpu.memory_space<vmem>>)
    %run_scoped3A_145 = arith.constant 39 : i32
    %run_scoped3A_146 = arith.constant 1 : i32
    "tpu.region"() ({
      %run_scoped3A_238 = tpu.sem_alloc : memref<!tpu.dma_semaphore, #tpu.memory_space<semaphore_mem>>
      %dma_start3A_239 = arith.constant 0 : i32
      %dma_start3A_240 = tpu.memref_slice %arg6[%run_scoped3A_145, %run_scoped3A_146, %dma_start3A_239] : memref<40x2x128xi32, #tpu.memory_space<vmem>> -> memref<1x1x128xi32, #tpu.memory_space<vmem>>
      %dma_start3A_241 = tpu.memref_squeeze %dma_start3A_240 : memref<1x1x128xi32, #tpu.memory_space<vmem>> -> memref<128xi32, #tpu.memory_space<vmem>>
      %dma_start3A_242 = arith.constant 0 : i32
      %dma_start3A_243 = arith.constant 0 : i32
      %dma_start3A_244 = tpu.memref_slice %arg9[%dma_start3A_242, %dma_start3A_243] : memref<10240x128xf32, #tpu.memory_space<vmem_shared>> -> memref<10240x128xf32, #tpu.memory_space<vmem_shared>>
      tpu.enqueue_indirect_dma source(%arg8 : memref<128x128xf32, #tpu.memory_space<vmem>>) target(%dma_start3A_244 : memref<10240x128xf32, #tpu.memory_space<vmem_shared>>) offsets(%dma_start3A_241 : memref<128xi32, #tpu.memory_space<vmem>>) semaphore(%run_scoped3A_238 : memref<!tpu.dma_semaphore, #tpu.memory_space<semaphore_mem>>) {add = true}
      %dma_wait3A_245 = arith.constant 0 : i32
      %dma_wait3A_246 = tpu.memref_slice %arg6[%run_scoped3A_145, %run_scoped3A_146, %dma_wait3A_245] : memref<40x2x128xi32, #tpu.memory_space<vmem>> -> memref<1x1x128xi32, #tpu.memory_space<vmem>>
      %dma_wait3A_247 = tpu.memref_squeeze %dma_wait3A_246 : memref<1x1x128xi32, #tpu.memory_space<vmem>> -> memref<128xi32, #tpu.memory_space<vmem>>
      %dma_wait3A_248 = arith.constant 0 : i32
      %dma_wait3A_249 = arith.constant 0 : i32
      %dma_wait3A_250 = tpu.memref_slice %arg9[%dma_wait3A_248, %dma_wait3A_249] : memref<10240x128xf32, #tpu.memory_space<vmem_shared>> -> memref<10240x128xf32, #tpu.memory_space<vmem_shared>>
      tpu.wait_indirect_dma semaphore(%run_scoped3A_238 : memref<!tpu.dma_semaphore, #tpu.memory_space<semaphore_mem>>) src(%arg8 : memref<128x128xf32, #tpu.memory_space<vmem>>) dst(%dma_wait3A_250 : memref<10240x128xf32, #tpu.memory_space<vmem_shared>>)
      tpu.yield
    }) : () -> ()
    %barrier3A_147 = arith.constant 0 : index
    tpu.barrier barrier_id(%barrier3A_147)
    %add3A_148 = arith.constant 0 : i32
    %add3A_149 = arith.addi %mul3A_4, %add3A_148 : i32
    "tpu.region"() ({
      %run_scoped3A_238 = tpu.sem_alloc : memref<!tpu.dma_semaphore, #tpu.memory_space<semaphore_mem>>
      %dma_start3A_239 = arith.constant 0 : i32
      %dma_start3A_240 = tpu.memref_slice %arg9[%add3A_149, %dma_start3A_239] : memref<10240x128xf32, #tpu.memory_space<vmem_shared>> -> memref<128x128xf32, #tpu.memory_space<vmem_shared>>
      %dma_start3A_241 = arith.constant 0 : i32
      %dma_start3A_242 = tpu.memref_slice %arg9[%add3A_149, %dma_start3A_241] : memref<10240x128xf32, #tpu.memory_space<vmem_shared>> -> memref<128x128xf32, #tpu.memory_space<vmem_shared>>
      tpu.enqueue_dma source(%dma_start3A_242 : memref<128x128xf32, #tpu.memory_space<vmem_shared>>) target(%arg7 : memref<128x128xf32, #tpu.memory_space<vmem>>) target_semaphore(%run_scoped3A_238 : memref<!tpu.dma_semaphore, #tpu.memory_space<semaphore_mem>>)
      %dma_wait3A_243 = arith.constant 0 : i32
      %dma_wait3A_244 = tpu.memref_slice %arg9[%add3A_149, %dma_wait3A_243] : memref<10240x128xf32, #tpu.memory_space<vmem_shared>> -> memref<128x128xf32, #tpu.memory_space<vmem_shared>>
      %dma_wait3A_245 = arith.constant 0 : i32
      %dma_wait3A_246 = tpu.memref_slice %arg9[%add3A_149, %dma_wait3A_245] : memref<10240x128xf32, #tpu.memory_space<vmem_shared>> -> memref<128x128xf32, #tpu.memory_space<vmem_shared>>
      tpu.wait_dma2 semaphore(%run_scoped3A_238 : memref<!tpu.dma_semaphore, #tpu.memory_space<semaphore_mem>>) src(%dma_wait3A_246 : memref<128x128xf32, #tpu.memory_space<vmem_shared>>) dst(%arg7 : memref<128x128xf32, #tpu.memory_space<vmem>>)
      tpu.yield
    }) : () -> ()
    %add3A_150 = arith.constant 0 : i32
    %add3A_151 = arith.addi %mul3A_4, %add3A_150 : i32
    %dma_start3A_152 = arith.constant 0 : i32
    %dma_start3A_153 = tpu.memref_slice %arg5[%arg0, %add3A_151, %dma_start3A_152] : memref<2x10240x128xf32, #tpu.memory_space<hbm>> -> memref<1x128x128xf32, #tpu.memory_space<hbm>>
    %dma_start3A_154 = tpu.memref_squeeze %dma_start3A_153 : memref<1x128x128xf32, #tpu.memory_space<hbm>> -> memref<128x128xf32, #tpu.memory_space<hbm>>
    %dma_start3A_155 = arith.constant 0 : i32
    %dma_start3A_156 = tpu.memref_slice %arg5[%arg0, %add3A_151, %dma_start3A_155] : memref<2x10240x128xf32, #tpu.memory_space<hbm>> -> memref<1x128x128xf32, #tpu.memory_space<hbm>>
    %dma_start3A_157 = tpu.memref_squeeze %dma_start3A_156 : memref<1x128x128xf32, #tpu.memory_space<hbm>> -> memref<128x128xf32, #tpu.memory_space<hbm>>
    tpu.enqueue_dma source(%arg7 : memref<128x128xf32, #tpu.memory_space<vmem>>) target(%dma_start3A_157 : memref<128x128xf32, #tpu.memory_space<hbm>>) target_semaphore(%arg10 : memref<!tpu.dma_semaphore, #tpu.memory_space<semaphore_mem>>)
    %add3A_158 = arith.constant 128 : i32
    %add3A_159 = arith.addi %mul3A_4, %add3A_158 : i32
    "tpu.region"() ({
      %run_scoped3A_238 = tpu.sem_alloc : memref<!tpu.dma_semaphore, #tpu.memory_space<semaphore_mem>>
      %dma_start3A_239 = arith.constant 0 : i32
      %dma_start3A_240 = tpu.memref_slice %arg9[%add3A_159, %dma_start3A_239] : memref<10240x128xf32, #tpu.memory_space<vmem_shared>> -> memref<128x128xf32, #tpu.memory_space<vmem_shared>>
      %dma_start3A_241 = arith.constant 0 : i32
      %dma_start3A_242 = tpu.memref_slice %arg9[%add3A_159, %dma_start3A_241] : memref<10240x128xf32, #tpu.memory_space<vmem_shared>> -> memref<128x128xf32, #tpu.memory_space<vmem_shared>>
      tpu.enqueue_dma source(%dma_start3A_242 : memref<128x128xf32, #tpu.memory_space<vmem_shared>>) target(%arg8 : memref<128x128xf32, #tpu.memory_space<vmem>>) target_semaphore(%run_scoped3A_238 : memref<!tpu.dma_semaphore, #tpu.memory_space<semaphore_mem>>)
      %dma_wait3A_243 = arith.constant 0 : i32
      %dma_wait3A_244 = tpu.memref_slice %arg9[%add3A_159, %dma_wait3A_243] : memref<10240x128xf32, #tpu.memory_space<vmem_shared>> -> memref<128x128xf32, #tpu.memory_space<vmem_shared>>
      %dma_wait3A_245 = arith.constant 0 : i32
      %dma_wait3A_246 = tpu.memref_slice %arg9[%add3A_159, %dma_wait3A_245] : memref<10240x128xf32, #tpu.memory_space<vmem_shared>> -> memref<128x128xf32, #tpu.memory_space<vmem_shared>>
      tpu.wait_dma2 semaphore(%run_scoped3A_238 : memref<!tpu.dma_semaphore, #tpu.memory_space<semaphore_mem>>) src(%dma_wait3A_246 : memref<128x128xf32, #tpu.memory_space<vmem_shared>>) dst(%arg8 : memref<128x128xf32, #tpu.memory_space<vmem>>)
      tpu.yield
    }) : () -> ()
    %add3A_160 = arith.constant 128 : i32
    %add3A_161 = arith.addi %mul3A_4, %add3A_160 : i32
    %dma_start3A_162 = arith.constant 0 : i32
    %dma_start3A_163 = tpu.memref_slice %arg5[%arg0, %add3A_161, %dma_start3A_162] : memref<2x10240x128xf32, #tpu.memory_space<hbm>> -> memref<1x128x128xf32, #tpu.memory_space<hbm>>
    %dma_start3A_164 = tpu.memref_squeeze %dma_start3A_163 : memref<1x128x128xf32, #tpu.memory_space<hbm>> -> memref<128x128xf32, #tpu.memory_space<hbm>>
    %dma_start3A_165 = arith.constant 0 : i32
    %dma_start3A_166 = tpu.memref_slice %arg5[%arg0, %add3A_161, %dma_start3A_165] : memref<2x10240x128xf32, #tpu.memory_space<hbm>> -> memref<1x128x128xf32, #tpu.memory_space<hbm>>
    %dma_start3A_167 = tpu.memref_squeeze %dma_start3A_166 : memref<1x128x128xf32, #tpu.memory_space<hbm>> -> memref<128x128xf32, #tpu.memory_space<hbm>>
    tpu.enqueue_dma source(%arg8 : memref<128x128xf32, #tpu.memory_space<vmem>>) target(%dma_start3A_167 : memref<128x128xf32, #tpu.memory_space<hbm>>) target_semaphore(%arg11 : memref<!tpu.dma_semaphore, #tpu.memory_space<semaphore_mem>>)
    %add3A_168 = arith.constant 0 : i32
    %add3A_169 = arith.addi %mul3A_4, %add3A_168 : i32
    %dma_wait3A_170 = arith.constant 0 : i32
    %dma_wait3A_171 = tpu.memref_slice %arg5[%arg0, %add3A_169, %dma_wait3A_170] : memref<2x10240x128xf32, #tpu.memory_space<hbm>> -> memref<1x128x128xf32, #tpu.memory_space<hbm>>
    %dma_wait3A_172 = tpu.memref_squeeze %dma_wait3A_171 : memref<1x128x128xf32, #tpu.memory_space<hbm>> -> memref<128x128xf32, #tpu.memory_space<hbm>>
    %dma_wait3A_173 = arith.constant 0 : i32
    %dma_wait3A_174 = tpu.memref_slice %arg5[%arg0, %add3A_169, %dma_wait3A_173] : memref<2x10240x128xf32, #tpu.memory_space<hbm>> -> memref<1x128x128xf32, #tpu.memory_space<hbm>>
    %dma_wait3A_175 = tpu.memref_squeeze %dma_wait3A_174 : memref<1x128x128xf32, #tpu.memory_space<hbm>> -> memref<128x128xf32, #tpu.memory_space<hbm>>
    tpu.wait_dma2 semaphore(%arg10 : memref<!tpu.dma_semaphore, #tpu.memory_space<semaphore_mem>>) src(%arg7 : memref<128x128xf32, #tpu.memory_space<vmem>>) dst(%dma_wait3A_175 : memref<128x128xf32, #tpu.memory_space<hbm>>)
    %add3A_176 = arith.constant 256 : i32
    %add3A_177 = arith.addi %mul3A_4, %add3A_176 : i32
    "tpu.region"() ({
      %run_scoped3A_238 = tpu.sem_alloc : memref<!tpu.dma_semaphore, #tpu.memory_space<semaphore_mem>>
      %dma_start3A_239 = arith.constant 0 : i32
      %dma_start3A_240 = tpu.memref_slice %arg9[%add3A_177, %dma_start3A_239] : memref<10240x128xf32, #tpu.memory_space<vmem_shared>> -> memref<128x128xf32, #tpu.memory_space<vmem_shared>>
      %dma_start3A_241 = arith.constant 0 : i32
      %dma_start3A_242 = tpu.memref_slice %arg9[%add3A_177, %dma_start3A_241] : memref<10240x128xf32, #tpu.memory_space<vmem_shared>> -> memref<128x128xf32, #tpu.memory_space<vmem_shared>>
      tpu.enqueue_dma source(%dma_start3A_242 : memref<128x128xf32, #tpu.memory_space<vmem_shared>>) target(%arg7 : memref<128x128xf32, #tpu.memory_space<vmem>>) target_semaphore(%run_scoped3A_238 : memref<!tpu.dma_semaphore, #tpu.memory_space<semaphore_mem>>)
      %dma_wait3A_243 = arith.constant 0 : i32
      %dma_wait3A_244 = tpu.memref_slice %arg9[%add3A_177, %dma_wait3A_243] : memref<10240x128xf32, #tpu.memory_space<vmem_shared>> -> memref<128x128xf32, #tpu.memory_space<vmem_shared>>
      %dma_wait3A_245 = arith.constant 0 : i32
      %dma_wait3A_246 = tpu.memref_slice %arg9[%add3A_177, %dma_wait3A_245] : memref<10240x128xf32, #tpu.memory_space<vmem_shared>> -> memref<128x128xf32, #tpu.memory_space<vmem_shared>>
      tpu.wait_dma2 semaphore(%run_scoped3A_238 : memref<!tpu.dma_semaphore, #tpu.memory_space<semaphore_mem>>) src(%dma_wait3A_246 : memref<128x128xf32, #tpu.memory_space<vmem_shared>>) dst(%arg7 : memref<128x128xf32, #tpu.memory_space<vmem>>)
      tpu.yield
    }) : () -> ()
    %add3A_178 = arith.constant 256 : i32
    %add3A_179 = arith.addi %mul3A_4, %add3A_178 : i32
    %dma_start3A_180 = arith.constant 0 : i32
    %dma_start3A_181 = tpu.memref_slice %arg5[%arg0, %add3A_179, %dma_start3A_180] : memref<2x10240x128xf32, #tpu.memory_space<hbm>> -> memref<1x128x128xf32, #tpu.memory_space<hbm>>
    %dma_start3A_182 = tpu.memref_squeeze %dma_start3A_181 : memref<1x128x128xf32, #tpu.memory_space<hbm>> -> memref<128x128xf32, #tpu.memory_space<hbm>>
    %dma_start3A_183 = arith.constant 0 : i32
    %dma_start3A_184 = tpu.memref_slice %arg5[%arg0, %add3A_179, %dma_start3A_183] : memref<2x10240x128xf32, #tpu.memory_space<hbm>> -> memref<1x128x128xf32, #tpu.memory_space<hbm>>
    %dma_start3A_185 = tpu.memref_squeeze %dma_start3A_184 : memref<1x128x128xf32, #tpu.memory_space<hbm>> -> memref<128x128xf32, #tpu.memory_space<hbm>>
    tpu.enqueue_dma source(%arg7 : memref<128x128xf32, #tpu.memory_space<vmem>>) target(%dma_start3A_185 : memref<128x128xf32, #tpu.memory_space<hbm>>) target_semaphore(%arg10 : memref<!tpu.dma_semaphore, #tpu.memory_space<semaphore_mem>>)
    %add3A_186 = arith.constant 128 : i32
    %add3A_187 = arith.addi %mul3A_4, %add3A_186 : i32
    %dma_wait3A_188 = arith.constant 0 : i32
    %dma_wait3A_189 = tpu.memref_slice %arg5[%arg0, %add3A_187, %dma_wait3A_188] : memref<2x10240x128xf32, #tpu.memory_space<hbm>> -> memref<1x128x128xf32, #tpu.memory_space<hbm>>
    %dma_wait3A_190 = tpu.memref_squeeze %dma_wait3A_189 : memref<1x128x128xf32, #tpu.memory_space<hbm>> -> memref<128x128xf32, #tpu.memory_space<hbm>>
    %dma_wait3A_191 = arith.constant 0 : i32
    %dma_wait3A_192 = tpu.memref_slice %arg5[%arg0, %add3A_187, %dma_wait3A_191] : memref<2x10240x128xf32, #tpu.memory_space<hbm>> -> memref<1x128x128xf32, #tpu.memory_space<hbm>>
    %dma_wait3A_193 = tpu.memref_squeeze %dma_wait3A_192 : memref<1x128x128xf32, #tpu.memory_space<hbm>> -> memref<128x128xf32, #tpu.memory_space<hbm>>
    tpu.wait_dma2 semaphore(%arg11 : memref<!tpu.dma_semaphore, #tpu.memory_space<semaphore_mem>>) src(%arg8 : memref<128x128xf32, #tpu.memory_space<vmem>>) dst(%dma_wait3A_193 : memref<128x128xf32, #tpu.memory_space<hbm>>)
    %add3A_194 = arith.constant 384 : i32
    %add3A_195 = arith.addi %mul3A_4, %add3A_194 : i32
    "tpu.region"() ({
      %run_scoped3A_238 = tpu.sem_alloc : memref<!tpu.dma_semaphore, #tpu.memory_space<semaphore_mem>>
      %dma_start3A_239 = arith.constant 0 : i32
      %dma_start3A_240 = tpu.memref_slice %arg9[%add3A_195, %dma_start3A_239] : memref<10240x128xf32, #tpu.memory_space<vmem_shared>> -> memref<128x128xf32, #tpu.memory_space<vmem_shared>>
      %dma_start3A_241 = arith.constant 0 : i32
      %dma_start3A_242 = tpu.memref_slice %arg9[%add3A_195, %dma_start3A_241] : memref<10240x128xf32, #tpu.memory_space<vmem_shared>> -> memref<128x128xf32, #tpu.memory_space<vmem_shared>>
      tpu.enqueue_dma source(%dma_start3A_242 : memref<128x128xf32, #tpu.memory_space<vmem_shared>>) target(%arg8 : memref<128x128xf32, #tpu.memory_space<vmem>>) target_semaphore(%run_scoped3A_238 : memref<!tpu.dma_semaphore, #tpu.memory_space<semaphore_mem>>)
      %dma_wait3A_243 = arith.constant 0 : i32
      %dma_wait3A_244 = tpu.memref_slice %arg9[%add3A_195, %dma_wait3A_243] : memref<10240x128xf32, #tpu.memory_space<vmem_shared>> -> memref<128x128xf32, #tpu.memory_space<vmem_shared>>
      %dma_wait3A_245 = arith.constant 0 : i32
      %dma_wait3A_246 = tpu.memref_slice %arg9[%add3A_195, %dma_wait3A_245] : memref<10240x128xf32, #tpu.memory_space<vmem_shared>> -> memref<128x128xf32, #tpu.memory_space<vmem_shared>>
      tpu.wait_dma2 semaphore(%run_scoped3A_238 : memref<!tpu.dma_semaphore, #tpu.memory_space<semaphore_mem>>) src(%dma_wait3A_246 : memref<128x128xf32, #tpu.memory_space<vmem_shared>>) dst(%arg8 : memref<128x128xf32, #tpu.memory_space<vmem>>)
      tpu.yield
    }) : () -> ()
    %add3A_196 = arith.constant 384 : i32
    %add3A_197 = arith.addi %mul3A_4, %add3A_196 : i32
    %dma_start3A_198 = arith.constant 0 : i32
    %dma_start3A_199 = tpu.memref_slice %arg5[%arg0, %add3A_197, %dma_start3A_198] : memref<2x10240x128xf32, #tpu.memory_space<hbm>> -> memref<1x128x128xf32, #tpu.memory_space<hbm>>
    %dma_start3A_200 = tpu.memref_squeeze %dma_start3A_199 : memref<1x128x128xf32, #tpu.memory_space<hbm>> -> memref<128x128xf32, #tpu.memory_space<hbm>>
    %dma_start3A_201 = arith.constant 0 : i32
    %dma_start3A_202 = tpu.memref_slice %arg5[%arg0, %add3A_197, %dma_start3A_201] : memref<2x10240x128xf32, #tpu.memory_space<hbm>> -> memref<1x128x128xf32, #tpu.memory_space<hbm>>
    %dma_start3A_203 = tpu.memref_squeeze %dma_start3A_202 : memref<1x128x128xf32, #tpu.memory_space<hbm>> -> memref<128x128xf32, #tpu.memory_space<hbm>>
    tpu.enqueue_dma source(%arg8 : memref<128x128xf32, #tpu.memory_space<vmem>>) target(%dma_start3A_203 : memref<128x128xf32, #tpu.memory_space<hbm>>) target_semaphore(%arg11 : memref<!tpu.dma_semaphore, #tpu.memory_space<semaphore_mem>>)
    %add3A_204 = arith.constant 256 : i32
    %add3A_205 = arith.addi %mul3A_4, %add3A_204 : i32
    %dma_wait3A_206 = arith.constant 0 : i32
    %dma_wait3A_207 = tpu.memref_slice %arg5[%arg0, %add3A_205, %dma_wait3A_206] : memref<2x10240x128xf32, #tpu.memory_space<hbm>> -> memref<1x128x128xf32, #tpu.memory_space<hbm>>
    %dma_wait3A_208 = tpu.memref_squeeze %dma_wait3A_207 : memref<1x128x128xf32, #tpu.memory_space<hbm>> -> memref<128x128xf32, #tpu.memory_space<hbm>>
    %dma_wait3A_209 = arith.constant 0 : i32
    %dma_wait3A_210 = tpu.memref_slice %arg5[%arg0, %add3A_205, %dma_wait3A_209] : memref<2x10240x128xf32, #tpu.memory_space<hbm>> -> memref<1x128x128xf32, #tpu.memory_space<hbm>>
    %dma_wait3A_211 = tpu.memref_squeeze %dma_wait3A_210 : memref<1x128x128xf32, #tpu.memory_space<hbm>> -> memref<128x128xf32, #tpu.memory_space<hbm>>
    tpu.wait_dma2 semaphore(%arg10 : memref<!tpu.dma_semaphore, #tpu.memory_space<semaphore_mem>>) src(%arg7 : memref<128x128xf32, #tpu.memory_space<vmem>>) dst(%dma_wait3A_211 : memref<128x128xf32, #tpu.memory_space<hbm>>)
    %add3A_212 = arith.constant 512 : i32
    %add3A_213 = arith.addi %mul3A_4, %add3A_212 : i32
    "tpu.region"() ({
      %run_scoped3A_238 = tpu.sem_alloc : memref<!tpu.dma_semaphore, #tpu.memory_space<semaphore_mem>>
      %dma_start3A_239 = arith.constant 0 : i32
      %dma_start3A_240 = tpu.memref_slice %arg9[%add3A_213, %dma_start3A_239] : memref<10240x128xf32, #tpu.memory_space<vmem_shared>> -> memref<128x128xf32, #tpu.memory_space<vmem_shared>>
      %dma_start3A_241 = arith.constant 0 : i32
      %dma_start3A_242 = tpu.memref_slice %arg9[%add3A_213, %dma_start3A_241] : memref<10240x128xf32, #tpu.memory_space<vmem_shared>> -> memref<128x128xf32, #tpu.memory_space<vmem_shared>>
      tpu.enqueue_dma source(%dma_start3A_242 : memref<128x128xf32, #tpu.memory_space<vmem_shared>>) target(%arg7 : memref<128x128xf32, #tpu.memory_space<vmem>>) target_semaphore(%run_scoped3A_238 : memref<!tpu.dma_semaphore, #tpu.memory_space<semaphore_mem>>)
      %dma_wait3A_243 = arith.constant 0 : i32
      %dma_wait3A_244 = tpu.memref_slice %arg9[%add3A_213, %dma_wait3A_243] : memref<10240x128xf32, #tpu.memory_space<vmem_shared>> -> memref<128x128xf32, #tpu.memory_space<vmem_shared>>
      %dma_wait3A_245 = arith.constant 0 : i32
      %dma_wait3A_246 = tpu.memref_slice %arg9[%add3A_213, %dma_wait3A_245] : memref<10240x128xf32, #tpu.memory_space<vmem_shared>> -> memref<128x128xf32, #tpu.memory_space<vmem_shared>>
      tpu.wait_dma2 semaphore(%run_scoped3A_238 : memref<!tpu.dma_semaphore, #tpu.memory_space<semaphore_mem>>) src(%dma_wait3A_246 : memref<128x128xf32, #tpu.memory_space<vmem_shared>>) dst(%arg7 : memref<128x128xf32, #tpu.memory_space<vmem>>)
      tpu.yield
    }) : () -> ()
    %add3A_214 = arith.constant 512 : i32
    %add3A_215 = arith.addi %mul3A_4, %add3A_214 : i32
    %dma_start3A_216 = arith.constant 0 : i32
    %dma_start3A_217 = tpu.memref_slice %arg5[%arg0, %add3A_215, %dma_start3A_216] : memref<2x10240x128xf32, #tpu.memory_space<hbm>> -> memref<1x128x128xf32, #tpu.memory_space<hbm>>
    %dma_start3A_218 = tpu.memref_squeeze %dma_start3A_217 : memref<1x128x128xf32, #tpu.memory_space<hbm>> -> memref<128x128xf32, #tpu.memory_space<hbm>>
    %dma_start3A_219 = arith.constant 0 : i32
    %dma_start3A_220 = tpu.memref_slice %arg5[%arg0, %add3A_215, %dma_start3A_219] : memref<2x10240x128xf32, #tpu.memory_space<hbm>> -> memref<1x128x128xf32, #tpu.memory_space<hbm>>
    %dma_start3A_221 = tpu.memref_squeeze %dma_start3A_220 : memref<1x128x128xf32, #tpu.memory_space<hbm>> -> memref<128x128xf32, #tpu.memory_space<hbm>>
    tpu.enqueue_dma source(%arg7 : memref<128x128xf32, #tpu.memory_space<vmem>>) target(%dma_start3A_221 : memref<128x128xf32, #tpu.memory_space<hbm>>) target_semaphore(%arg10 : memref<!tpu.dma_semaphore, #tpu.memory_space<semaphore_mem>>)
    %add3A_222 = arith.constant 384 : i32
    %add3A_223 = arith.addi %mul3A_4, %add3A_222 : i32
    %dma_wait3A_224 = arith.constant 0 : i32
    %dma_wait3A_225 = tpu.memref_slice %arg5[%arg0, %add3A_223, %dma_wait3A_224] : memref<2x10240x128xf32, #tpu.memory_space<hbm>> -> memref<1x128x128xf32, #tpu.memory_space<hbm>>
    %dma_wait3A_226 = tpu.memref_squeeze %dma_wait3A_225 : memref<1x128x128xf32, #tpu.memory_space<hbm>> -> memref<128x128xf32, #tpu.memory_space<hbm>>
    %dma_wait3A_227 = arith.constant 0 : i32
    %dma_wait3A_228 = tpu.memref_slice %arg5[%arg0, %add3A_223, %dma_wait3A_227] : memref<2x10240x128xf32, #tpu.memory_space<hbm>> -> memref<1x128x128xf32, #tpu.memory_space<hbm>>
    %dma_wait3A_229 = tpu.memref_squeeze %dma_wait3A_228 : memref<1x128x128xf32, #tpu.memory_space<hbm>> -> memref<128x128xf32, #tpu.memory_space<hbm>>
    tpu.wait_dma2 semaphore(%arg11 : memref<!tpu.dma_semaphore, #tpu.memory_space<semaphore_mem>>) src(%arg8 : memref<128x128xf32, #tpu.memory_space<vmem>>) dst(%dma_wait3A_229 : memref<128x128xf32, #tpu.memory_space<hbm>>)
    %add3A_230 = arith.constant 512 : i32
    %add3A_231 = arith.addi %mul3A_4, %add3A_230 : i32
    %dma_wait3A_232 = arith.constant 0 : i32
    %dma_wait3A_233 = tpu.memref_slice %arg5[%arg0, %add3A_231, %dma_wait3A_232] : memref<2x10240x128xf32, #tpu.memory_space<hbm>> -> memref<1x128x128xf32, #tpu.memory_space<hbm>>
    %dma_wait3A_234 = tpu.memref_squeeze %dma_wait3A_233 : memref<1x128x128xf32, #tpu.memory_space<hbm>> -> memref<128x128xf32, #tpu.memory_space<hbm>>
    %dma_wait3A_235 = arith.constant 0 : i32
    %dma_wait3A_236 = tpu.memref_slice %arg5[%arg0, %add3A_231, %dma_wait3A_235] : memref<2x10240x128xf32, #tpu.memory_space<hbm>> -> memref<1x128x128xf32, #tpu.memory_space<hbm>>
    %dma_wait3A_237 = tpu.memref_squeeze %dma_wait3A_236 : memref<1x128x128xf32, #tpu.memory_space<hbm>> -> memref<128x128xf32, #tpu.memory_space<hbm>>
    tpu.wait_dma2 semaphore(%arg10 : memref<!tpu.dma_semaphore, #tpu.memory_space<semaphore_mem>>) src(%arg7 : memref<128x128xf32, #tpu.memory_space<vmem>>) dst(%dma_wait3A_237 : memref<128x128xf32, #tpu.memory_space<hbm>>)
    return
  }
}

module attributes {stable_mosaic.version = 14 : i64} {
  func.func @_tc_scale_body(%arg0: i32, %arg1: memref<2048x128xf32, #tpu.memory_space<vmem>>, %arg2: memref<2048x1xf32, #tpu.memory_space<vmem>>, %arg3: memref<2048x128xf32, #tpu.memory_space<vmem>>) attributes {dimension_semantics = [#tpu.dimension_semantics<arbitrary>], iteration_bounds = array<i64: 5>, scalar_prefetch = 0 : i64, scratch_operands = 0 : i64, tpu.core_type = #tpu.core_type<tc>, window_params = [{transform_indices = @transform_0, window_bounds = array<i64: 2048, 128>}, {transform_indices = @transform_1, window_bounds = array<i64: 2048, 1>}, {transform_indices = @transform_2, window_bounds = array<i64: 2048, 128>}]} {
    %get3A = arith.constant 0 : index
    %get3A_0 = arith.constant 0 : index
    %get3A_1 = vector.load %arg1[%get3A, %get3A_0] : memref<2048x128xf32, #tpu.memory_space<vmem>>, vector<2048x128xf32>
    %get3A_2 = arith.constant 0 : index
    %get3A_3 = arith.constant 0 : index
    %get3A_4 = vector.load %arg2[%get3A_2, %get3A_3] : memref<2048x1xf32, #tpu.memory_space<vmem>>, vector<2048x1xf32>
    %gt3A = arith.constant 0.000000e+00 : f32
    %gt3A_5 = vector.broadcast %gt3A : f32 to vector<2048x1xf32>
    %gt3A_6 = arith.cmpf ogt, %get3A_4, %gt3A_5 : vector<2048x1xf32>
    %jit3A = arith.constant 1.000000e+00 : f32
    %broadcast_in_dim3A = vector.broadcast %jit3A : f32 to vector<2048x1xf32>
    %select_n3A = arith.select %gt3A_6, %get3A_4, %broadcast_in_dim3A : vector<2048x1xi1>, vector<2048x1xf32>
    %rsqrt3A = math.rsqrt %select_n3A : vector<2048x1xf32>
    %mul3A = vector.broadcast %rsqrt3A : vector<2048x1xf32> to vector<2048x128xf32>
    %mul3A_7 = arith.mulf %get3A_1, %mul3A : vector<2048x128xf32>
    %swap3A = arith.constant 0 : index
    %swap3A_8 = arith.constant 0 : index
    %swap3A_9 = vector.load %arg3[%swap3A, %swap3A_8] : memref<2048x128xf32, #tpu.memory_space<vmem>>, vector<2048x128xf32>
    tpu.vector_store %arg3[%swap3A, %swap3A_8], %mul3A_7 {strides = array<i32>} : memref<2048x128xf32, #tpu.memory_space<vmem>>, vector<2048x128xf32>,
    return
  }
  func.func @transform_0(%arg0: i32) -> (i32, i32) {
    %c0_i32 = arith.constant 0 : i32
    %c0_i32_0 = arith.constant 0 : i32
    return %arg0, %c0_i32 : i32, i32
  }
  func.func @transform_1(%arg0: i32) -> (i32, i32) {
    %c0_i32 = arith.constant 0 : i32
    %c0_i32_0 = arith.constant 0 : i32
    return %arg0, %c0_i32 : i32, i32
  }
  func.func @transform_2(%arg0: i32) -> (i32, i32) {
    %c0_i32 = arith.constant 0 : i32
    %c0_i32_0 = arith.constant 0 : i32
    return %arg0, %c0_i32 : i32, i32
  }
}

module attributes {stable_mosaic.version = 14 : i64} {
  func.func @_tc_stage_body(%arg0: i32, %arg1: memref<2x2048x128xf32, #tpu.memory_space<vmem>>, %arg2: memref<2048x1xf32, #tpu.memory_space<vmem>>, %arg3: memref<2048x1xf32, #tpu.memory_space<vmem>>, %arg4: memref<128x128xf32, #tpu.memory_space<vmem>>, %arg5: memref<1x128xf32, #tpu.memory_space<vmem>>, %arg6: memref<2048x128xf32, #tpu.memory_space<vmem>>) attributes {dimension_semantics = [#tpu.dimension_semantics<arbitrary>], iteration_bounds = array<i64: 5>, scalar_prefetch = 0 : i64, scratch_operands = 0 : i64, tpu.core_type = #tpu.core_type<tc>, window_params = [{transform_indices = @transform_0, window_bounds = array<i64: 2, 2048, 128>}, {transform_indices = @transform_1, window_bounds = array<i64: 2048, 1>}, {transform_indices = @transform_2, window_bounds = array<i64: 2048, 1>}, {pipeline_mode = #tpu.pipeline_mode<synchronous>, transform_indices = @transform_3, window_bounds = array<i64: 128, 128>}, {pipeline_mode = #tpu.pipeline_mode<synchronous>, transform_indices = @transform_4, window_bounds = array<i64: 1, 128>}, {transform_indices = @transform_5, window_bounds = array<i64: 2048, 128>}]} {
    %get3A = arith.constant 0 : index
    %get3A_0 = arith.constant 0 : index
    %get3A_1 = arith.constant 0 : index
    %get3A_2 = vector.load %arg1[%get3A, %get3A_0, %get3A_1] : memref<2x2048x128xf32, #tpu.memory_space<vmem>>, vector<1x2048x128xf32>
    %get3A_3 = vector.shape_cast %get3A_2 : vector<1x2048x128xf32> to vector<2048x128xf32>
    %get3A_4 = arith.constant 1 : index
    %get3A_5 = arith.constant 0 : index
    %get3A_6 = arith.constant 0 : index
    %get3A_7 = vector.load %arg1[%get3A_4, %get3A_5, %get3A_6] : memref<2x2048x128xf32, #tpu.memory_space<vmem>>, vector<1x2048x128xf32>
    %get3A_8 = vector.shape_cast %get3A_7 : vector<1x2048x128xf32> to vector<2048x128xf32>
    %add3A = arith.addf %get3A_3, %get3A_8 : vector<2048x128xf32>
    %get3A_9 = arith.constant 0 : index
    %get3A_10 = arith.constant 0 : index
    %get3A_11 = vector.load %arg2[%get3A_9, %get3A_10] : memref<2048x1xf32, #tpu.memory_space<vmem>>, vector<2048x1xf32>
    %gt3A = arith.constant 0.000000e+00 : f32
    %gt3A_12 = vector.broadcast %gt3A : f32 to vector<2048x1xf32>
    %gt3A_13 = arith.cmpf ogt, %get3A_11, %gt3A_12 : vector<2048x1xf32>
    %jit3A = arith.constant 1.000000e+00 : f32
    %broadcast_in_dim3A = vector.broadcast %jit3A : f32 to vector<2048x1xf32>
    %select_n3A = arith.select %gt3A_13, %get3A_11, %broadcast_in_dim3A : vector<2048x1xi1>, vector<2048x1xf32>
    %rsqrt3A = math.rsqrt %select_n3A : vector<2048x1xf32>
    %mul3A = vector.broadcast %rsqrt3A : vector<2048x1xf32> to vector<2048x128xf32>
    %mul3A_14 = arith.mulf %add3A, %mul3A : vector<2048x128xf32>
    %get3A_15 = arith.constant 0 : index
    %get3A_16 = arith.constant 0 : index
    %get3A_17 = vector.load %arg4[%get3A_15, %get3A_16] : memref<128x128xf32, #tpu.memory_space<vmem>>, vector<128x128xf32>
    %dot_general3A = arith.constant dense<0.000000e+00> : vector<2048x128xf32>
    %dot_general3A_18 = tpu.matmul %mul3A_14, %get3A_17, %dot_general3A {dimension_numbers = #tpu.dot_dimension_numbers<[1], [0], [0], [1], [0, 0, 1, 1], [], []>, transpose_lhs_hint = false} : vector<2048x128xf32>, vector<128x128xf32>, vector<2048x128xf32> -> vector<2048x128xf32>
    %get3A_19 = arith.constant 0 : index
    %get3A_20 = arith.constant 0 : index
    %get3A_21 = vector.load %arg5[%get3A_19, %get3A_20] : memref<1x128xf32, #tpu.memory_space<vmem>>, vector<1x128xf32>
    %add3A_22 = vector.broadcast %get3A_21 : vector<1x128xf32> to vector<2048x128xf32>
    %add3A_23 = arith.addf %dot_general3A_18, %add3A_22 : vector<2048x128xf32>
    %max3A = arith.constant 0.000000e+00 : f32
    %max3A_24 = vector.broadcast %max3A : f32 to vector<2048x128xf32>
    %max3A_25 = arith.maximumf %add3A_23, %max3A_24 : vector<2048x128xf32>
    %get3A_26 = arith.constant 0 : index
    %get3A_27 = arith.constant 0 : index
    %get3A_28 = vector.load %arg3[%get3A_26, %get3A_27] : memref<2048x1xf32, #tpu.memory_space<vmem>>, vector<2048x1xf32>
    %gt3A_29 = arith.constant 0.000000e+00 : f32
    %gt3A_30 = vector.broadcast %gt3A_29 : f32 to vector<2048x1xf32>
    %gt3A_31 = arith.cmpf ogt, %get3A_28, %gt3A_30 : vector<2048x1xf32>
    %jit3A_32 = arith.constant 1.000000e+00 : f32
    %broadcast_in_dim3A_33 = vector.broadcast %jit3A_32 : f32 to vector<2048x1xf32>
    %select_n3A_34 = arith.select %gt3A_31, %get3A_28, %broadcast_in_dim3A_33 : vector<2048x1xi1>, vector<2048x1xf32>
    %rsqrt3A_35 = math.rsqrt %select_n3A_34 : vector<2048x1xf32>
    %mul3A_36 = vector.broadcast %rsqrt3A_35 : vector<2048x1xf32> to vector<2048x128xf32>
    %mul3A_37 = arith.mulf %max3A_25, %mul3A_36 : vector<2048x128xf32>
    %swap3A = arith.constant 0 : index
    %swap3A_38 = arith.constant 0 : index
    %swap3A_39 = vector.load %arg6[%swap3A, %swap3A_38] : memref<2048x128xf32, #tpu.memory_space<vmem>>, vector<2048x128xf32>
    tpu.vector_store %arg6[%swap3A, %swap3A_38], %mul3A_37 {strides = array<i32>} : memref<2048x128xf32, #tpu.memory_space<vmem>>, vector<2048x128xf32>,
    return
  }
  func.func @transform_0(%arg0: i32) -> (i32, i32, i32) {
    %c0_i32 = arith.constant 0 : i32
    %c0_i32_0 = arith.constant 0 : i32
    %c0_i32_1 = arith.constant 0 : i32
    return %c0_i32, %arg0, %c0_i32_0 : i32, i32, i32
  }
  func.func @transform_1(%arg0: i32) -> (i32, i32) {
    %c0_i32 = arith.constant 0 : i32
    %c0_i32_0 = arith.constant 0 : i32
    return %arg0, %c0_i32 : i32, i32
  }
  func.func @transform_2(%arg0: i32) -> (i32, i32) {
    %c0_i32 = arith.constant 0 : i32
    %c0_i32_0 = arith.constant 0 : i32
    return %arg0, %c0_i32 : i32, i32
  }
  func.func @transform_3(%arg0: i32) -> (i32, i32) {
    %c0_i32 = arith.constant 0 : i32
    %c0_i32_0 = arith.constant 0 : i32
    %c0_i32_1 = arith.constant 0 : i32
    return %c0_i32, %c0_i32_0 : i32, i32
  }
  func.func @transform_4(%arg0: i32) -> (i32, i32) {
    %c0_i32 = arith.constant 0 : i32
    %c0_i32_0 = arith.constant 0 : i32
    %c0_i32_1 = arith.constant 0 : i32
    return %c0_i32, %c0_i32_0 : i32, i32
  }
  func.func @transform_5(%arg0: i32) -> (i32, i32) {
    %c0_i32 = arith.constant 0 : i32
    %c0_i32_0 = arith.constant 0 : i32
    return %arg0, %c0_i32 : i32, i32
  }
}

module attributes {stable_mosaic.version = 14 : i64} {
  func.func @_tc_stage_body(%arg0: i32, %arg1: memref<2x2048x128xf32, #tpu.memory_space<vmem>>, %arg2: memref<2048x1xf32, #tpu.memory_space<vmem>>, %arg3: memref<2048x1xf32, #tpu.memory_space<vmem>>, %arg4: memref<128x128xf32, #tpu.memory_space<vmem>>, %arg5: memref<1x128xf32, #tpu.memory_space<vmem>>, %arg6: memref<2048x128xf32, #tpu.memory_space<vmem>>) attributes {dimension_semantics = [#tpu.dimension_semantics<arbitrary>], iteration_bounds = array<i64: 5>, scalar_prefetch = 0 : i64, scratch_operands = 0 : i64, tpu.core_type = #tpu.core_type<tc>, window_params = [{transform_indices = @transform_0, window_bounds = array<i64: 2, 2048, 128>}, {transform_indices = @transform_1, window_bounds = array<i64: 2048, 1>}, {transform_indices = @transform_2, window_bounds = array<i64: 2048, 1>}, {pipeline_mode = #tpu.pipeline_mode<synchronous>, transform_indices = @transform_3, window_bounds = array<i64: 128, 128>}, {pipeline_mode = #tpu.pipeline_mode<synchronous>, transform_indices = @transform_4, window_bounds = array<i64: 1, 128>}, {transform_indices = @transform_5, window_bounds = array<i64: 2048, 128>}]} {
    %get3A = arith.constant 0 : index
    %get3A_0 = arith.constant 0 : index
    %get3A_1 = arith.constant 0 : index
    %get3A_2 = vector.load %arg1[%get3A, %get3A_0, %get3A_1] : memref<2x2048x128xf32, #tpu.memory_space<vmem>>, vector<1x2048x128xf32>
    %get3A_3 = vector.shape_cast %get3A_2 : vector<1x2048x128xf32> to vector<2048x128xf32>
    %get3A_4 = arith.constant 1 : index
    %get3A_5 = arith.constant 0 : index
    %get3A_6 = arith.constant 0 : index
    %get3A_7 = vector.load %arg1[%get3A_4, %get3A_5, %get3A_6] : memref<2x2048x128xf32, #tpu.memory_space<vmem>>, vector<1x2048x128xf32>
    %get3A_8 = vector.shape_cast %get3A_7 : vector<1x2048x128xf32> to vector<2048x128xf32>
    %add3A = arith.addf %get3A_3, %get3A_8 : vector<2048x128xf32>
    %get3A_9 = arith.constant 0 : index
    %get3A_10 = arith.constant 0 : index
    %get3A_11 = vector.load %arg2[%get3A_9, %get3A_10] : memref<2048x1xf32, #tpu.memory_space<vmem>>, vector<2048x1xf32>
    %gt3A = arith.constant 0.000000e+00 : f32
    %gt3A_12 = vector.broadcast %gt3A : f32 to vector<2048x1xf32>
    %gt3A_13 = arith.cmpf ogt, %get3A_11, %gt3A_12 : vector<2048x1xf32>
    %jit3A = arith.constant 1.000000e+00 : f32
    %broadcast_in_dim3A = vector.broadcast %jit3A : f32 to vector<2048x1xf32>
    %select_n3A = arith.select %gt3A_13, %get3A_11, %broadcast_in_dim3A : vector<2048x1xi1>, vector<2048x1xf32>
    %rsqrt3A = math.rsqrt %select_n3A : vector<2048x1xf32>
    %mul3A = vector.broadcast %rsqrt3A : vector<2048x1xf32> to vector<2048x128xf32>
    %mul3A_14 = arith.mulf %add3A, %mul3A : vector<2048x128xf32>
    %get3A_15 = arith.constant 0 : index
    %get3A_16 = arith.constant 0 : index
    %get3A_17 = vector.load %arg4[%get3A_15, %get3A_16] : memref<128x128xf32, #tpu.memory_space<vmem>>, vector<128x128xf32>
    %dot_general3A = arith.constant dense<0.000000e+00> : vector<2048x128xf32>
    %dot_general3A_18 = tpu.matmul %mul3A_14, %get3A_17, %dot_general3A {dimension_numbers = #tpu.dot_dimension_numbers<[1], [0], [0], [1], [0, 0, 1, 1], [], []>, transpose_lhs_hint = false} : vector<2048x128xf32>, vector<128x128xf32>, vector<2048x128xf32> -> vector<2048x128xf32>
    %get3A_19 = arith.constant 0 : index
    %get3A_20 = arith.constant 0 : index
    %get3A_21 = vector.load %arg5[%get3A_19, %get3A_20] : memref<1x128xf32, #tpu.memory_space<vmem>>, vector<1x128xf32>
    %add3A_22 = vector.broadcast %get3A_21 : vector<1x128xf32> to vector<2048x128xf32>
    %add3A_23 = arith.addf %dot_general3A_18, %add3A_22 : vector<2048x128xf32>
    %swap3A = arith.constant 0 : index
    %swap3A_24 = arith.constant 0 : index
    %swap3A_25 = vector.load %arg6[%swap3A, %swap3A_24] : memref<2048x128xf32, #tpu.memory_space<vmem>>, vector<2048x128xf32>
    tpu.vector_store %arg6[%swap3A, %swap3A_24], %add3A_23 {strides = array<i32>} : memref<2048x128xf32, #tpu.memory_space<vmem>>, vector<2048x128xf32>,
    return
  }
  func.func @transform_0(%arg0: i32) -> (i32, i32, i32) {
    %c0_i32 = arith.constant 0 : i32
    %c0_i32_0 = arith.constant 0 : i32
    %c0_i32_1 = arith.constant 0 : i32
    return %c0_i32, %arg0, %c0_i32_0 : i32, i32, i32
  }
  func.func @transform_1(%arg0: i32) -> (i32, i32) {
    %c0_i32 = arith.constant 0 : i32
    %c0_i32_0 = arith.constant 0 : i32
    return %arg0, %c0_i32 : i32, i32
  }
  func.func @transform_2(%arg0: i32) -> (i32, i32) {
    %c0_i32 = arith.constant 0 : i32
    %c0_i32_0 = arith.constant 0 : i32
    return %arg0, %c0_i32 : i32, i32
  }
  func.func @transform_3(%arg0: i32) -> (i32, i32) {
    %c0_i32 = arith.constant 0 : i32
    %c0_i32_0 = arith.constant 0 : i32
    %c0_i32_1 = arith.constant 0 : i32
    return %c0_i32, %c0_i32_0 : i32, i32
  }
  func.func @transform_4(%arg0: i32) -> (i32, i32) {
    %c0_i32 = arith.constant 0 : i32
    %c0_i32_0 = arith.constant 0 : i32
    %c0_i32_1 = arith.constant 0 : i32
    return %c0_i32, %c0_i32_0 : i32, i32
  }
  func.func @transform_5(%arg0: i32) -> (i32, i32) {
    %c0_i32 = arith.constant 0 : i32
    %c0_i32_0 = arith.constant 0 : i32
    return %arg0, %c0_i32 : i32, i32
  }
}

</mosaic_0001>

<sc_bundles>
// kernel: kernel.11.cloned.1.call-start
scs
__scs_entry_jumppad:
0x0: {  	(pc) =	sbr.rel $0x88, $3  }
0x1: {  	(tag) =	ssettag $0x0;
	lr =	simm.s32 $0x1  }
0x2: {  	[smem:$0x3F9B] =	sst lr;
	_ =	strace $0xD0000000  }
0x3: {  	_ = 	snop  }
0x4: {  	_ = 	snop  }
0x5: {  	_ = 	snop  }
0x6: {  	_ = 	snop  }
0x7: {  	_ = 	snop  }
__scs_overlays_trampoline_lowered:
0x8: {  	[smem:$0x3FAA] =	sst s0  }
0x9: {  	[smem:$0x3FAB] =	sst s1  }
0xa: {  	[smem:$0x3FAC] =	sst s2  }
0xb: {  	[smem:$0x3FAD] =	sst s3  }
0xc: {  	[smem:$0x3FAE] =	sst s4  }
0xd: {  	[smem:$0x3FAF] =	sst s5  }
0xe: {  	[smem:$0x3FB0] =	sst s6  }
0xf: {  	[smem:$0x3FB1] =	sst s7  }
0x10: {  	[smem:$0x3FB2] =	sst s8  }
0x11: {  	[smem:$0x3FB3] =	sst s9;
	s0 =	simm.s32 @!p0 $0x0  }
0x12: {  	s1 =	sld [smem:$0x3F99];
	s0 =	simm.s32 @p0 $0x1  }
0x13: {  	[smem:$0x3FB4] =	sst s0;
	s0 =	simm.s32 @!p1 $0x0  }
0x14: {  	s2 =	sld [smem:$0x3F98];
	s0 =	simm.s32 @p1 $0x1  }
0x15: {  	[smem:$0x3FB5] =	sst s0;
	s0 =	simm.s32 @!p2 $0x0  }
0x16: {  	s3 =	sld [smem:$0x3FDB];
	s0 =	simm.s32 @p2 $0x1  }
0x17: {  	s4 =	simm.s32 $0x1BF5;
	[smem:$0x3FB7] =	sst s0  }
0x18: {  	s0 =	sld [smem:$0x3F9A];
	_ =	swait.ge [sflag:s4], $0x0  }
0x19: {  	s7 =	sld [smem:$0x3F9B]  }
0x1a: {  	s8 =	sadd.s32 $0xFFFFE003, lr  }
0x1b: {  	s9 =	sadd.s32 $0xFFFFFEF7, lr;
	s5 =	simm.s32 $0xFFFFFFFF;
	p2 =	slt.u32 s8, $0xFFFFF086  }
0x1c: {  	p1 =	slt.u32 s9, $0xF7A;
	s5 =	simm.s32 @!p2 $0x0  }
0x1d: {  	s5 =	simm.s32 @p1 $0x1;
	p0 =	seq.s32 s7, s2  }
0x1e: {  	s7 =	smul.u32 @!p0 $0xF7A, s2;
	p2 =	seq.s32 @!p0 s5, $0x0  }
0x1f: {  	s9 =	smul.u32 $0xF7A, s1;
	s8 =	simm.s32 @!p0 $0x1BF5;
	p2 =	por !p2, p0  }
0x20: {  	[sflag:s8] =	ssyncset.s32 @!p0 $0xFFFFF086;
	s6 =	sadd.s32 @!p0 s3, s7;
	s7 =	simm.s32 @!p0 $0x108  }
0x21: {  	s3 =	sadd.s32 s3, s9;
	s6 =	sadd.s32 @!p0 $0x88, s6;
	s7 =	simm.s32 @p2 $0x1082  }
0x22: {  	[simem:s7], [sflag:s8] =	dma.local @!p0 [hbm:s6], $0xF7A  }
0x23: {  	s9 =	sor.u32 $0xD0000000, s2;
	s6 =	simm.s32 $0x108;
	_ =	swait.ge @!p0 [sflag:s8], $0x0  }
0x24: {  	s3 =	sadd.s32 $0x88, s3;
	s6 =	simm.s32 @!p1 $0x1082;
	[sflag:s4] =	ssyncset.s32 $0xFFFFF086  }
0x25: {  	[simem:s6], [sflag:s4] =	dma.local [hbm:s3], $0xF7A  }
0x26: {  	[smem:$0x3F9B] =	sst s1;
	(tag) =	ssettag s2;
	_ =	strace s9  }
0x27: {  	s1 =	sld [smem:$0x3FAB]  }
0x28: {  	s2 =	sld [smem:$0x3FAC]  }
0x29: {  	s4 =	sld [smem:$0x3FAE]  }
0x2a: {  	p0 =	seq.s32 s5, $0x0;
	s5 =	sld [smem:$0x3FAF]  }
0x2b: {  	s6 =	sld [smem:$0x3FB0]  }
0x2c: {  	s7 =	sld [smem:$0x3FB1]  }
0x2d: {  	s3 =	simm.s32 $0x108;
	s8 =	sld [smem:$0x3FB2]  }
0x2e: {  	s3 =	simm.s32 @!p0 $0x1082;
	s9 =	sld [smem:$0x3FB3]  }
0x2f: {  	lr =	sadd.s32 s0, s3;
	s0 =	sld [smem:$0x3FAA]  }
0x30: {  	s3 =	sld [smem:$0x3FAD]  }
0x31: {  	[smem:$0x3FB6] =	sst s10  }
0x32: {  	s10 =	sld [smem:$0x3FB4];
	_ =	sdelay $0x3  }
0x33: {  	p0 =	seq.s32 s10, $0x1;
	s10 =	sld [smem:$0x3FB6];
	_ =	sdelay $0x3  }
0x34: {  	[smem:$0x3FB6] =	sst s10  }
0x35: {  	s10 =	sld [smem:$0x3FB5];
	_ =	sdelay $0x3  }
0x36: {  	p1 =	seq.s32 s10, $0x1;
	s10 =	sld [smem:$0x3FB6];
	_ =	sdelay $0x3  }
0x37: {  	[smem:$0x3FB6] =	sst s10  }
0x38: {  	s10 =	sld [smem:$0x3FB7]  }
0x39: {  	_ = 	snop;
	(pc) =	sbr.ind lr, $3  }
0x3a: {  	_ = 	snop  }
0x3b: {  	_ = 	snop  }
0x3c: {  	p2 =	seq.s32 s10, $0x1;
	s10 =	sld [smem:$0x3FB6]  }
0x3d: {  	_ =	shalt  }
0x3e: {  	_ =	shalt  }
0x3f: {  	_ =	shalt  }
0x40: {  	_ =	shalt  }
0x41: {  	_ =	shalt  }
0x42: {  	_ =	shalt  }
0x43: {  	_ =	shalt  }
0x44: {  	_ =	shalt  }
0x45: {  	_ =	shalt  }
0x46: {  	_ =	shalt  }
0x47: {  	_ =	shalt  }
0x48: {  	_ =	shalt  }
0x49: {  	_ =	shalt  }
0x4a: {  	_ =	shalt  }
0x4b: {  	_ =	shalt  }
0x4c: {  	_ =	shalt  }
0x4d: {  	_ =	shalt  }
0x4e: {  	_ =	shalt  }
0x4f: {  	_ =	shalt  }
0x50: {  	_ =	shalt  }
0x51: {  	_ =	shalt  }
0x52: {  	_ =	shalt  }
0x53: {  	_ =	shalt  }
0x54: {  	_ =	shalt  }
0x55: {  	_ =	shalt  }
0x56: {  	_ =	shalt  }
0x57: {  	_ =	shalt  }
0x58: {  	_ =	shalt  }
0x59: {  	_ =	shalt  }
0x5a: {  	_ =	shalt  }
0x5b: {  	_ =	shalt  }
0x5c: {  	_ =	shalt  }
0x5d: {  	_ =	shalt  }
0x5e: {  	_ =	shalt  }
0x5f: {  	_ =	shalt  }
0x60: {  	_ =	shalt  }
0x61: {  	_ =	shalt  }
0x62: {  	_ =	shalt  }
0x63: {  	_ =	shalt  }
0x64: {  	_ =	shalt  }
0x65: {  	_ =	shalt  }
0x66: {  	_ =	shalt  }
0x67: {  	_ =	shalt  }
0x68: {  	_ =	shalt  }
0x69: {  	_ =	shalt  }
0x6a: {  	_ =	shalt  }
0x6b: {  	_ =	shalt  }
0x6c: {  	_ =	shalt  }
0x6d: {  	_ =	shalt  }
0x6e: {  	_ =	shalt  }
0x6f: {  	_ =	shalt  }
0x70: {  	_ =	shalt  }
0x71: {  	_ =	shalt  }
0x72: {  	_ =	shalt  }
0x73: {  	_ =	shalt  }
0x74: {  	_ =	shalt  }
0x75: {  	_ =	shalt  }
0x76: {  	_ =	shalt  }
0x77: {  	_ =	shalt  }
0x78: {  	_ =	shalt  }
0x79: {  	_ =	shalt  }
0x7a: {  	_ =	shalt  }
0x7b: {  	_ =	shalt  }
0x7c: {  	_ =	shalt  }
0x7d: {  	_ =	shalt  }
0x7e: {  	_ =	shalt  }
0x7f: {  	_ =	shalt  }
0x80: {  	_ =	shalt  }
0x81: {  	_ =	shalt  }
0x82: {  	_ =	shalt  }
0x83: {  	_ =	shalt  }
0x84: {  	_ =	shalt  }
0x85: {  	_ =	shalt  }
0x86: {  	_ =	shalt  }
0x87: {  	_ =	shalt  }
.Lfunc_end0:
.L_simem_size_0:
called_computation.1_lowered:
.L_overlay_start_0:
0x88: {  	s2 =	sld [smem:$0x3FD9]  }
0x89: {  	s3 =	sld [smem:$0x3FFE];
	_ =	sdelay $0x1  }
0x8a: {  	s1 =	srdreg.scid  }
0x8b: {  	s0 =	sand.u32 $0x1, s1  }
0x8c: {  	s17 =	sshll.u32 s0, $0xA;
	s2 =	sadd.s32 s3, s2  }
0x8d: {  	s2 =	sadd.s32 s2, s17  }
0x8e: {  	[smem:$0x3FC2] =	sst s2  }
0x8f: {  	_ = 	snop  }
0x90: {  	s2 =	sld [smem:$0x3FD0];
	(tm) =	ssettm $0x1  }
0x91: {  	s18 =	sld [smem:$0x3FFB];
	_ =	sdelay $0x3  }
0x92: {  	_ =	strace s18  }
0x93: {  	s3 =	sld [smem:$0x3FFC];
	_ =	sdelay $0x3  }
0x94: {  	_ =	strace s3  }
0x95: {  	s3 =	sld [smem:$0x3FFD];
	_ =	sdelay $0x3  }
0x96: {  	_ =	strace s3  }
0x97: {  	_ =	strace $0x8FFFFFFF  }
0x98: {  	s19 =	sld [smem:$0x3FDB];
	_ =	sdelay $0x1  }
0x99: {  	s4 =	simm.s32 $_scs_section_size  }
0x9a: {  	s5 =	simm.s32 $_size__tile_overlayer_lowered;
	s6 =	simm.s32 $_tile_overlayer_lowered  }
0x9b: {  	s22 =	simm.s32 $0x1BFF;
	s21 =	sshll.u32 s6, $0x1;
	s3 =	sadd.s32 s4, s19  }
0x9c: {  	s7 =	simm.s32 $0x0;
	s20 =	sshll.u32 s5, $0x1;
	s5 =	sadd.s32 s21, s3  }
0x9d: {  	[timem:s7], [sflag:s22] =	dma.local [hbm:s5], s20  }
0x9e: {  	_ =	swait.ge [sflag:s22], s20  }
0x9f: {  	s4 =	ssub.s32 $0x0, s20;
	[sflag:s22] =	ssyncset.done $0x0  }
0xa0: {  	[sflag:s22] =	ssyncadd.s32 s4;
	_ =	sdelay $0x1  }
0xa1: {  	s23 =	simm.s32 $0x1B8B  }
0xa2: {  	_ =	swait.ge [sflag:s23], $0x1  }
0xa3: {  	[sflag:s23] =	ssyncset.done $0x0  }
0xa4: {  	s25 =	simm.s32 $0x1B8E;
	s24 =	sld [smem:$0x3FFE];
	[sflag:s23] =	ssyncadd.s32 $0xFFFFFFFF  }
0xa5: {  	s26 =	simm.s32 $execute0_lowered;
	[smem:$0x3FD2] =	sst s25  }
0xa6: {  	s5 =	sshll.u32 s26, $0x1;
	_ =	strace $0x80000049;
	[dreg:$0x1] =	wrdreg $0xFFFFFFFF  }
0xa7: {  	s28 =	simm.s32 $_size_execute0_lowered;
	s3 =	sadd.s32 s3, s5;
	[dreg:$0x0] =	wrdreg $0x0  }
0xa8: {  	s5 =	sshll.u32 s28, $0x1;
	[dreg:$0x2] =	wrdreg s3  }
0xa9: {  	[dreg:$0x3] =	wrdreg s5  }
0xaa: {  	[dreg:$0x4] =	wrdreg $0xC0  }
0xab: {  	_ =	task [dreg:s7], $0x5FFFF  }
0xac: {  	[dreg:$0x1] =	wrdreg $0xFFFFFFFF  }
0xad: {  	[dreg:$0x0] =	wrdreg $0x60  }
0xae: {  	[dreg:$0x2] =	wrdreg s24  }
0xaf: {  	[dreg:$0x3] =	wrdreg s2  }
0xb0: {  	[dreg:$0x4] =	wrdreg $0xA8000  }
0xb1: {  	[dreg:$0x5] =	wrdreg $0x9  }
0xb2: {  	_ =	task.clear_ibuf [dreg:s7], $0x6FFFF;
	_ =	strace $0x90000049  }
0xb3: {  	s29 =	simm.s32 $0x9;
	_ =	strace $0x8000004B  }
0xb4: {  	_ =	swait.ge [sflag:s29], $0x1  }
0xb5: {  	[sflag:s29] =	ssyncadd.s32 $0xFFFFFFFF  }
0xb6: {  	_ =	strace $0x9000004B  }
0xb7: {  	_ =	sfence  }
0xb8: {  	s30 =	sld [smem:$0x0];
	_ =	sdelay $0x2  }
0xb9: {  	s31 =	sshll.u32 s1, $0xD;
	s1 =	sshrl.u32 s1, $0x2  }
0xba: {  	s3 =	sand.u32 $0x4000, s31;
	s1 =	sadd.s32 s1, s30  }
0xbb: {  	s0 =	sor.u32 s3, s0;
	s1 =	sshll.u32 s1, $0x11  }
0xbc: {  	s0 =	sor.u32 s1, s0  }
0xbd: {  	s0 =	sadd.s32 $0x8F2B, s0  }
0xbe: {  	[sflag:s0] =	ssyncadd.remote.s32 $0x1  }
0xbf: {  	_ =	sfence.sel $0xFFFF  }
0xc0: {  	[dreg:$0x0] =	wrdreg $0xFFFFFFFF;
	(pc) =	sbr.abs _section_cstart, $3  }
0xc1: {  	[dreg:$0x1] =	wrdreg $0xFFFFFFFF  }
0xc2: {  	_ =	task.clear_ibuf [dreg:s7], $0x2FFFF;
	_ =	strace $0x9FFFFFFF  }
0xc3: {  	(tm) =	ssettm $0x7FFFFFFF  }
tec
execute0_lowered:
.L_overlay_start_1:
0x0: {  	(tag) =	ssettag $0x1  }
0x1: {  	s6 =	rddreg [dreg:$0x0]  }
0x2: {  	s1 =	rddreg [dreg:$0x1]  }
0x3: {  	s2 =	rddreg [dreg:$0x2];
	s3 =	simm.s32 $0x0;
	s7 =	srdreg.scid  }
0x4: {  	s4 =	stileid.u32;
	s22 =	simm.s32 $0x80;
	s28 =	simm.s32 $0x2780  }
0x5: {  	s29 =	simm.s32 $0x0;
	[smem:$0x7FF] =	sst s3;
	s5 =	sadd.s32 $0x16A00, s6  }
0x6: {  	s12 =	sadd.s32 $0x2A00, s6;
	s8 =	sand.u32 $0x1, s7;
	s24 =	smul.u32 $0x50000, s4  }
0x7: {  	s17 =	sadd.s32 $0x3EA00, s6;
	s13 =	smul.u32 $0x14000, s4;
	_ =	strace $0x8000004A  }
0x8: {  	s23 =	ssub.s32 $0x2, s8;
	s10 =	sshll.u32 s8, $0x4;
	s21 =	smul.u32 $0x140000, s8  }
0x9: {  	s9 =	sshrl.u32 s23, $0x1;
	s25 =	sor.u32 s4, s10;
	s26 =	sshrl.u32 s24, $0x2  }
0xa: {  	s14 =	sadd.s32 $0x4000, s13;
	s15 =	sadd.s32 $0x8000, s13;
	s19 =	sadd.s32 $0xC000, s13  }
0xb: {  	s20 =	sadd.s32 $0x10000, s13;
	s24 =	simm.s32 $0x6800;
	s18 =	ssub.s32 s23, s9  }
0xc: {  	s6 =	sadd.s32 s26, s2;
	s11 =	smul.u32 $0xA00, s25;
	s7 =	sadd.s32 s14, s2  }
0xd: {  	s16 =	smul.u32 $0x5000, s25;
	s8 =	sadd.s32 s15, s2;
	s9 =	sadd.s32 s19, s2  }
0xe: {  	s10 =	sadd.s32 s20, s2;
	s13 =	sadd.s32 s13, s21;
	s14 =	sadd.s32 s21, s14  }
0xf: {  	s15 =	sadd.s32 s21, s15;
	s30 =	sadd.s32 s21, s19;
	s31 =	sadd.s32 s21, s20  }
0x10: {  	s20 =	simm.s32 $0x3;
	s21 =	simm.s32 $0x1;
	s23 =	simm.s32 $0x100  }
0x11: {  	s25 =	simm.s32 $0x2;
	s26 =	simm.s32 $0x2680;
	s13 =	sshrl.u32 s13, $0x3  }
0x12: {  	s14 =	sshrl.u32 s14, $0x3;
	s15 =	sshrl.u32 s15, $0x3;
	s19 =	sshrl.u32 s31, $0x3  }
0x13: {  	s18 =	smax.u32 s18, $0x1;
	s11 =	sadd.s32 s12, s11;
	s16 =	sshrl.u32 s16, $0x3  }
0x14: {  	s13 =	sadd.s32 s17, s13;
	s14 =	sadd.s32 s17, s14;
	s12 =	sadd.s32 s12, s16  }
0x15: {  	s15 =	sadd.s32 s17, s15;
	s16 =	sshrl.u32 s30, $0x3;
	s12 =	sadd.s32 $0x500, s12  }
0x16: {  	s16 =	sadd.s32 s17, s16;
	s17 =	sadd.s32 s17, s19;
	s19 =	simm.s32 $0x2800  }
.LBB2_1:
0x17: {  	[tilespmem:s19], [sflag:$0x3] =	stream.linear.gather [hbm4b:s1+s3], $0x4000, $0x38;
	[tilespmem:$0x1E800] =	vst v63  }
0x18: {  	_ =	swait.ge [sflag:s20], $0x4000  }
0x19: {  	[sflag:s20] =	ssyncset.done $0x0  }
0x1a: {  	[sflag:s20] =	ssyncadd.s32 $0xFFFFC000  }
0x1b: {  	[spmem:s6] =	stream.linear.scatter [tilespmem:s19], [sflag:$0x1], $0x4000, $0x38;
	[tilespmem:$0x1E800] =	vst v63  }
0x1c: {  	_ = 	snop  }
0x1d: {  	[spmem:s7] =	stream.linear.scatter [tilespmem:s19], [sflag:$0x1], $0x4000, $0x38;
	[tilespmem:$0x1E800] =	vst v63  }
0x1e: {  	_ = 	snop  }
0x1f: {  	[spmem:s8] =	stream.linear.scatter [tilespmem:s19], [sflag:$0x1], $0x4000, $0x38;
	[tilespmem:$0x1E800] =	vst v63  }
0x20: {  	_ = 	snop  }
0x21: {  	[spmem:s9] =	stream.linear.scatter [tilespmem:s19], [sflag:$0x1], $0x4000, $0x38;
	[tilespmem:$0x1E800] =	vst v63  }
0x22: {  	_ = 	snop  }
0x23: {  	[spmem:s10] =	stream.linear.scatter [tilespmem:s19], [sflag:$0x1], $0x4000, $0x38;
	[tilespmem:$0x1E800] =	vst v63  }
0x24: {  	_ =	swait.ge [sflag:s21], $0x4000  }
0x25: {  	[sflag:s21] =	ssyncset.done $0x0  }
0x26: {  	[sflag:s21] =	ssyncadd.s32 $0xFFFFC000  }
0x27: {  	_ =	swait.ge [sflag:s21], $0x4000  }
0x28: {  	[sflag:s21] =	ssyncset.done $0x0  }
0x29: {  	[sflag:s21] =	ssyncadd.s32 $0xFFFFC000  }
0x2a: {  	_ =	swait.ge [sflag:s21], $0x4000  }
0x2b: {  	[sflag:s21] =	ssyncset.done $0x0  }
0x2c: {  	[sflag:s21] =	ssyncadd.s32 $0xFFFFC000  }
0x2d: {  	_ =	swait.ge [sflag:s21], $0x4000  }
0x2e: {  	[sflag:s21] =	ssyncset.done $0x0  }
0x2f: {  	[sflag:s21] =	ssyncadd.s32 $0xFFFFC000  }
0x30: {  	_ =	swait.ge [sflag:s21], $0x4000  }
0x31: {  	[sflag:s21] =	ssyncset.done $0x0  }
0x32: {  	[sflag:s21] =	ssyncadd.s32 $0xFFFFC000  }
0x33: {  	[bflag:$0x0] =	sbarrier.arrive $0xFFFF  }
0x34: {  	[tilespmem:s3], [sflag:$0x3] =	stream.linear.gather [hbm4b:s11+s3], $0x2800, $0x38;
	[tilespmem:$0x1E800] =	vst v63  }
0x35: {  	_ =	swait.ge [sflag:s20], $0x2800  }
0x36: {  	[sflag:s20] =	ssyncset.done $0x0  }
0x37: {  	[sflag:s20] =	ssyncadd.s32 $0xFFFFD800  }
0x38: {  	[tilespmem:s19], [sflag:$0x1] =	stream.indirect.gather [hbm4b:s5+s22], $0x80, s3, s22, $0xb8;
	[tilespmem:$0x1E800] =	vst v63  }
0x39: {  	_ = 	snop  }
0x3a: {  	[tilespmem:s24], [sflag:$0x2] =	stream.indirect.gather [hbm4b:s5+s22], $0x80, s23, s22, $0xb8;
	[tilespmem:$0x1E800] =	vst v63  }
0x3b: {  	_ =	swait.ge [sflag:s21], $0x4000  }
0x3c: {  	[sflag:s21] =	ssyncset.done $0x0  }
0x3d: {  	s30 =	simm.s32 $0x80;
	[sflag:s21] =	ssyncadd.s32 $0xFFFFC000  }
0x3e: {  	[spmem:s2] =	stream.indirect.scatter.add.f32 [tilespmem:s19], [sflag:$0x3], $0x80, s30, s22, $0xb8;
	[tilespmem:$0x1E800] =	vst v63  }
0x3f: {  	_ =	swait.ge [sflag:s20], $0x4000  }
0x40: {  	[sflag:s20] =	ssyncset.done $0x0  }
0x41: {  	s30 =	simm.s32 $0x200;
	[sflag:s20] =	ssyncadd.s32 $0xFFFFC000  }
0x42: {  	[tilespmem:s19], [sflag:$0x1] =	stream.indirect.gather [hbm4b:s5+s22], $0x80, s30, s22, $0xb8;
	[tilespmem:$0x1E800] =	vst v63  }
0x43: {  	_ =	swait.ge [sflag:s25], $0x4000  }
0x44: {  	[sflag:s25] =	ssyncset.done $0x0  }
0x45: {  	s30 =	simm.s32 $0x180;
	[sflag:s25] =	ssyncadd.s32 $0xFFFFC000  }
0x46: {  	[spmem:s2] =	stream.indirect.scatter.add.f32 [tilespmem:s24], [sflag:$0x3], $0x80, s30, s22, $0xb8;
	[tilespmem:$0x1E800] =	vst v63  }
0x47: {  	_ =	swait.ge [sflag:s20], $0x4000  }
0x48: {  	[sflag:s20] =	ssyncset.done $0x0  }
0x49: {  	s31 =	simm.s32 $0x300;
	s30 =	simm.s32 $0xFFFF7000;
	[sflag:s20] =	ssyncadd.s32 $0xFFFFC000  }
.LBB2_2:
0x4a: {  	[tilespmem:s24], [sflag:$0x2] =	stream.indirect.gather [hbm4b:s5+s22], $0x80, s31, s22, $0xb8;
	[tilespmem:$0x1E800] =	vst v63  }
0x4b: {  	s31 =	smov.u32 s30  }
0x4c: {  	p0 =	sne.s32 s30, $0xFFFFF800;
	s30 =	sadd.s32 $0x800, s30;
	_ =	swait.ge [sflag:s21], $0x4000  }
0x4d: {  	s31 =	sshra.s32 s31, $0x2;
	[sflag:s21] =	ssyncset.done $0x0  }
0x4e: {  	s0 =	sadd.s32 $0x2680, s31;
	[sflag:s21] =	ssyncadd.s32 $0xFFFFC000  }
0x4f: {  	[spmem:s2] =	stream.indirect.scatter.add.f32 [tilespmem:s19], [sflag:$0x3], $0x80, s0, s22, $0xb8;
	[tilespmem:$0x1E800] =	vst v63  }
0x50: {  	_ =	swait.ge [sflag:s20], $0x4000  }
0x51: {  	[sflag:s20] =	ssyncset.done $0x0  }
0x52: {  	s0 =	sadd.s32 $0x2800, s31;
	[sflag:s20] =	ssyncadd.s32 $0xFFFFC000  }
0x53: {  	[tilespmem:s19], [sflag:$0x1] =	stream.indirect.gather [hbm4b:s5+s22], $0x80, s0, s22, $0xb8;
	[tilespmem:$0x1E800] =	vst v63  }
0x54: {  	_ =	swait.ge [sflag:s25], $0x4000  }
0x55: {  	[sflag:s25] =	ssyncset.done $0x0  }
.Ltmp0:
0x56: {  	s0 =	sadd.s32 $0x2780, s31;
	[sflag:s25] =	ssyncadd.s32 $0xFFFFC000;
	(pc) =	sbr.rel @p0 .LBB2_2-.Ltmp0, $4  }
0x57: {  	[spmem:s2] =	stream.indirect.scatter.add.f32 [tilespmem:s24], [sflag:$0x3], $0x80, s0, s22, $0xb8;
	[tilespmem:$0x1E800] =	vst v63  }
0x58: {  	_ =	swait.ge [sflag:s20], $0x4000  }
0x59: {  	[sflag:s20] =	ssyncset.done $0x0  }
0x5a: {  	s31 =	sadd.s32 $0x2900, s31;
	[sflag:s20] =	ssyncadd.s32 $0xFFFFC000  }
0x5b: {  	[tilespmem:s24], [sflag:$0x2] =	stream.indirect.gather [hbm4b:s5+s22], $0x80, s31, s22, $0xb8;
	[tilespmem:$0x1E800] =	vst v63  }
0x5c: {  	_ =	swait.ge [sflag:s21], $0x4000  }
0x5d: {  	[sflag:s21] =	ssyncset.done $0x0  }
0x5e: {  	[sflag:s21] =	ssyncadd.s32 $0xFFFFC000  }
0x5f: {  	[spmem:s2] =	stream.indirect.scatter.add.f32 [tilespmem:s19], [sflag:$0x3], $0x80, s26, s22, $0xb8;
	[tilespmem:$0x1E800] =	vst v63  }
0x60: {  	_ =	swait.ge [sflag:s20], $0x4000  }
0x61: {  	[sflag:s20] =	ssyncset.done $0x0  }
0x62: {  	[sflag:s20] =	ssyncadd.s32 $0xFFFFC000  }
0x63: {  	_ =	swait.ge [sflag:s25], $0x4000  }
0x64: {  	[sflag:s25] =	ssyncset.done $0x0  }
0x65: {  	[sflag:s25] =	ssyncadd.s32 $0xFFFFC000  }
0x66: {  	[spmem:s2] =	stream.indirect.scatter.add.f32 [tilespmem:s24], [sflag:$0x3], $0x80, s28, s22, $0xb8;
	[tilespmem:$0x1E800] =	vst v63  }
0x67: {  	_ =	swait.ge [sflag:s20], $0x4000  }
0x68: {  	[sflag:s20] =	ssyncset.done $0x0  }
0x69: {  	[sflag:s20] =	ssyncadd.s32 $0xFFFFC000  }
0x6a: {  	[tilespmem:s3], [sflag:$0x3] =	stream.linear.gather [hbm4b:s12+s3], $0x2800, $0x38;
	[tilespmem:$0x1E800] =	vst v63  }
0x6b: {  	_ =	swait.ge [sflag:s20], $0x2800  }
0x6c: {  	[sflag:s20] =	ssyncset.done $0x0  }
0x6d: {  	[sflag:s20] =	ssyncadd.s32 $0xFFFFD800  }
0x6e: {  	[tilespmem:s19], [sflag:$0x1] =	stream.indirect.gather [hbm4b:s5+s22], $0x80, s3, s22, $0xb8;
	[tilespmem:$0x1E800] =	vst v63  }
0x6f: {  	_ = 	snop  }
0x70: {  	[tilespmem:s24], [sflag:$0x2] =	stream.indirect.gather [hbm4b:s5+s22], $0x80, s23, s22, $0xb8;
	[tilespmem:$0x1E800] =	vst v63  }
0x71: {  	_ =	swait.ge [sflag:s21], $0x4000  }
0x72: {  	[sflag:s21] =	ssyncset.done $0x0  }
0x73: {  	s0 =	simm.s32 $0x80;
	[sflag:s21] =	ssyncadd.s32 $0xFFFFC000  }
0x74: {  	[spmem:s2] =	stream.indirect.scatter.add.f32 [tilespmem:s19], [sflag:$0x3], $0x80, s0, s22, $0xb8;
	[tilespmem:$0x1E800] =	vst v63  }
0x75: {  	_ =	swait.ge [sflag:s20], $0x4000  }
0x76: {  	[sflag:s20] =	ssyncset.done $0x0  }
0x77: {  	s0 =	simm.s32 $0x200;
	[sflag:s20] =	ssyncadd.s32 $0xFFFFC000  }
0x78: {  	[tilespmem:s19], [sflag:$0x1] =	stream.indirect.gather [hbm4b:s5+s22], $0x80, s0, s22, $0xb8;
	[tilespmem:$0x1E800] =	vst v63  }
0x79: {  	_ =	swait.ge [sflag:s25], $0x4000  }
0x7a: {  	[sflag:s25] =	ssyncset.done $0x0  }
0x7b: {  	s0 =	simm.s32 $0x180;
	[sflag:s25] =	ssyncadd.s32 $0xFFFFC000  }
0x7c: {  	[spmem:s2] =	stream.indirect.scatter.add.f32 [tilespmem:s24], [sflag:$0x3], $0x80, s0, s22, $0xb8;
	[tilespmem:$0x1E800] =	vst v63  }
0x7d: {  	_ =	swait.ge [sflag:s20], $0x4000  }
0x7e: {  	[sflag:s20] =	ssyncset.done $0x0  }
0x7f: {  	s30 =	simm.s32 $0xFFFF7000;
	s31 =	simm.s32 $0x300;
	[sflag:s20] =	ssyncadd.s32 $0xFFFFC000  }
.LBB2_4:
0x80: {  	[tilespmem:s24], [sflag:$0x2] =	stream.indirect.gather [hbm4b:s5+s22], $0x80, s31, s22, $0xb8;
	[tilespmem:$0x1E800] =	vst v63  }
0x81: {  	s0 =	smov.u32 s30  }
0x82: {  	p0 =	sne.s32 s30, $0xFFFFF800;
	s30 =	sadd.s32 $0x800, s30;
	_ =	swait.ge [sflag:s21], $0x4000  }
0x83: {  	s0 =	sshra.s32 s0, $0x2;
	[sflag:s21] =	ssyncset.done $0x0  }
0x84: {  	s31 =	sadd.s32 $0x2680, s0;
	[sflag:s21] =	ssyncadd.s32 $0xFFFFC000  }
0x85: {  	[spmem:s2] =	stream.indirect.scatter.add.f32 [tilespmem:s19], [sflag:$0x3], $0x80, s31, s22, $0xb8;
	[tilespmem:$0x1E800] =	vst v63  }
0x86: {  	_ =	swait.ge [sflag:s20], $0x4000  }
0x87: {  	[sflag:s20] =	ssyncset.done $0x0  }
0x88: {  	s31 =	sadd.s32 $0x2800, s0;
	[sflag:s20] =	ssyncadd.s32 $0xFFFFC000  }
0x89: {  	[tilespmem:s19], [sflag:$0x1] =	stream.indirect.gather [hbm4b:s5+s22], $0x80, s31, s22, $0xb8;
	[tilespmem:$0x1E800] =	vst v63  }
0x8a: {  	_ =	swait.ge [sflag:s25], $0x4000  }
0x8b: {  	[sflag:s25] =	ssyncset.done $0x0  }
.Ltmp1:
0x8c: {  	s31 =	sadd.s32 $0x2780, s0;
	[sflag:s25] =	ssyncadd.s32 $0xFFFFC000;
	(pc) =	sbr.rel @p0 .LBB2_4-.Ltmp1, $4  }
0x8d: {  	[spmem:s2] =	stream.indirect.scatter.add.f32 [tilespmem:s24], [sflag:$0x3], $0x80, s31, s22, $0xb8;
	[tilespmem:$0x1E800] =	vst v63  }
0x8e: {  	_ =	swait.ge [sflag:s20], $0x4000  }
0x8f: {  	[sflag:s20] =	ssyncset.done $0x0  }
0x90: {  	s31 =	sadd.s32 $0x2900, s0;
	[sflag:s20] =	ssyncadd.s32 $0xFFFFC000  }
0x91: {  	[tilespmem:s24], [sflag:$0x2] =	stream.indirect.gather [hbm4b:s5+s22], $0x80, s31, s22, $0xb8;
	[tilespmem:$0x1E800] =	vst v63  }
0x92: {  	_ =	swait.ge [sflag:s21], $0x4000  }
0x93: {  	[sflag:s21] =	ssyncset.done $0x0  }
0x94: {  	[sflag:s21] =	ssyncadd.s32 $0xFFFFC000  }
0x95: {  	[spmem:s2] =	stream.indirect.scatter.add.f32 [tilespmem:s19], [sflag:$0x3], $0x80, s26, s22, $0xb8;
	[tilespmem:$0x1E800] =	vst v63  }
0x96: {  	_ =	swait.ge [sflag:s20], $0x4000  }
0x97: {  	[sflag:s20] =	ssyncset.done $0x0  }
0x98: {  	[sflag:s20] =	ssyncadd.s32 $0xFFFFC000  }
0x99: {  	_ =	swait.ge [sflag:s25], $0x4000  }
0x9a: {  	[sflag:s25] =	ssyncset.done $0x0  }
0x9b: {  	[sflag:s25] =	ssyncadd.s32 $0xFFFFC000  }
0x9c: {  	[spmem:s2] =	stream.indirect.scatter.add.f32 [tilespmem:s24], [sflag:$0x3], $0x80, s28, s22, $0xb8;
	[tilespmem:$0x1E800] =	vst v63  }
0x9d: {  	_ =	swait.ge [sflag:s20], $0x4000  }
0x9e: {  	[sflag:s20] =	ssyncset.done $0x0  }
0x9f: {  	[sflag:s20] =	ssyncadd.s32 $0xFFFFC000  }
0xa0: {  	[bflag:$0x0] =	sbarrier.arrive $0xFFFF  }
0xa1: {  	[tilespmem:s19], [sflag:$0x3] =	stream.linear.gather [spmem:s6], $0x4000, $0x38;
	[tilespmem:$0x1E800] =	vst v63  }
0xa2: {  	_ =	swait.ge [sflag:s20], $0x4000  }
0xa3: {  	[sflag:s20] =	ssyncset.done $0x0  }
0xa4: {  	[sflag:s20] =	ssyncadd.s32 $0xFFFFC000  }
0xa5: {  	[hbm4b:s13+s3] =	stream.linear.scatter [tilespmem:s19], [sflag:$0x1], $0x4000, $0x38;
	[tilespmem:$0x1E800] =	vst v63  }
0xa6: {  	_ = 	snop  }
0xa7: {  	[tilespmem:s24], [sflag:$0x3] =	stream.linear.gather [spmem:s7], $0x4000, $0x38;
	[tilespmem:$0x1E800] =	vst v63  }
0xa8: {  	_ =	swait.ge [sflag:s20], $0x4000  }
0xa9: {  	[sflag:s20] =	ssyncset.done $0x0  }
0xaa: {  	[sflag:s20] =	ssyncadd.s32 $0xFFFFC000  }
0xab: {  	[hbm4b:s14+s3] =	stream.linear.scatter [tilespmem:s24], [sflag:$0x2], $0x4000, $0x38;
	[tilespmem:$0x1E800] =	vst v63  }
0xac: {  	_ =	swait.ge [sflag:s21], $0x4000  }
0xad: {  	[sflag:s21] =	ssyncset.done $0x0  }
0xae: {  	[sflag:s21] =	ssyncadd.s32 $0xFFFFC000  }
0xaf: {  	[tilespmem:s19], [sflag:$0x3] =	stream.linear.gather [spmem:s8], $0x4000, $0x38;
	[tilespmem:$0x1E800] =	vst v63  }
0xb0: {  	_ =	swait.ge [sflag:s20], $0x4000  }
0xb1: {  	[sflag:s20] =	ssyncset.done $0x0  }
0xb2: {  	[sflag:s20] =	ssyncadd.s32 $0xFFFFC000  }
0xb3: {  	[hbm4b:s15+s3] =	stream.linear.scatter [tilespmem:s19], [sflag:$0x1], $0x4000, $0x38;
	[tilespmem:$0x1E800] =	vst v63  }
0xb4: {  	_ =	swait.ge [sflag:s25], $0x4000  }
0xb5: {  	[sflag:s25] =	ssyncset.done $0x0  }
0xb6: {  	[sflag:s25] =	ssyncadd.s32 $0xFFFFC000  }
0xb7: {  	[tilespmem:s24], [sflag:$0x3] =	stream.linear.gather [spmem:s9], $0x4000, $0x38;
	[tilespmem:$0x1E800] =	vst v63  }
0xb8: {  	_ =	swait.ge [sflag:s20], $0x4000  }
0xb9: {  	[sflag:s20] =	ssyncset.done $0x0  }
0xba: {  	[sflag:s20] =	ssyncadd.s32 $0xFFFFC000  }
0xbb: {  	[hbm4b:s16+s3] =	stream.linear.scatter [tilespmem:s24], [sflag:$0x2], $0x4000, $0x38;
	[tilespmem:$0x1E800] =	vst v63  }
0xbc: {  	_ =	swait.ge [sflag:s21], $0x4000  }
0xbd: {  	[sflag:s21] =	ssyncset.done $0x0  }
0xbe: {  	[sflag:s21] =	ssyncadd.s32 $0xFFFFC000  }
0xbf: {  	[tilespmem:s19], [sflag:$0x3] =	stream.linear.gather [spmem:s10], $0x4000, $0x38;
	[tilespmem:$0x1E800] =	vst v63  }
0xc0: {  	_ =	swait.ge [sflag:s20], $0x4000  }
0xc1: {  	[sflag:s20] =	ssyncset.done $0x0  }
0xc2: {  	s29 =	sadd.s32 $0x1, s29;
	[sflag:s20] =	ssyncadd.s32 $0xFFFFC000  }
0xc3: {  	[hbm4b:s17+s3] =	stream.linear.scatter [tilespmem:s19], [sflag:$0x1], $0x4000, $0x38;
	[tilespmem:$0x1E800] =	vst v63  }
0xc4: {  	p0 =	sne.s32 s29, s18;
	_ =	swait.ge [sflag:s25], $0x4000  }
.Ltmp2:
0xc5: {  	[sflag:s25] =	ssyncset.done $0x0;
	(pc) =	sbr.rel @p0 .LBB2_1-.Ltmp2, $4  }
0xc6: {  	[sflag:s25] =	ssyncadd.s32 $0xFFFFC000  }
0xc7: {  	_ =	swait.ge [sflag:s21], $0x4000  }
0xc8: {  	[sflag:s21] =	ssyncset.done $0x0  }
0xc9: {  	[sflag:s21] =	ssyncadd.s32 $0xFFFFC000  }
0xca: {  	_ =	sfence.sel $0x180000  }
0xcb: {  	[bflag:$0x0] =	sbarrier.arrive $0xFFFF  }
0xcc: {  	_ =	strace $0x9000004A  }
0xcd: {  	[bflag:$0x2] =	sbarrier.arrive $0xFFFF  }
0xce: {  	p0 =	sne.s32 s4, $0x0;
	s0 =	rddreg [dreg:$0x3]  }
0xcf: {  	s0 =	sadd.s32 @!p0 $0x100000, s0  }
0xd0: {  	[sflag:s0] =	ssyncadd.tile.s32 @!p0 $0x1;
	_ =	shalt  }
.Lfunc_end2:
_tile_overlayer_lowered:
.L_overlay_start_2:
0xd1: {  	(tag) =	ssettag $0x2  }
0xd2: {  	s0 =	rddreg [dreg:$0x0];
	s2 =	stileid.u32  }
0xd3: {  	s1 =	rddreg [dreg:$0x1];
	p0 =	sne.s32 s2, $0x0  }
0xd4: {  	s3 =	rddreg [dreg:$0x2];
	[bflag:$0x3] =	sbarrier.arrive $0xFFFF;
	s2 =	simm.s32 @!p0 $0x1C03  }
0xd5: {  	[timem:s3], [sflag:s2] =	dma.local @!p0 [hbm:s0], s1  }
0xd6: {  	s0 =	simm.s32 @!p0 $0x3  }
0xd7: {  	_ =	swait.ge @!p0 [sflag:s0], s1  }
0xd8: {  	s1 =	ssub.s32 @!p0 $0x0, s1;
	[sflag:s0] =	ssyncset.done @!p0 $0x0  }
0xd9: {  	[sflag:s0] =	ssyncadd.s32 @!p0 s1  }
0xda: {  	[bflag:$0x3] =	sbarrier.arrive $0xFFFF  }
0xdb: {  	_ =	shalt  }

// kernel: kernel.14.cloned.1.call-start
scs
__scs_entry_jumppad:
0x0: {  	(pc) =	sbr.rel $0x88, $3  }
0x1: {  	(tag) =	ssettag $0x0;
	lr =	simm.s32 $0x1  }
0x2: {  	[smem:$0x3F9B] =	sst lr;
	_ =	strace $0xD0000000  }
0x3: {  	_ = 	snop  }
0x4: {  	_ = 	snop  }
0x5: {  	_ = 	snop  }
0x6: {  	_ = 	snop  }
0x7: {  	_ = 	snop  }
__scs_overlays_trampoline_lowered:
0x8: {  	[smem:$0x3FAA] =	sst s0  }
0x9: {  	[smem:$0x3FAB] =	sst s1  }
0xa: {  	[smem:$0x3FAC] =	sst s2  }
0xb: {  	[smem:$0x3FAD] =	sst s3  }
0xc: {  	[smem:$0x3FAE] =	sst s4  }
0xd: {  	[smem:$0x3FAF] =	sst s5  }
0xe: {  	[smem:$0x3FB0] =	sst s6  }
0xf: {  	[smem:$0x3FB1] =	sst s7  }
0x10: {  	[smem:$0x3FB2] =	sst s8  }
0x11: {  	[smem:$0x3FB3] =	sst s9;
	s0 =	simm.s32 @!p0 $0x0  }
0x12: {  	s1 =	sld [smem:$0x3F99];
	s0 =	simm.s32 @p0 $0x1  }
0x13: {  	[smem:$0x3FB4] =	sst s0;
	s0 =	simm.s32 @!p1 $0x0  }
0x14: {  	s2 =	sld [smem:$0x3F98];
	s0 =	simm.s32 @p1 $0x1  }
0x15: {  	[smem:$0x3FB5] =	sst s0;
	s0 =	simm.s32 @!p2 $0x0  }
0x16: {  	s3 =	sld [smem:$0x3FDB];
	s0 =	simm.s32 @p2 $0x1  }
0x17: {  	s4 =	simm.s32 $0x1BF5;
	[smem:$0x3FB7] =	sst s0  }
0x18: {  	s0 =	sld [smem:$0x3F9A];
	_ =	swait.ge [sflag:s4], $0x0  }
0x19: {  	s7 =	sld [smem:$0x3F9B]  }
0x1a: {  	s8 =	sadd.s32 $0xFFFFE003, lr  }
0x1b: {  	s9 =	sadd.s32 $0xFFFFFEF7, lr;
	s5 =	simm.s32 $0xFFFFFFFF;
	p2 =	slt.u32 s8, $0xFFFFF086  }
0x1c: {  	p1 =	slt.u32 s9, $0xF7A;
	s5 =	simm.s32 @!p2 $0x0  }
0x1d: {  	s5 =	simm.s32 @p1 $0x1;
	p0 =	seq.s32 s7, s2  }
0x1e: {  	s7 =	smul.u32 @!p0 $0xF7A, s2;
	p2 =	seq.s32 @!p0 s5, $0x0  }
0x1f: {  	s9 =	smul.u32 $0xF7A, s1;
	s8 =	simm.s32 @!p0 $0x1BF5;
	p2 =	por !p2, p0  }
0x20: {  	[sflag:s8] =	ssyncset.s32 @!p0 $0xFFFFF086;
	s6 =	sadd.s32 @!p0 s3, s7;
	s7 =	simm.s32 @!p0 $0x108  }
0x21: {  	s3 =	sadd.s32 s3, s9;
	s6 =	sadd.s32 @!p0 $0x88, s6;
	s7 =	simm.s32 @p2 $0x1082  }
0x22: {  	[simem:s7], [sflag:s8] =	dma.local @!p0 [hbm:s6], $0xF7A  }
0x23: {  	s9 =	sor.u32 $0xD0000000, s2;
	s6 =	simm.s32 $0x108;
	_ =	swait.ge @!p0 [sflag:s8], $0x0  }
0x24: {  	s3 =	sadd.s32 $0x88, s3;
	s6 =	simm.s32 @!p1 $0x1082;
	[sflag:s4] =	ssyncset.s32 $0xFFFFF086  }
0x25: {  	[simem:s6], [sflag:s4] =	dma.local [hbm:s3], $0xF7A  }
0x26: {  	[smem:$0x3F9B] =	sst s1;
	(tag) =	ssettag s2;
	_ =	strace s9  }
0x27: {  	s1 =	sld [smem:$0x3FAB]  }
0x28: {  	s2 =	sld [smem:$0x3FAC]  }
0x29: {  	s4 =	sld [smem:$0x3FAE]  }
0x2a: {  	p0 =	seq.s32 s5, $0x0;
	s5 =	sld [smem:$0x3FAF]  }
0x2b: {  	s6 =	sld [smem:$0x3FB0]  }
0x2c: {  	s7 =	sld [smem:$0x3FB1]  }
0x2d: {  	s3 =	simm.s32 $0x108;
	s8 =	sld [smem:$0x3FB2]  }
0x2e: {  	s3 =	simm.s32 @!p0 $0x1082;
	s9 =	sld [smem:$0x3FB3]  }
0x2f: {  	lr =	sadd.s32 s0, s3;
	s0 =	sld [smem:$0x3FAA]  }
0x30: {  	s3 =	sld [smem:$0x3FAD]  }
0x31: {  	[smem:$0x3FB6] =	sst s10  }
0x32: {  	s10 =	sld [smem:$0x3FB4];
	_ =	sdelay $0x3  }
0x33: {  	p0 =	seq.s32 s10, $0x1;
	s10 =	sld [smem:$0x3FB6];
	_ =	sdelay $0x3  }
0x34: {  	[smem:$0x3FB6] =	sst s10  }
0x35: {  	s10 =	sld [smem:$0x3FB5];
	_ =	sdelay $0x3  }
0x36: {  	p1 =	seq.s32 s10, $0x1;
	s10 =	sld [smem:$0x3FB6];
	_ =	sdelay $0x3  }
0x37: {  	[smem:$0x3FB6] =	sst s10  }
0x38: {  	s10 =	sld [smem:$0x3FB7]  }
0x39: {  	_ = 	snop;
	(pc) =	sbr.ind lr, $3  }
0x3a: {  	_ = 	snop  }
0x3b: {  	_ = 	snop  }
0x3c: {  	p2 =	seq.s32 s10, $0x1;
	s10 =	sld [smem:$0x3FB6]  }
0x3d: {  	_ =	shalt  }
0x3e: {  	_ =	shalt  }
0x3f: {  	_ =	shalt  }
0x40: {  	_ =	shalt  }
0x41: {  	_ =	shalt  }
0x42: {  	_ =	shalt  }
0x43: {  	_ =	shalt  }
0x44: {  	_ =	shalt  }
0x45: {  	_ =	shalt  }
0x46: {  	_ =	shalt  }
0x47: {  	_ =	shalt  }
0x48: {  	_ =	shalt  }
0x49: {  	_ =	shalt  }
0x4a: {  	_ =	shalt  }
0x4b: {  	_ =	shalt  }
0x4c: {  	_ =	shalt  }
0x4d: {  	_ =	shalt  }
0x4e: {  	_ =	shalt  }
0x4f: {  	_ =	shalt  }
0x50: {  	_ =	shalt  }
0x51: {  	_ =	shalt  }
0x52: {  	_ =	shalt  }
0x53: {  	_ =	shalt  }
0x54: {  	_ =	shalt  }
0x55: {  	_ =	shalt  }
0x56: {  	_ =	shalt  }
0x57: {  	_ =	shalt  }
0x58: {  	_ =	shalt  }
0x59: {  	_ =	shalt  }
0x5a: {  	_ =	shalt  }
0x5b: {  	_ =	shalt  }
0x5c: {  	_ =	shalt  }
0x5d: {  	_ =	shalt  }
0x5e: {  	_ =	shalt  }
0x5f: {  	_ =	shalt  }
0x60: {  	_ =	shalt  }
0x61: {  	_ =	shalt  }
0x62: {  	_ =	shalt  }
0x63: {  	_ =	shalt  }
0x64: {  	_ =	shalt  }
0x65: {  	_ =	shalt  }
0x66: {  	_ =	shalt  }
0x67: {  	_ =	shalt  }
0x68: {  	_ =	shalt  }
0x69: {  	_ =	shalt  }
0x6a: {  	_ =	shalt  }
0x6b: {  	_ =	shalt  }
0x6c: {  	_ =	shalt  }
0x6d: {  	_ =	shalt  }
0x6e: {  	_ =	shalt  }
0x6f: {  	_ =	shalt  }
0x70: {  	_ =	shalt  }
0x71: {  	_ =	shalt  }
0x72: {  	_ =	shalt  }
0x73: {  	_ =	shalt  }
0x74: {  	_ =	shalt  }
0x75: {  	_ =	shalt  }
0x76: {  	_ =	shalt  }
0x77: {  	_ =	shalt  }
0x78: {  	_ =	shalt  }
0x79: {  	_ =	shalt  }
0x7a: {  	_ =	shalt  }
0x7b: {  	_ =	shalt  }
0x7c: {  	_ =	shalt  }
0x7d: {  	_ =	shalt  }
0x7e: {  	_ =	shalt  }
0x7f: {  	_ =	shalt  }
0x80: {  	_ =	shalt  }
0x81: {  	_ =	shalt  }
0x82: {  	_ =	shalt  }
0x83: {  	_ =	shalt  }
0x84: {  	_ =	shalt  }
0x85: {  	_ =	shalt  }
0x86: {  	_ =	shalt  }
0x87: {  	_ =	shalt  }
.Lfunc_end0:
.L_simem_size_0:
called_computation.2_lowered:
.L_overlay_start_0:
0x88: {  	s2 =	sld [smem:$0x3FD9]  }
0x89: {  	s3 =	sld [smem:$0x3FFE];
	_ =	sdelay $0x1  }
0x8a: {  	s1 =	srdreg.scid  }
0x8b: {  	s0 =	sand.u32 $0x1, s1  }
0x8c: {  	s17 =	sshll.u32 s0, $0xA;
	s2 =	sadd.s32 s3, s2  }
0x8d: {  	s2 =	sadd.s32 s2, s17  }
0x8e: {  	[smem:$0x3FC2] =	sst s2  }
0x8f: {  	_ = 	snop  }
0x90: {  	s2 =	sld [smem:$0x3FD0];
	(tm) =	ssettm $0x1  }
0x91: {  	s18 =	sld [smem:$0x3FFB];
	_ =	sdelay $0x3  }
0x92: {  	_ =	strace s18  }
0x93: {  	s3 =	sld [smem:$0x3FFC];
	_ =	sdelay $0x3  }
0x94: {  	_ =	strace s3  }
0x95: {  	s3 =	sld [smem:$0x3FFD];
	_ =	sdelay $0x3  }
0x96: {  	_ =	strace s3  }
0x97: {  	_ =	strace $0x8FFFFFFF  }
0x98: {  	s19 =	sld [smem:$0x3FDB];
	_ =	sdelay $0x1  }
0x99: {  	s4 =	simm.s32 $_scs_section_size  }
0x9a: {  	s5 =	simm.s32 $_size__tile_overlayer_lowered;
	s6 =	simm.s32 $_tile_overlayer_lowered  }
0x9b: {  	s22 =	simm.s32 $0x1BFF;
	s21 =	sshll.u32 s6, $0x1;
	s3 =	sadd.s32 s4, s19  }
0x9c: {  	s7 =	simm.s32 $0x0;
	s20 =	sshll.u32 s5, $0x1;
	s5 =	sadd.s32 s21, s3  }
0x9d: {  	[timem:s7], [sflag:s22] =	dma.local [hbm:s5], s20  }
0x9e: {  	_ =	swait.ge [sflag:s22], s20  }
0x9f: {  	s4 =	ssub.s32 $0x0, s20;
	[sflag:s22] =	ssyncset.done $0x0  }
0xa0: {  	[sflag:s22] =	ssyncadd.s32 s4;
	_ =	sdelay $0x1  }
0xa1: {  	s23 =	simm.s32 $0x1B8B  }
0xa2: {  	_ =	swait.ge [sflag:s23], $0x1  }
0xa3: {  	[sflag:s23] =	ssyncset.done $0x0  }
0xa4: {  	s25 =	simm.s32 $0x1B8E;
	s24 =	sld [smem:$0x3FFE];
	[sflag:s23] =	ssyncadd.s32 $0xFFFFFFFF  }
0xa5: {  	s26 =	simm.s32 $execute0_lowered;
	[smem:$0x3FD2] =	sst s25  }
0xa6: {  	s5 =	sshll.u32 s26, $0x1;
	_ =	strace $0x8000004C;
	[dreg:$0x1] =	wrdreg $0xFFFFFFFF  }
0xa7: {  	s28 =	simm.s32 $_size_execute0_lowered;
	s3 =	sadd.s32 s3, s5;
	[dreg:$0x0] =	wrdreg $0x0  }
0xa8: {  	s5 =	sshll.u32 s28, $0x1;
	[dreg:$0x2] =	wrdreg s3  }
0xa9: {  	[dreg:$0x3] =	wrdreg s5  }
0xaa: {  	[dreg:$0x4] =	wrdreg $0xC0  }
0xab: {  	_ =	task [dreg:s7], $0x5FFFF  }
0xac: {  	[dreg:$0x1] =	wrdreg $0xFFFFFFFF  }
0xad: {  	[dreg:$0x0] =	wrdreg $0x60  }
0xae: {  	[dreg:$0x2] =	wrdreg s24  }
0xaf: {  	[dreg:$0x3] =	wrdreg s2  }
0xb0: {  	[dreg:$0x4] =	wrdreg $0xA8000  }
0xb1: {  	[dreg:$0x5] =	wrdreg $0x9  }
0xb2: {  	_ =	task.clear_ibuf [dreg:s7], $0x6FFFF;
	_ =	strace $0x9000004C  }
0xb3: {  	s29 =	simm.s32 $0x9;
	_ =	strace $0x8000004E  }
0xb4: {  	_ =	swait.ge [sflag:s29], $0x1  }
0xb5: {  	[sflag:s29] =	ssyncadd.s32 $0xFFFFFFFF  }
0xb6: {  	_ =	strace $0x9000004E  }
0xb7: {  	_ =	sfence  }
0xb8: {  	s30 =	sld [smem:$0x0];
	_ =	sdelay $0x2  }
0xb9: {  	s31 =	sshll.u32 s1, $0xD;
	s1 =	sshrl.u32 s1, $0x2  }
0xba: {  	s3 =	sand.u32 $0x4000, s31;
	s1 =	sadd.s32 s1, s30  }
0xbb: {  	s0 =	sor.u32 s3, s0;
	s1 =	sshll.u32 s1, $0x11  }
0xbc: {  	s0 =	sor.u32 s1, s0  }
0xbd: {  	s0 =	sadd.s32 $0x8F2B, s0  }
0xbe: {  	[sflag:s0] =	ssyncadd.remote.s32 $0x1  }
0xbf: {  	_ =	sfence.sel $0xFFFF  }
0xc0: {  	[dreg:$0x0] =	wrdreg $0xFFFFFFFF;
	(pc) =	sbr.abs _section_cstart, $3  }
0xc1: {  	[dreg:$0x1] =	wrdreg $0xFFFFFFFF  }
0xc2: {  	_ =	task.clear_ibuf [dreg:s7], $0x2FFFF;
	_ =	strace $0x9FFFFFFF  }
0xc3: {  	(tm) =	ssettm $0x7FFFFFFF  }
tec
execute0_lowered:
.L_overlay_start_1:
0x0: {  	(tag) =	ssettag $0x1  }
0x1: {  	s6 =	rddreg [dreg:$0x0]  }
0x2: {  	s1 =	rddreg [dreg:$0x1]  }
0x3: {  	s2 =	rddreg [dreg:$0x2];
	s3 =	simm.s32 $0x0;
	s7 =	srdreg.scid  }
0x4: {  	s4 =	stileid.u32;
	s22 =	simm.s32 $0x80;
	s28 =	simm.s32 $0x2780  }
0x5: {  	s29 =	simm.s32 $0x0;
	[smem:$0x7FF] =	sst s3;
	s5 =	sadd.s32 $0x16A00, s6  }
0x6: {  	s12 =	sadd.s32 $0x2A00, s6;
	s8 =	sand.u32 $0x1, s7;
	s24 =	smul.u32 $0x50000, s4  }
0x7: {  	s17 =	sadd.s32 $0x3EA00, s6;
	s13 =	smul.u32 $0x14000, s4;
	_ =	strace $0x8000004D  }
0x8: {  	s23 =	ssub.s32 $0x2, s8;
	s10 =	sshll.u32 s8, $0x4;
	s21 =	smul.u32 $0x140000, s8  }
0x9: {  	s9 =	sshrl.u32 s23, $0x1;
	s25 =	sor.u32 s4, s10;
	s26 =	sshrl.u32 s24, $0x2  }
0xa: {  	s14 =	sadd.s32 $0x4000, s13;
	s15 =	sadd.s32 $0x8000, s13;
	s19 =	sadd.s32 $0xC000, s13  }
0xb: {  	s20 =	sadd.s32 $0x10000, s13;
	s24 =	simm.s32 $0x6800;
	s18 =	ssub.s32 s23, s9  }
0xc: {  	s6 =	sadd.s32 s26, s2;
	s11 =	smul.u32 $0xA00, s25;
	s7 =	sadd.s32 s14, s2  }
0xd: {  	s16 =	smul.u32 $0x5000, s25;
	s8 =	sadd.s32 s15, s2;
	s9 =	sadd.s32 s19, s2  }
0xe: {  	s10 =	sadd.s32 s20, s2;
	s13 =	sadd.s32 s13, s21;
	s14 =	sadd.s32 s21, s14  }
0xf: {  	s15 =	sadd.s32 s21, s15;
	s30 =	sadd.s32 s21, s19;
	s31 =	sadd.s32 s21, s20  }
0x10: {  	s20 =	simm.s32 $0x3;
	s21 =	simm.s32 $0x1;
	s23 =	simm.s32 $0x100  }
0x11: {  	s25 =	simm.s32 $0x2;
	s26 =	simm.s32 $0x2680;
	s13 =	sshrl.u32 s13, $0x3  }
0x12: {  	s14 =	sshrl.u32 s14, $0x3;
	s15 =	sshrl.u32 s15, $0x3;
	s19 =	sshrl.u32 s31, $0x3  }
0x13: {  	s18 =	smax.u32 s18, $0x1;
	s11 =	sadd.s32 s12, s11;
	s16 =	sshrl.u32 s16, $0x3  }
0x14: {  	s13 =	sadd.s32 s17, s13;
	s14 =	sadd.s32 s17, s14;
	s12 =	sadd.s32 s12, s16  }
0x15: {  	s15 =	sadd.s32 s17, s15;
	s16 =	sshrl.u32 s30, $0x3;
	s12 =	sadd.s32 $0x500, s12  }
0x16: {  	s16 =	sadd.s32 s17, s16;
	s17 =	sadd.s32 s17, s19;
	s19 =	simm.s32 $0x2800  }
.LBB2_1:
0x17: {  	[tilespmem:s19], [sflag:$0x3] =	stream.linear.gather [hbm4b:s1+s3], $0x4000, $0x38;
	[tilespmem:$0x1E800] =	vst v63  }
0x18: {  	_ =	swait.ge [sflag:s20], $0x4000  }
0x19: {  	[sflag:s20] =	ssyncset.done $0x0  }
0x1a: {  	[sflag:s20] =	ssyncadd.s32 $0xFFFFC000  }
0x1b: {  	[spmem:s6] =	stream.linear.scatter [tilespmem:s19], [sflag:$0x1], $0x4000, $0x38;
	[tilespmem:$0x1E800] =	vst v63  }
0x1c: {  	_ = 	snop  }
0x1d: {  	[spmem:s7] =	stream.linear.scatter [tilespmem:s19], [sflag:$0x1], $0x4000, $0x38;
	[tilespmem:$0x1E800] =	vst v63  }
0x1e: {  	_ = 	snop  }
0x1f: {  	[spmem:s8] =	stream.linear.scatter [tilespmem:s19], [sflag:$0x1], $0x4000, $0x38;
	[tilespmem:$0x1E800] =	vst v63  }
0x20: {  	_ = 	snop  }
0x21: {  	[spmem:s9] =	stream.linear.scatter [tilespmem:s19], [sflag:$0x1], $0x4000, $0x38;
	[tilespmem:$0x1E800] =	vst v63  }
0x22: {  	_ = 	snop  }
0x23: {  	[spmem:s10] =	stream.linear.scatter [tilespmem:s19], [sflag:$0x1], $0x4000, $0x38;
	[tilespmem:$0x1E800] =	vst v63  }
0x24: {  	_ =	swait.ge [sflag:s21], $0x4000  }
0x25: {  	[sflag:s21] =	ssyncset.done $0x0  }
0x26: {  	[sflag:s21] =	ssyncadd.s32 $0xFFFFC000  }
0x27: {  	_ =	swait.ge [sflag:s21], $0x4000  }
0x28: {  	[sflag:s21] =	ssyncset.done $0x0  }
0x29: {  	[sflag:s21] =	ssyncadd.s32 $0xFFFFC000  }
0x2a: {  	_ =	swait.ge [sflag:s21], $0x4000  }
0x2b: {  	[sflag:s21] =	ssyncset.done $0x0  }
0x2c: {  	[sflag:s21] =	ssyncadd.s32 $0xFFFFC000  }
0x2d: {  	_ =	swait.ge [sflag:s21], $0x4000  }
0x2e: {  	[sflag:s21] =	ssyncset.done $0x0  }
0x2f: {  	[sflag:s21] =	ssyncadd.s32 $0xFFFFC000  }
0x30: {  	_ =	swait.ge [sflag:s21], $0x4000  }
0x31: {  	[sflag:s21] =	ssyncset.done $0x0  }
0x32: {  	[sflag:s21] =	ssyncadd.s32 $0xFFFFC000  }
0x33: {  	[bflag:$0x0] =	sbarrier.arrive $0xFFFF  }
0x34: {  	[tilespmem:s3], [sflag:$0x3] =	stream.linear.gather [hbm4b:s11+s3], $0x2800, $0x38;
	[tilespmem:$0x1E800] =	vst v63  }
0x35: {  	_ =	swait.ge [sflag:s20], $0x2800  }
0x36: {  	[sflag:s20] =	ssyncset.done $0x0  }
0x37: {  	[sflag:s20] =	ssyncadd.s32 $0xFFFFD800  }
0x38: {  	[tilespmem:s19], [sflag:$0x1] =	stream.indirect.gather [hbm4b:s5+s22], $0x80, s3, s22, $0xb8;
	[tilespmem:$0x1E800] =	vst v63  }
0x39: {  	_ = 	snop  }
0x3a: {  	[tilespmem:s24], [sflag:$0x2] =	stream.indirect.gather [hbm4b:s5+s22], $0x80, s23, s22, $0xb8;
	[tilespmem:$0x1E800] =	vst v63  }
0x3b: {  	_ =	swait.ge [sflag:s21], $0x4000  }
0x3c: {  	[sflag:s21] =	ssyncset.done $0x0  }
0x3d: {  	s30 =	simm.s32 $0x80;
	[sflag:s21] =	ssyncadd.s32 $0xFFFFC000  }
0x3e: {  	[spmem:s2] =	stream.indirect.scatter.add.f32 [tilespmem:s19], [sflag:$0x3], $0x80, s30, s22, $0xb8;
	[tilespmem:$0x1E800] =	vst v63  }
0x3f: {  	_ =	swait.ge [sflag:s20], $0x4000  }
0x40: {  	[sflag:s20] =	ssyncset.done $0x0  }
0x41: {  	s30 =	simm.s32 $0x200;
	[sflag:s20] =	ssyncadd.s32 $0xFFFFC000  }
0x42: {  	[tilespmem:s19], [sflag:$0x1] =	stream.indirect.gather [hbm4b:s5+s22], $0x80, s30, s22, $0xb8;
	[tilespmem:$0x1E800] =	vst v63  }
0x43: {  	_ =	swait.ge [sflag:s25], $0x4000  }
0x44: {  	[sflag:s25] =	ssyncset.done $0x0  }
0x45: {  	s30 =	simm.s32 $0x180;
	[sflag:s25] =	ssyncadd.s32 $0xFFFFC000  }
0x46: {  	[spmem:s2] =	stream.indirect.scatter.add.f32 [tilespmem:s24], [sflag:$0x3], $0x80, s30, s22, $0xb8;
	[tilespmem:$0x1E800] =	vst v63  }
0x47: {  	_ =	swait.ge [sflag:s20], $0x4000  }
0x48: {  	[sflag:s20] =	ssyncset.done $0x0  }
0x49: {  	s31 =	simm.s32 $0x300;
	s30 =	simm.s32 $0xFFFF7000;
	[sflag:s20] =	ssyncadd.s32 $0xFFFFC000  }
.LBB2_2:
0x4a: {  	[tilespmem:s24], [sflag:$0x2] =	stream.indirect.gather [hbm4b:s5+s22], $0x80, s31, s22, $0xb8;
	[tilespmem:$0x1E800] =	vst v63  }
0x4b: {  	s31 =	smov.u32 s30  }
0x4c: {  	p0 =	sne.s32 s30, $0xFFFFF800;
	s30 =	sadd.s32 $0x800, s30;
	_ =	swait.ge [sflag:s21], $0x4000  }
0x4d: {  	s31 =	sshra.s32 s31, $0x2;
	[sflag:s21] =	ssyncset.done $0x0  }
0x4e: {  	s0 =	sadd.s32 $0x2680, s31;
	[sflag:s21] =	ssyncadd.s32 $0xFFFFC000  }
0x4f: {  	[spmem:s2] =	stream.indirect.scatter.add.f32 [tilespmem:s19], [sflag:$0x3], $0x80, s0, s22, $0xb8;
	[tilespmem:$0x1E800] =	vst v63  }
0x50: {  	_ =	swait.ge [sflag:s20], $0x4000  }
0x51: {  	[sflag:s20] =	ssyncset.done $0x0  }
0x52: {  	s0 =	sadd.s32 $0x2800, s31;
	[sflag:s20] =	ssyncadd.s32 $0xFFFFC000  }
0x53: {  	[tilespmem:s19], [sflag:$0x1] =	stream.indirect.gather [hbm4b:s5+s22], $0x80, s0, s22, $0xb8;
	[tilespmem:$0x1E800] =	vst v63  }
0x54: {  	_ =	swait.ge [sflag:s25], $0x4000  }
0x55: {  	[sflag:s25] =	ssyncset.done $0x0  }
.Ltmp0:
0x56: {  	s0 =	sadd.s32 $0x2780, s31;
	[sflag:s25] =	ssyncadd.s32 $0xFFFFC000;
	(pc) =	sbr.rel @p0 .LBB2_2-.Ltmp0, $4  }
0x57: {  	[spmem:s2] =	stream.indirect.scatter.add.f32 [tilespmem:s24], [sflag:$0x3], $0x80, s0, s22, $0xb8;
	[tilespmem:$0x1E800] =	vst v63  }
0x58: {  	_ =	swait.ge [sflag:s20], $0x4000  }
0x59: {  	[sflag:s20] =	ssyncset.done $0x0  }
0x5a: {  	s31 =	sadd.s32 $0x2900, s31;
	[sflag:s20] =	ssyncadd.s32 $0xFFFFC000  }
0x5b: {  	[tilespmem:s24], [sflag:$0x2] =	stream.indirect.gather [hbm4b:s5+s22], $0x80, s31, s22, $0xb8;
	[tilespmem:$0x1E800] =	vst v63  }
0x5c: {  	_ =	swait.ge [sflag:s21], $0x4000  }
0x5d: {  	[sflag:s21] =	ssyncset.done $0x0  }
0x5e: {  	[sflag:s21] =	ssyncadd.s32 $0xFFFFC000  }
0x5f: {  	[spmem:s2] =	stream.indirect.scatter.add.f32 [tilespmem:s19], [sflag:$0x3], $0x80, s26, s22, $0xb8;
	[tilespmem:$0x1E800] =	vst v63  }
0x60: {  	_ =	swait.ge [sflag:s20], $0x4000  }
0x61: {  	[sflag:s20] =	ssyncset.done $0x0  }
0x62: {  	[sflag:s20] =	ssyncadd.s32 $0xFFFFC000  }
0x63: {  	_ =	swait.ge [sflag:s25], $0x4000  }
0x64: {  	[sflag:s25] =	ssyncset.done $0x0  }
0x65: {  	[sflag:s25] =	ssyncadd.s32 $0xFFFFC000  }
0x66: {  	[spmem:s2] =	stream.indirect.scatter.add.f32 [tilespmem:s24], [sflag:$0x3], $0x80, s28, s22, $0xb8;
	[tilespmem:$0x1E800] =	vst v63  }
0x67: {  	_ =	swait.ge [sflag:s20], $0x4000  }
0x68: {  	[sflag:s20] =	ssyncset.done $0x0  }
0x69: {  	[sflag:s20] =	ssyncadd.s32 $0xFFFFC000  }
0x6a: {  	[tilespmem:s3], [sflag:$0x3] =	stream.linear.gather [hbm4b:s12+s3], $0x2800, $0x38;
	[tilespmem:$0x1E800] =	vst v63  }
0x6b: {  	_ =	swait.ge [sflag:s20], $0x2800  }
0x6c: {  	[sflag:s20] =	ssyncset.done $0x0  }
0x6d: {  	[sflag:s20] =	ssyncadd.s32 $0xFFFFD800  }
0x6e: {  	[tilespmem:s19], [sflag:$0x1] =	stream.indirect.gather [hbm4b:s5+s22], $0x80, s3, s22, $0xb8;
	[tilespmem:$0x1E800] =	vst v63  }
0x6f: {  	_ = 	snop  }
0x70: {  	[tilespmem:s24], [sflag:$0x2] =	stream.indirect.gather [hbm4b:s5+s22], $0x80, s23, s22, $0xb8;
	[tilespmem:$0x1E800] =	vst v63  }
0x71: {  	_ =	swait.ge [sflag:s21], $0x4000  }
0x72: {  	[sflag:s21] =	ssyncset.done $0x0  }
0x73: {  	s0 =	simm.s32 $0x80;
	[sflag:s21] =	ssyncadd.s32 $0xFFFFC000  }
0x74: {  	[spmem:s2] =	stream.indirect.scatter.add.f32 [tilespmem:s19], [sflag:$0x3], $0x80, s0, s22, $0xb8;
	[tilespmem:$0x1E800] =	vst v63  }
0x75: {  	_ =	swait.ge [sflag:s20], $0x4000  }
0x76: {  	[sflag:s20] =	ssyncset.done $0x0  }
0x77: {  	s0 =	simm.s32 $0x200;
	[sflag:s20] =	ssyncadd.s32 $0xFFFFC000  }
0x78: {  	[tilespmem:s19], [sflag:$0x1] =	stream.indirect.gather [hbm4b:s5+s22], $0x80, s0, s22, $0xb8;
	[tilespmem:$0x1E800] =	vst v63  }
0x79: {  	_ =	swait.ge [sflag:s25], $0x4000  }
0x7a: {  	[sflag:s25] =	ssyncset.done $0x0  }
0x7b: {  	s0 =	simm.s32 $0x180;
	[sflag:s25] =	ssyncadd.s32 $0xFFFFC000  }
0x7c: {  	[spmem:s2] =	stream.indirect.scatter.add.f32 [tilespmem:s24], [sflag:$0x3], $0x80, s0, s22, $0xb8;
	[tilespmem:$0x1E800] =	vst v63  }
0x7d: {  	_ =	swait.ge [sflag:s20], $0x4000  }
0x7e: {  	[sflag:s20] =	ssyncset.done $0x0  }
0x7f: {  	s30 =	simm.s32 $0xFFFF7000;
	s31 =	simm.s32 $0x300;
	[sflag:s20] =	ssyncadd.s32 $0xFFFFC000  }
.LBB2_4:
0x80: {  	[tilespmem:s24], [sflag:$0x2] =	stream.indirect.gather [hbm4b:s5+s22], $0x80, s31, s22, $0xb8;
	[tilespmem:$0x1E800] =	vst v63  }
0x81: {  	s0 =	smov.u32 s30  }
0x82: {  	p0 =	sne.s32 s30, $0xFFFFF800;
	s30 =	sadd.s32 $0x800, s30;
	_ =	swait.ge [sflag:s21], $0x4000  }
0x83: {  	s0 =	sshra.s32 s0, $0x2;
	[sflag:s21] =	ssyncset.done $0x0  }
0x84: {  	s31 =	sadd.s32 $0x2680, s0;
	[sflag:s21] =	ssyncadd.s32 $0xFFFFC000  }
0x85: {  	[spmem:s2] =	stream.indirect.scatter.add.f32 [tilespmem:s19], [sflag:$0x3], $0x80, s31, s22, $0xb8;
	[tilespmem:$0x1E800] =	vst v63  }
0x86: {  	_ =	swait.ge [sflag:s20], $0x4000  }
0x87: {  	[sflag:s20] =	ssyncset.done $0x0  }
0x88: {  	s31 =	sadd.s32 $0x2800, s0;
	[sflag:s20] =	ssyncadd.s32 $0xFFFFC000  }
0x89: {  	[tilespmem:s19], [sflag:$0x1] =	stream.indirect.gather [hbm4b:s5+s22], $0x80, s31, s22, $0xb8;
	[tilespmem:$0x1E800] =	vst v63  }
0x8a: {  	_ =	swait.ge [sflag:s25], $0x4000  }
0x8b: {  	[sflag:s25] =	ssyncset.done $0x0  }
.Ltmp1:
0x8c: {  	s31 =	sadd.s32 $0x2780, s0;
	[sflag:s25] =	ssyncadd.s32 $0xFFFFC000;
	(pc) =	sbr.rel @p0 .LBB2_4-.Ltmp1, $4  }
0x8d: {  	[spmem:s2] =	stream.indirect.scatter.add.f32 [tilespmem:s24], [sflag:$0x3], $0x80, s31, s22, $0xb8;
	[tilespmem:$0x1E800] =	vst v63  }
0x8e: {  	_ =	swait.ge [sflag:s20], $0x4000  }
0x8f: {  	[sflag:s20] =	ssyncset.done $0x0  }
0x90: {  	s31 =	sadd.s32 $0x2900, s0;
	[sflag:s20] =	ssyncadd.s32 $0xFFFFC000  }
0x91: {  	[tilespmem:s24], [sflag:$0x2] =	stream.indirect.gather [hbm4b:s5+s22], $0x80, s31, s22, $0xb8;
	[tilespmem:$0x1E800] =	vst v63  }
0x92: {  	_ =	swait.ge [sflag:s21], $0x4000  }
0x93: {  	[sflag:s21] =	ssyncset.done $0x0  }
0x94: {  	[sflag:s21] =	ssyncadd.s32 $0xFFFFC000  }
0x95: {  	[spmem:s2] =	stream.indirect.scatter.add.f32 [tilespmem:s19], [sflag:$0x3], $0x80, s26, s22, $0xb8;
	[tilespmem:$0x1E800] =	vst v63  }
0x96: {  	_ =	swait.ge [sflag:s20], $0x4000  }
0x97: {  	[sflag:s20] =	ssyncset.done $0x0  }
0x98: {  	[sflag:s20] =	ssyncadd.s32 $0xFFFFC000  }
0x99: {  	_ =	swait.ge [sflag:s25], $0x4000  }
0x9a: {  	[sflag:s25] =	ssyncset.done $0x0  }
0x9b: {  	[sflag:s25] =	ssyncadd.s32 $0xFFFFC000  }
0x9c: {  	[spmem:s2] =	stream.indirect.scatter.add.f32 [tilespmem:s24], [sflag:$0x3], $0x80, s28, s22, $0xb8;
	[tilespmem:$0x1E800] =	vst v63  }
0x9d: {  	_ =	swait.ge [sflag:s20], $0x4000  }
0x9e: {  	[sflag:s20] =	ssyncset.done $0x0  }
0x9f: {  	[sflag:s20] =	ssyncadd.s32 $0xFFFFC000  }
0xa0: {  	[bflag:$0x0] =	sbarrier.arrive $0xFFFF  }
0xa1: {  	[tilespmem:s19], [sflag:$0x3] =	stream.linear.gather [spmem:s6], $0x4000, $0x38;
	[tilespmem:$0x1E800] =	vst v63  }
0xa2: {  	_ =	swait.ge [sflag:s20], $0x4000  }
0xa3: {  	[sflag:s20] =	ssyncset.done $0x0  }
0xa4: {  	[sflag:s20] =	ssyncadd.s32 $0xFFFFC000  }
0xa5: {  	[hbm4b:s13+s3] =	stream.linear.scatter [tilespmem:s19], [sflag:$0x1], $0x4000, $0x38;
	[tilespmem:$0x1E800] =	vst v63  }
0xa6: {  	_ = 	snop  }
0xa7: {  	[tilespmem:s24], [sflag:$0x3] =	stream.linear.gather [spmem:s7], $0x4000, $0x38;
	[tilespmem:$0x1E800] =	vst v63  }
0xa8: {  	_ =	swait.ge [sflag:s20], $0x4000  }
0xa9: {  	[sflag:s20] =	ssyncset.done $0x0  }
0xaa: {  	[sflag:s20] =	ssyncadd.s32 $0xFFFFC000  }
0xab: {  	[hbm4b:s14+s3] =	stream.linear.scatter [tilespmem:s24], [sflag:$0x2], $0x4000, $0x38;
	[tilespmem:$0x1E800] =	vst v63  }
0xac: {  	_ =	swait.ge [sflag:s21], $0x4000  }
0xad: {  	[sflag:s21] =	ssyncset.done $0x0  }
0xae: {  	[sflag:s21] =	ssyncadd.s32 $0xFFFFC000  }
0xaf: {  	[tilespmem:s19], [sflag:$0x3] =	stream.linear.gather [spmem:s8], $0x4000, $0x38;
	[tilespmem:$0x1E800] =	vst v63  }
0xb0: {  	_ =	swait.ge [sflag:s20], $0x4000  }
0xb1: {  	[sflag:s20] =	ssyncset.done $0x0  }
0xb2: {  	[sflag:s20] =	ssyncadd.s32 $0xFFFFC000  }
0xb3: {  	[hbm4b:s15+s3] =	stream.linear.scatter [tilespmem:s19], [sflag:$0x1], $0x4000, $0x38;
	[tilespmem:$0x1E800] =	vst v63  }
0xb4: {  	_ =	swait.ge [sflag:s25], $0x4000  }
0xb5: {  	[sflag:s25] =	ssyncset.done $0x0  }
0xb6: {  	[sflag:s25] =	ssyncadd.s32 $0xFFFFC000  }
0xb7: {  	[tilespmem:s24], [sflag:$0x3] =	stream.linear.gather [spmem:s9], $0x4000, $0x38;
	[tilespmem:$0x1E800] =	vst v63  }
0xb8: {  	_ =	swait.ge [sflag:s20], $0x4000  }
0xb9: {  	[sflag:s20] =	ssyncset.done $0x0  }
0xba: {  	[sflag:s20] =	ssyncadd.s32 $0xFFFFC000  }
0xbb: {  	[hbm4b:s16+s3] =	stream.linear.scatter [tilespmem:s24], [sflag:$0x2], $0x4000, $0x38;
	[tilespmem:$0x1E800] =	vst v63  }
0xbc: {  	_ =	swait.ge [sflag:s21], $0x4000  }
0xbd: {  	[sflag:s21] =	ssyncset.done $0x0  }
0xbe: {  	[sflag:s21] =	ssyncadd.s32 $0xFFFFC000  }
0xbf: {  	[tilespmem:s19], [sflag:$0x3] =	stream.linear.gather [spmem:s10], $0x4000, $0x38;
	[tilespmem:$0x1E800] =	vst v63  }
0xc0: {  	_ =	swait.ge [sflag:s20], $0x4000  }
0xc1: {  	[sflag:s20] =	ssyncset.done $0x0  }
0xc2: {  	s29 =	sadd.s32 $0x1, s29;
	[sflag:s20] =	ssyncadd.s32 $0xFFFFC000  }
0xc3: {  	[hbm4b:s17+s3] =	stream.linear.scatter [tilespmem:s19], [sflag:$0x1], $0x4000, $0x38;
	[tilespmem:$0x1E800] =	vst v63  }
0xc4: {  	p0 =	sne.s32 s29, s18;
	_ =	swait.ge [sflag:s25], $0x4000  }
.Ltmp2:
0xc5: {  	[sflag:s25] =	ssyncset.done $0x0;
	(pc) =	sbr.rel @p0 .LBB2_1-.Ltmp2, $4  }
0xc6: {  	[sflag:s25] =	ssyncadd.s32 $0xFFFFC000  }
0xc7: {  	_ =	swait.ge [sflag:s21], $0x4000  }
0xc8: {  	[sflag:s21] =	ssyncset.done $0x0  }
0xc9: {  	[sflag:s21] =	ssyncadd.s32 $0xFFFFC000  }
0xca: {  	_ =	sfence.sel $0x180000  }
0xcb: {  	[bflag:$0x0] =	sbarrier.arrive $0xFFFF  }
0xcc: {  	_ =	strace $0x9000004D  }
0xcd: {  	[bflag:$0x2] =	sbarrier.arrive $0xFFFF  }
0xce: {  	p0 =	sne.s32 s4, $0x0;
	s0 =	rddreg [dreg:$0x3]  }
0xcf: {  	s0 =	sadd.s32 @!p0 $0x100000, s0  }
0xd0: {  	[sflag:s0] =	ssyncadd.tile.s32 @!p0 $0x1;
	_ =	shalt  }
.Lfunc_end2:
_tile_overlayer_lowered:
.L_overlay_start_2:
0xd1: {  	(tag) =	ssettag $0x2  }
0xd2: {  	s0 =	rddreg [dreg:$0x0];
	s2 =	stileid.u32  }
0xd3: {  	s1 =	rddreg [dreg:$0x1];
	p0 =	sne.s32 s2, $0x0  }
0xd4: {  	s3 =	rddreg [dreg:$0x2];
	[bflag:$0x3] =	sbarrier.arrive $0xFFFF;
	s2 =	simm.s32 @!p0 $0x1C03  }
0xd5: {  	[timem:s3], [sflag:s2] =	dma.local @!p0 [hbm:s0], s1  }
0xd6: {  	s0 =	simm.s32 @!p0 $0x3  }
0xd7: {  	_ =	swait.ge @!p0 [sflag:s0], s1  }
0xd8: {  	s1 =	ssub.s32 @!p0 $0x0, s1;
	[sflag:s0] =	ssyncset.done @!p0 $0x0  }
0xd9: {  	[sflag:s0] =	ssyncadd.s32 @!p0 s1  }
0xda: {  	[bflag:$0x3] =	sbarrier.arrive $0xFFFF  }
0xdb: {  	_ =	shalt  }

// kernel: kernel.8.cloned.1.call-start
scs
__scs_entry_jumppad:
0x0: {  	(pc) =	sbr.rel $0x88, $3  }
0x1: {  	(tag) =	ssettag $0x0;
	lr =	simm.s32 $0x1  }
0x2: {  	[smem:$0x3F9B] =	sst lr;
	_ =	strace $0xD0000000  }
0x3: {  	_ = 	snop  }
0x4: {  	_ = 	snop  }
0x5: {  	_ = 	snop  }
0x6: {  	_ = 	snop  }
0x7: {  	_ = 	snop  }
__scs_overlays_trampoline_lowered:
0x8: {  	[smem:$0x3FAA] =	sst s0  }
0x9: {  	[smem:$0x3FAB] =	sst s1  }
0xa: {  	[smem:$0x3FAC] =	sst s2  }
0xb: {  	[smem:$0x3FAD] =	sst s3  }
0xc: {  	[smem:$0x3FAE] =	sst s4  }
0xd: {  	[smem:$0x3FAF] =	sst s5  }
0xe: {  	[smem:$0x3FB0] =	sst s6  }
0xf: {  	[smem:$0x3FB1] =	sst s7  }
0x10: {  	[smem:$0x3FB2] =	sst s8  }
0x11: {  	[smem:$0x3FB3] =	sst s9;
	s0 =	simm.s32 @!p0 $0x0  }
0x12: {  	s1 =	sld [smem:$0x3F99];
	s0 =	simm.s32 @p0 $0x1  }
0x13: {  	[smem:$0x3FB4] =	sst s0;
	s0 =	simm.s32 @!p1 $0x0  }
0x14: {  	s2 =	sld [smem:$0x3F98];
	s0 =	simm.s32 @p1 $0x1  }
0x15: {  	[smem:$0x3FB5] =	sst s0;
	s0 =	simm.s32 @!p2 $0x0  }
0x16: {  	s3 =	sld [smem:$0x3FDB];
	s0 =	simm.s32 @p2 $0x1  }
0x17: {  	s4 =	simm.s32 $0x1BF5;
	[smem:$0x3FB7] =	sst s0  }
0x18: {  	s0 =	sld [smem:$0x3F9A];
	_ =	swait.ge [sflag:s4], $0x0  }
0x19: {  	s7 =	sld [smem:$0x3F9B]  }
0x1a: {  	s8 =	sadd.s32 $0xFFFFE003, lr  }
0x1b: {  	s9 =	sadd.s32 $0xFFFFFEF7, lr;
	s5 =	simm.s32 $0xFFFFFFFF;
	p2 =	slt.u32 s8, $0xFFFFF086  }
0x1c: {  	p1 =	slt.u32 s9, $0xF7A;
	s5 =	simm.s32 @!p2 $0x0  }
0x1d: {  	s5 =	simm.s32 @p1 $0x1;
	p0 =	seq.s32 s7, s2  }
0x1e: {  	s7 =	smul.u32 @!p0 $0xF7A, s2;
	p2 =	seq.s32 @!p0 s5, $0x0  }
0x1f: {  	s9 =	smul.u32 $0xF7A, s1;
	s8 =	simm.s32 @!p0 $0x1BF5;
	p2 =	por !p2, p0  }
0x20: {  	[sflag:s8] =	ssyncset.s32 @!p0 $0xFFFFF086;
	s6 =	sadd.s32 @!p0 s3, s7;
	s7 =	simm.s32 @!p0 $0x108  }
0x21: {  	s3 =	sadd.s32 s3, s9;
	s6 =	sadd.s32 @!p0 $0x88, s6;
	s7 =	simm.s32 @p2 $0x1082  }
0x22: {  	[simem:s7], [sflag:s8] =	dma.local @!p0 [hbm:s6], $0xF7A  }
0x23: {  	s9 =	sor.u32 $0xD0000000, s2;
	s6 =	simm.s32 $0x108;
	_ =	swait.ge @!p0 [sflag:s8], $0x0  }
0x24: {  	s3 =	sadd.s32 $0x88, s3;
	s6 =	simm.s32 @!p1 $0x1082;
	[sflag:s4] =	ssyncset.s32 $0xFFFFF086  }
0x25: {  	[simem:s6], [sflag:s4] =	dma.local [hbm:s3], $0xF7A  }
0x26: {  	[smem:$0x3F9B] =	sst s1;
	(tag) =	ssettag s2;
	_ =	strace s9  }
0x27: {  	s1 =	sld [smem:$0x3FAB]  }
0x28: {  	s2 =	sld [smem:$0x3FAC]  }
0x29: {  	s4 =	sld [smem:$0x3FAE]  }
0x2a: {  	p0 =	seq.s32 s5, $0x0;
	s5 =	sld [smem:$0x3FAF]  }
0x2b: {  	s6 =	sld [smem:$0x3FB0]  }
0x2c: {  	s7 =	sld [smem:$0x3FB1]  }
0x2d: {  	s3 =	simm.s32 $0x108;
	s8 =	sld [smem:$0x3FB2]  }
0x2e: {  	s3 =	simm.s32 @!p0 $0x1082;
	s9 =	sld [smem:$0x3FB3]  }
0x2f: {  	lr =	sadd.s32 s0, s3;
	s0 =	sld [smem:$0x3FAA]  }
0x30: {  	s3 =	sld [smem:$0x3FAD]  }
0x31: {  	[smem:$0x3FB6] =	sst s10  }
0x32: {  	s10 =	sld [smem:$0x3FB4];
	_ =	sdelay $0x3  }
0x33: {  	p0 =	seq.s32 s10, $0x1;
	s10 =	sld [smem:$0x3FB6];
	_ =	sdelay $0x3  }
0x34: {  	[smem:$0x3FB6] =	sst s10  }
0x35: {  	s10 =	sld [smem:$0x3FB5];
	_ =	sdelay $0x3  }
0x36: {  	p1 =	seq.s32 s10, $0x1;
	s10 =	sld [smem:$0x3FB6];
	_ =	sdelay $0x3  }
0x37: {  	[smem:$0x3FB6] =	sst s10  }
0x38: {  	s10 =	sld [smem:$0x3FB7]  }
0x39: {  	_ = 	snop;
	(pc) =	sbr.ind lr, $3  }
0x3a: {  	_ = 	snop  }
0x3b: {  	_ = 	snop  }
0x3c: {  	p2 =	seq.s32 s10, $0x1;
	s10 =	sld [smem:$0x3FB6]  }
0x3d: {  	_ =	shalt  }
0x3e: {  	_ =	shalt  }
0x3f: {  	_ =	shalt  }
0x40: {  	_ =	shalt  }
0x41: {  	_ =	shalt  }
0x42: {  	_ =	shalt  }
0x43: {  	_ =	shalt  }
0x44: {  	_ =	shalt  }
0x45: {  	_ =	shalt  }
0x46: {  	_ =	shalt  }
0x47: {  	_ =	shalt  }
0x48: {  	_ =	shalt  }
0x49: {  	_ =	shalt  }
0x4a: {  	_ =	shalt  }
0x4b: {  	_ =	shalt  }
0x4c: {  	_ =	shalt  }
0x4d: {  	_ =	shalt  }
0x4e: {  	_ =	shalt  }
0x4f: {  	_ =	shalt  }
0x50: {  	_ =	shalt  }
0x51: {  	_ =	shalt  }
0x52: {  	_ =	shalt  }
0x53: {  	_ =	shalt  }
0x54: {  	_ =	shalt  }
0x55: {  	_ =	shalt  }
0x56: {  	_ =	shalt  }
0x57: {  	_ =	shalt  }
0x58: {  	_ =	shalt  }
0x59: {  	_ =	shalt  }
0x5a: {  	_ =	shalt  }
0x5b: {  	_ =	shalt  }
0x5c: {  	_ =	shalt  }
0x5d: {  	_ =	shalt  }
0x5e: {  	_ =	shalt  }
0x5f: {  	_ =	shalt  }
0x60: {  	_ =	shalt  }
0x61: {  	_ =	shalt  }
0x62: {  	_ =	shalt  }
0x63: {  	_ =	shalt  }
0x64: {  	_ =	shalt  }
0x65: {  	_ =	shalt  }
0x66: {  	_ =	shalt  }
0x67: {  	_ =	shalt  }
0x68: {  	_ =	shalt  }
0x69: {  	_ =	shalt  }
0x6a: {  	_ =	shalt  }
0x6b: {  	_ =	shalt  }
0x6c: {  	_ =	shalt  }
0x6d: {  	_ =	shalt  }
0x6e: {  	_ =	shalt  }
0x6f: {  	_ =	shalt  }
0x70: {  	_ =	shalt  }
0x71: {  	_ =	shalt  }
0x72: {  	_ =	shalt  }
0x73: {  	_ =	shalt  }
0x74: {  	_ =	shalt  }
0x75: {  	_ =	shalt  }
0x76: {  	_ =	shalt  }
0x77: {  	_ =	shalt  }
0x78: {  	_ =	shalt  }
0x79: {  	_ =	shalt  }
0x7a: {  	_ =	shalt  }
0x7b: {  	_ =	shalt  }
0x7c: {  	_ =	shalt  }
0x7d: {  	_ =	shalt  }
0x7e: {  	_ =	shalt  }
0x7f: {  	_ =	shalt  }
0x80: {  	_ =	shalt  }
0x81: {  	_ =	shalt  }
0x82: {  	_ =	shalt  }
0x83: {  	_ =	shalt  }
0x84: {  	_ =	shalt  }
0x85: {  	_ =	shalt  }
0x86: {  	_ =	shalt  }
0x87: {  	_ =	shalt  }
.Lfunc_end0:
.L_simem_size_0:
called_computation_lowered:
.L_overlay_start_0:
0x88: {  	s2 =	sld [smem:$0x3FD9]  }
0x89: {  	s3 =	sld [smem:$0x3FFE];
	_ =	sdelay $0x1  }
0x8a: {  	s1 =	srdreg.scid  }
0x8b: {  	s0 =	sand.u32 $0x1, s1  }
0x8c: {  	s17 =	sshll.u32 s0, $0xA;
	s2 =	sadd.s32 s3, s2  }
0x8d: {  	s2 =	sadd.s32 s2, s17  }
0x8e: {  	[smem:$0x3FC2] =	sst s2  }
0x8f: {  	_ = 	snop  }
0x90: {  	s2 =	sld [smem:$0x3FD0];
	(tm) =	ssettm $0x1  }
0x91: {  	s18 =	sld [smem:$0x3FFB];
	_ =	sdelay $0x3  }
0x92: {  	_ =	strace s18  }
0x93: {  	s3 =	sld [smem:$0x3FFC];
	_ =	sdelay $0x3  }
0x94: {  	_ =	strace s3  }
0x95: {  	s3 =	sld [smem:$0x3FFD];
	_ =	sdelay $0x3  }
0x96: {  	_ =	strace s3  }
0x97: {  	_ =	strace $0x8FFFFFFF  }
0x98: {  	s19 =	sld [smem:$0x3FDB];
	_ =	sdelay $0x1  }
0x99: {  	s4 =	simm.s32 $_scs_section_size  }
0x9a: {  	s5 =	simm.s32 $_size__tile_overlayer_lowered;
	s6 =	simm.s32 $_tile_overlayer_lowered  }
0x9b: {  	s22 =	simm.s32 $0x1BFF;
	s21 =	sshll.u32 s6, $0x1;
	s3 =	sadd.s32 s4, s19  }
0x9c: {  	s7 =	simm.s32 $0x0;
	s20 =	sshll.u32 s5, $0x1;
	s5 =	sadd.s32 s21, s3  }
0x9d: {  	[timem:s7], [sflag:s22] =	dma.local [hbm:s5], s20  }
0x9e: {  	_ =	swait.ge [sflag:s22], s20  }
0x9f: {  	s4 =	ssub.s32 $0x0, s20;
	[sflag:s22] =	ssyncset.done $0x0  }
0xa0: {  	[sflag:s22] =	ssyncadd.s32 s4;
	_ =	sdelay $0x1  }
0xa1: {  	s23 =	simm.s32 $0x1B8B  }
0xa2: {  	_ =	swait.ge [sflag:s23], $0x1  }
0xa3: {  	[sflag:s23] =	ssyncset.done $0x0  }
0xa4: {  	s25 =	simm.s32 $0x1B8E;
	s24 =	sld [smem:$0x3FFE];
	[sflag:s23] =	ssyncadd.s32 $0xFFFFFFFF  }
0xa5: {  	s26 =	simm.s32 $execute0_lowered;
	[smem:$0x3FD2] =	sst s25  }
0xa6: {  	s5 =	sshll.u32 s26, $0x1;
	_ =	strace $0x80000046;
	[dreg:$0x1] =	wrdreg $0xFFFFFFFF  }
0xa7: {  	s28 =	simm.s32 $_size_execute0_lowered;
	s3 =	sadd.s32 s3, s5;
	[dreg:$0x0] =	wrdreg $0x0  }
0xa8: {  	s5 =	sshll.u32 s28, $0x1;
	[dreg:$0x2] =	wrdreg s3  }
0xa9: {  	[dreg:$0x3] =	wrdreg s5  }
0xaa: {  	[dreg:$0x4] =	wrdreg $0xC0  }
0xab: {  	_ =	task [dreg:s7], $0x5FFFF  }
0xac: {  	[dreg:$0x1] =	wrdreg $0xFFFFFFFF  }
0xad: {  	[dreg:$0x0] =	wrdreg $0x60  }
0xae: {  	[dreg:$0x2] =	wrdreg s2  }
0xaf: {  	[dreg:$0x3] =	wrdreg s24  }
0xb0: {  	[dreg:$0x4] =	wrdreg $0x53000  }
0xb1: {  	[dreg:$0x5] =	wrdreg $0x9  }
0xb2: {  	_ =	task.clear_ibuf [dreg:s7], $0x6FFFF;
	_ =	strace $0x90000046  }
0xb3: {  	s29 =	simm.s32 $0x9;
	_ =	strace $0x80000048  }
0xb4: {  	_ =	swait.ge [sflag:s29], $0x1  }
0xb5: {  	[sflag:s29] =	ssyncadd.s32 $0xFFFFFFFF  }
0xb6: {  	_ =	strace $0x90000048  }
0xb7: {  	_ =	sfence  }
0xb8: {  	s30 =	sld [smem:$0x0];
	_ =	sdelay $0x2  }
0xb9: {  	s31 =	sshll.u32 s1, $0xD;
	s1 =	sshrl.u32 s1, $0x2  }
0xba: {  	s3 =	sand.u32 $0x4000, s31;
	s1 =	sadd.s32 s1, s30  }
0xbb: {  	s0 =	sor.u32 s3, s0;
	s1 =	sshll.u32 s1, $0x11  }
0xbc: {  	s0 =	sor.u32 s1, s0  }
0xbd: {  	s0 =	sadd.s32 $0x8F2B, s0  }
0xbe: {  	[sflag:s0] =	ssyncadd.remote.s32 $0x1  }
0xbf: {  	_ =	sfence.sel $0xFFFF  }
0xc0: {  	[dreg:$0x0] =	wrdreg $0xFFFFFFFF;
	(pc) =	sbr.abs _section_cstart, $3  }
0xc1: {  	[dreg:$0x1] =	wrdreg $0xFFFFFFFF  }
0xc2: {  	_ =	task.clear_ibuf [dreg:s7], $0x2FFFF;
	_ =	strace $0x9FFFFFFF  }
0xc3: {  	(tm) =	ssettm $0x7FFFFFFF  }
tec
execute0_lowered:
.L_overlay_start_1:
0x0: {  	(tag) =	ssettag $0x1  }
0x1: {  	s7 =	rddreg [dreg:$0x0]  }
0x2: {  	s6 =	rddreg [dreg:$0x1]  }
0x3: {  	s2 =	rddreg [dreg:$0x2]  }
0x4: {  	s0 =	rddreg [dreg:$0x3]  }
0x5: {  	s3 =	simm.s32 $0x0;
	s4 =	srdreg.scid;
	s1 =	stileid.u32  }
0x6: {  	s13 =	simm.s32 $0x80;
	s14 =	simm.s32 $0x1;
	s15 =	simm.s32 $0x100  }
0x7: {  	s16 =	simm.s32 $0x0;
	[smem:$0x7FF] =	sst s3;
	s5 =	smul.u32 $0x500, s1  }
0x8: {  	s8 =	sand.u32 $0x1, s4;
	s4 =	sadd.s32 $0x1E00, s6;
	s11 =	smul.u32 $0x5000, s1  }
0x9: {  	s12 =	smul.u32 $0xA00, s1;
	_ =	strace $0x80000047;
	s9 =	sshll.u32 s8, $0x7  }
0xa: {  	s10 =	smul.u32 $0x50000, s8;
	s28 =	ssub.s32 $0x2, s8;
	s9 =	sor.u32 s9, s5  }
0xb: {  	s5 =	sadd.s32 $0x1C00, s6;
	s30 =	sshrl.u32 s28, $0x1;
	s31 =	sshrl.u32 s12, $0x2  }
0xc: {  	s12 =	simm.s32 $0x5280;
	s9 =	sshrl.u32 s9, $0x3;
	s29 =	sadd.s32 s11, s10  }
0xd: {  	s10 =	ssub.s32 s28, s30;
	s11 =	simm.s32 $0x2;
	s8 =	sshrl.u32 s29, $0x3  }
0xe: {  	s9 =	sadd.s32 s9, s6;
	s6 =	sadd.s32 s31, s2;
	s7 =	sadd.s32 s7, s8  }
0xf: {  	s8 =	sadd.s32 $0x2000, s9;
	s9 =	smax.u32 s10, $0x1;
	s10 =	simm.s32 $0x5000  }
.LBB2_1:
0x10: {  	[tilespmem:s10], [sflag:$0x2] =	stream.linear.gather [hbm4b:s4+s3], $0x280, $0x38;
	[tilespmem:$0x5580] =	vst v63  }
0x11: {  	_ =	swait.ge [sflag:s11], $0x280  }
0x12: {  	[sflag:s11] =	ssyncset.done $0x0  }
0x13: {  	[sflag:s11] =	ssyncadd.s32 $0xFFFFFD80  }
0x14: {  	[spmem:s6] =	stream.linear.scatter [tilespmem:s10], [sflag:$0x2], $0x280, $0x38;
	[tilespmem:$0x5580] =	vst v63  }
0x15: {  	_ =	swait.ge [sflag:s11], $0x280  }
0x16: {  	[sflag:s11] =	ssyncset.done $0x0  }
0x17: {  	[sflag:s11] =	ssyncadd.s32 $0xFFFFFD80  }
0x18: {  	[tilespmem:s12], [sflag:$0x2] =	stream.linear.gather [hbm4b:s5+s3], $0x80, $0x38;
	[tilespmem:$0x5580] =	vst v63  }
0x19: {  	_ =	swait.ge [sflag:s11], $0x80  }
0x1a: {  	[sflag:s11] =	ssyncset.done $0x0  }
0x1b: {  	[sflag:s11] =	ssyncadd.s32 $0xFFFFFF80  }
0x1c: {  	[tilespmem:s3], [sflag:$0x2] =	stream.linear.gather [hbm4b:s7+s3], $0x5000, $0x38;
	[tilespmem:$0x5580] =	vst v63  }
0x1d: {  	_ =	swait.ge [sflag:s11], $0x5000  }
0x1e: {  	[sflag:s11] =	ssyncset.done $0x0  }
0x1f: {  	[sflag:s11] =	ssyncadd.s32 $0xFFFFB000  }
0x20: {  	s17 =	simm.s32 $0x0;
	[bflag:$0x0] =	sbarrier.arrive $0xFFFF  }
0x21: {  	[spmem:s2] =	stream.indirect.scatter.add.f32 [tilespmem:s12], [sflag:$0x1], $0x1, s17, s13, $0xb8;
	[tilespmem:$0x5580] =	vst v63  }
0x22: {  	s24 =	simm.s32 $0x80  }
0x23: {  	[spmem:s2] =	stream.indirect.scatter.add.f32 [tilespmem:s12], [sflag:$0x1], $0x1, s24, s13, $0xb8;
	[tilespmem:$0x5580] =	vst v63  }
0x24: {  	s25 =	simm.s32 $0x100  }
0x25: {  	[spmem:s2] =	stream.indirect.scatter.add.f32 [tilespmem:s12], [sflag:$0x1], $0x1, s25, s13, $0xb8;
	[tilespmem:$0x5580] =	vst v63  }
0x26: {  	s26 =	simm.s32 $0x180  }
0x27: {  	[spmem:s2] =	stream.indirect.scatter.add.f32 [tilespmem:s12], [sflag:$0x1], $0x1, s26, s13, $0xb8;
	[tilespmem:$0x5580] =	vst v63  }
0x28: {  	s28 =	simm.s32 $0x200  }
0x29: {  	[spmem:s2] =	stream.indirect.scatter.add.f32 [tilespmem:s12], [sflag:$0x1], $0x1, s28, s13, $0xb8;
	[tilespmem:$0x5580] =	vst v63  }
0x2a: {  	s29 =	simm.s32 $0x280  }
0x2b: {  	[spmem:s2] =	stream.indirect.scatter.add.f32 [tilespmem:s12], [sflag:$0x1], $0x1, s29, s13, $0xb8;
	[tilespmem:$0x5580] =	vst v63  }
0x2c: {  	s30 =	simm.s32 $0x300  }
0x2d: {  	[spmem:s2] =	stream.indirect.scatter.add.f32 [tilespmem:s12], [sflag:$0x1], $0x1, s30, s13, $0xb8;
	[tilespmem:$0x5580] =	vst v63  }
0x2e: {  	s31 =	simm.s32 $0x380  }
0x2f: {  	[spmem:s2] =	stream.indirect.scatter.add.f32 [tilespmem:s12], [sflag:$0x1], $0x1, s31, s13, $0xb8;
	[tilespmem:$0x5580] =	vst v63  }
0x30: {  	_ =	swait.ge [sflag:s14], $0x80  }
0x31: {  	[sflag:s14] =	ssyncset.done $0x0  }
0x32: {  	[sflag:s14] =	ssyncadd.s32 $0xFFFFFF80  }
0x33: {  	_ =	swait.ge [sflag:s14], $0x80  }
0x34: {  	[sflag:s14] =	ssyncset.done $0x0  }
0x35: {  	[sflag:s14] =	ssyncadd.s32 $0xFFFFFF80  }
0x36: {  	_ =	swait.ge [sflag:s14], $0x80  }
0x37: {  	[sflag:s14] =	ssyncset.done $0x0  }
0x38: {  	[sflag:s14] =	ssyncadd.s32 $0xFFFFFF80  }
0x39: {  	_ =	swait.ge [sflag:s14], $0x80  }
0x3a: {  	[sflag:s14] =	ssyncset.done $0x0  }
0x3b: {  	[sflag:s14] =	ssyncadd.s32 $0xFFFFFF80  }
0x3c: {  	_ =	swait.ge [sflag:s14], $0x80  }
0x3d: {  	[sflag:s14] =	ssyncset.done $0x0  }
0x3e: {  	[sflag:s14] =	ssyncadd.s32 $0xFFFFFF80  }
0x3f: {  	_ =	swait.ge [sflag:s14], $0x80  }
0x40: {  	[sflag:s14] =	ssyncset.done $0x0  }
0x41: {  	[sflag:s14] =	ssyncadd.s32 $0xFFFFFF80  }
0x42: {  	_ =	swait.ge [sflag:s14], $0x80  }
0x43: {  	[sflag:s14] =	ssyncset.done $0x0  }
0x44: {  	[sflag:s14] =	ssyncadd.s32 $0xFFFFFF80  }
0x45: {  	_ =	swait.ge [sflag:s14], $0x80  }
0x46: {  	s19 =	simm.s32 $0x2000;
	s17 =	simm.s32 $0x1000;
	[sflag:s14] =	ssyncset.done $0x0  }
.LBB2_2:
0x47: {  	s20 =	sshra.s32 s17, $0x2  }
0x48: {  	[sflag:s14] =	ssyncadd.s32 $0xFFFFFF80;
	s17 =	smov.u32 s19;
	s18 =	sadd.s32 $0x1000, s19  }
0x49: {  	[spmem:s2] =	stream.indirect.scatter.add.f32 [tilespmem:s12], [sflag:$0x1], $0x1, s20, s13, $0xb8;
	[tilespmem:$0x5580] =	vst v63  }
0x4a: {  	p0 =	sne.s32 s19, $0x13000;
	s19 =	sadd.s32 $0x80, s20  }
0x4b: {  	[spmem:s2] =	stream.indirect.scatter.add.f32 [tilespmem:s12], [sflag:$0x1], $0x1, s19, s13, $0xb8;
	[tilespmem:$0x5580] =	vst v63  }
0x4c: {  	s19 =	sadd.s32 $0x100, s20  }
0x4d: {  	[spmem:s2] =	stream.indirect.scatter.add.f32 [tilespmem:s12], [sflag:$0x1], $0x1, s19, s13, $0xb8;
	[tilespmem:$0x5580] =	vst v63  }
0x4e: {  	s19 =	sadd.s32 $0x180, s20  }
0x4f: {  	[spmem:s2] =	stream.indirect.scatter.add.f32 [tilespmem:s12], [sflag:$0x1], $0x1, s19, s13, $0xb8;
	[tilespmem:$0x5580] =	vst v63  }
0x50: {  	s19 =	sadd.s32 $0x200, s20  }
0x51: {  	[spmem:s2] =	stream.indirect.scatter.add.f32 [tilespmem:s12], [sflag:$0x1], $0x1, s19, s13, $0xb8;
	[tilespmem:$0x5580] =	vst v63  }
0x52: {  	s19 =	sadd.s32 $0x280, s20  }
0x53: {  	[spmem:s2] =	stream.indirect.scatter.add.f32 [tilespmem:s12], [sflag:$0x1], $0x1, s19, s13, $0xb8;
	[tilespmem:$0x5580] =	vst v63  }
0x54: {  	s19 =	sadd.s32 $0x300, s20  }
0x55: {  	[spmem:s2] =	stream.indirect.scatter.add.f32 [tilespmem:s12], [sflag:$0x1], $0x1, s19, s13, $0xb8;
	[tilespmem:$0x5580] =	vst v63  }
0x56: {  	s19 =	sadd.s32 $0x380, s20  }
0x57: {  	[spmem:s2] =	stream.indirect.scatter.add.f32 [tilespmem:s12], [sflag:$0x1], $0x1, s19, s13, $0xb8;
	[tilespmem:$0x5580] =	vst v63  }
0x58: {  	_ =	swait.ge [sflag:s14], $0x80  }
0x59: {  	[sflag:s14] =	ssyncset.done $0x0  }
0x5a: {  	[sflag:s14] =	ssyncadd.s32 $0xFFFFFF80  }
0x5b: {  	_ =	swait.ge [sflag:s14], $0x80  }
0x5c: {  	[sflag:s14] =	ssyncset.done $0x0  }
0x5d: {  	[sflag:s14] =	ssyncadd.s32 $0xFFFFFF80  }
0x5e: {  	_ =	swait.ge [sflag:s14], $0x80  }
0x5f: {  	[sflag:s14] =	ssyncset.done $0x0  }
0x60: {  	[sflag:s14] =	ssyncadd.s32 $0xFFFFFF80  }
0x61: {  	_ =	swait.ge [sflag:s14], $0x80  }
0x62: {  	[sflag:s14] =	ssyncset.done $0x0  }
0x63: {  	[sflag:s14] =	ssyncadd.s32 $0xFFFFFF80  }
0x64: {  	_ =	swait.ge [sflag:s14], $0x80  }
0x65: {  	[sflag:s14] =	ssyncset.done $0x0  }
0x66: {  	[sflag:s14] =	ssyncadd.s32 $0xFFFFFF80  }
0x67: {  	_ =	swait.ge [sflag:s14], $0x80  }
0x68: {  	[sflag:s14] =	ssyncset.done $0x0  }
0x69: {  	[sflag:s14] =	ssyncadd.s32 $0xFFFFFF80  }
.Ltmp0:
0x6a: {  	_ =	swait.ge [sflag:s14], $0x80;
	(pc) =	sbr.rel @p0 .LBB2_2-.Ltmp0, $4  }
0x6b: {  	[sflag:s14] =	ssyncset.done $0x0  }
0x6c: {  	[sflag:s14] =	ssyncadd.s32 $0xFFFFFF80  }
0x6d: {  	_ =	swait.ge [sflag:s14], $0x80  }
0x6e: {  	s19 =	smov.u32 s18;
	[sflag:s14] =	ssyncset.done $0x0  }
0x6f: {  	s17 =	sshra.s32 s17, $0x2;
	[sflag:s14] =	ssyncadd.s32 $0xFFFFFF80  }
0x70: {  	[spmem:s2] =	stream.indirect.scatter.add.f32 [tilespmem:s12], [sflag:$0x1], $0x1, s17, s13, $0xb8;
	[tilespmem:$0x5580] =	vst v63  }
0x71: {  	s18 =	sadd.s32 $0x80, s17  }
0x72: {  	[spmem:s2] =	stream.indirect.scatter.add.f32 [tilespmem:s12], [sflag:$0x1], $0x1, s18, s13, $0xb8;
	[tilespmem:$0x5580] =	vst v63  }
0x73: {  	s26 =	sadd.s32 $0x100, s17  }
0x74: {  	[spmem:s2] =	stream.indirect.scatter.add.f32 [tilespmem:s12], [sflag:$0x1], $0x1, s26, s13, $0xb8;
	[tilespmem:$0x5580] =	vst v63  }
0x75: {  	s28 =	sadd.s32 $0x180, s17  }
0x76: {  	[spmem:s2] =	stream.indirect.scatter.add.f32 [tilespmem:s12], [sflag:$0x1], $0x1, s28, s13, $0xb8;
	[tilespmem:$0x5580] =	vst v63  }
0x77: {  	s29 =	sadd.s32 $0x200, s17  }
0x78: {  	[spmem:s2] =	stream.indirect.scatter.add.f32 [tilespmem:s12], [sflag:$0x1], $0x1, s29, s13, $0xb8;
	[tilespmem:$0x5580] =	vst v63  }
0x79: {  	s30 =	sadd.s32 $0x280, s17  }
0x7a: {  	[spmem:s2] =	stream.indirect.scatter.add.f32 [tilespmem:s12], [sflag:$0x1], $0x1, s30, s13, $0xb8;
	[tilespmem:$0x5580] =	vst v63  }
0x7b: {  	s31 =	sadd.s32 $0x300, s17  }
0x7c: {  	[spmem:s2] =	stream.indirect.scatter.add.f32 [tilespmem:s12], [sflag:$0x1], $0x1, s31, s13, $0xb8;
	[tilespmem:$0x5580] =	vst v63  }
0x7d: {  	s17 =	sadd.s32 $0x380, s17  }
0x7e: {  	[spmem:s2] =	stream.indirect.scatter.add.f32 [tilespmem:s12], [sflag:$0x1], $0x1, s17, s13, $0xb8;
	[tilespmem:$0x5580] =	vst v63  }
0x7f: {  	_ =	swait.ge [sflag:s14], $0x80  }
0x80: {  	[sflag:s14] =	ssyncset.done $0x0  }
0x81: {  	[sflag:s14] =	ssyncadd.s32 $0xFFFFFF80  }
0x82: {  	_ =	swait.ge [sflag:s14], $0x80  }
0x83: {  	[sflag:s14] =	ssyncset.done $0x0  }
0x84: {  	[sflag:s14] =	ssyncadd.s32 $0xFFFFFF80  }
0x85: {  	_ =	swait.ge [sflag:s14], $0x80  }
0x86: {  	[sflag:s14] =	ssyncset.done $0x0  }
0x87: {  	[sflag:s14] =	ssyncadd.s32 $0xFFFFFF80  }
0x88: {  	_ =	swait.ge [sflag:s14], $0x80  }
0x89: {  	[sflag:s14] =	ssyncset.done $0x0  }
0x8a: {  	[sflag:s14] =	ssyncadd.s32 $0xFFFFFF80  }
0x8b: {  	_ =	swait.ge [sflag:s14], $0x80  }
0x8c: {  	[sflag:s14] =	ssyncset.done $0x0  }
0x8d: {  	[sflag:s14] =	ssyncadd.s32 $0xFFFFFF80  }
0x8e: {  	_ =	swait.ge [sflag:s14], $0x80  }
0x8f: {  	[sflag:s14] =	ssyncset.done $0x0  }
0x90: {  	[sflag:s14] =	ssyncadd.s32 $0xFFFFFF80  }
0x91: {  	_ =	swait.ge [sflag:s14], $0x80  }
0x92: {  	[sflag:s14] =	ssyncset.done $0x0  }
0x93: {  	[sflag:s14] =	ssyncadd.s32 $0xFFFFFF80  }
0x94: {  	_ =	swait.ge [sflag:s14], $0x80  }
0x95: {  	[sflag:s14] =	ssyncset.done $0x0  }
0x96: {  	[sflag:s14] =	ssyncadd.s32 $0xFFFFFF80  }
0x97: {  	[bflag:$0x0] =	sbarrier.arrive $0xFFFF  }
0x98: {  	[tilespmem:s10], [sflag:$0x2] =	stream.linear.gather [spmem:s6], $0x280, $0x38;
	[tilespmem:$0x5580] =	vst v63  }
0x99: {  	s16 =	sadd.s32 $0x1, s16;
	_ =	swait.ge [sflag:s11], $0x280  }
0x9a: {  	p0 =	sne.s32 s16, s9;
	[sflag:s11] =	ssyncset.done $0x0  }
.Ltmp1:
0x9b: {  	[sflag:s11] =	ssyncadd.s32 $0xFFFFFD80;
	(pc) =	sbr.rel @p0 .LBB2_1-.Ltmp1, $4  }
0x9c: {  	[hbm4b:s8+s13] =	stream.strided.scatter [tilespmem:s10], [sflag:$0x2], $0x280, s15, s13, $0x38;
	[tilespmem:$0x5580] =	vst v63  }
0x9d: {  	_ =	swait.ge [sflag:s11], $0x280  }
0x9e: {  	[sflag:s11] =	ssyncset.done $0x0  }
0x9f: {  	[sflag:s11] =	ssyncadd.s32 $0xFFFFFD80  }
0xa0: {  	_ =	sfence.sel $0x180000  }
0xa1: {  	[bflag:$0x0] =	sbarrier.arrive $0xFFFF  }
0xa2: {  	p0 =	sne.s32 s1, $0x0;
	_ =	strace $0x90000047  }
0xa3: {  	s0 =	sadd.s32 @!p0 $0x100000, s0;
	[bflag:$0x2] =	sbarrier.arrive $0xFFFF  }
0xa4: {  	[sflag:s0] =	ssyncadd.tile.s32 @!p0 $0x1;
	_ =	shalt  }
.Lfunc_end2:
_tile_overlayer_lowered:
.L_overlay_start_2:
0xa5: {  	(tag) =	ssettag $0x2  }
0xa6: {  	s0 =	rddreg [dreg:$0x0];
	s2 =	stileid.u32  }
0xa7: {  	s1 =	rddreg [dreg:$0x1];
	p0 =	sne.s32 s2, $0x0  }
0xa8: {  	s3 =	rddreg [dreg:$0x2];
	[bflag:$0x3] =	sbarrier.arrive $0xFFFF;
	s2 =	simm.s32 @!p0 $0x1C02  }
0xa9: {  	[timem:s3], [sflag:s2] =	dma.local @!p0 [hbm:s0], s1  }
0xaa: {  	s0 =	simm.s32 @!p0 $0x2  }
0xab: {  	_ =	swait.ge @!p0 [sflag:s0], s1  }
0xac: {  	s1 =	ssub.s32 @!p0 $0x0, s1;
	[sflag:s0] =	ssyncset.done @!p0 $0x0  }
0xad: {  	[sflag:s0] =	ssyncadd.s32 @!p0 s1  }
0xae: {  	[bflag:$0x3] =	sbarrier.arrive $0xFFFF  }
0xaf: {  	_ =	shalt  }

</sc_bundles>
